<compile_context>
chip_gen: v7x
topology: tpu7x:2x2x1
jax: 0.10.2.dev20260603
libtpu: 0.0.44.dev20260713+nightly
codegen_flags: <defaults>
</compile_context>

<pallas_src>
import functools

import jax
import jax.numpy as jnp
import numpy as np
from jax import lax
from jax.experimental import pallas as pl
from jax.experimental.pallas import tpu as pltpu
from jax.experimental.pallas import tpu_sc as plsc

B = 4096
F = 26
V = 1000
D = 32
NUM = 13
EPS = 1e-5

NC = 2
NS = 16
NW = NC * NS
BPW = B // NW
KB = 7
SUB = 4
RPW = KB * SUB * 128

_FIELDS = np.array(list(range(24)) + [22, 23, 24, 25], dtype=np.int32)

BC = 1024
GRID = B // BC


def _sc_gather(tab_flat, idx_in, rows, kb):
    sub = rows // NW // 32
    ipw = sub * 128
    mesh = plsc.VectorSubcoreMesh(core_axis_name="c", subcore_axis_name="s")

    @functools.partial(
        pl.kernel,
        out_type=jax.ShapeDtypeStruct((kb * rows * 4, D), jnp.float32),
        mesh=mesh,
        compiler_params=pltpu.CompilerParams(use_tc_tiling_on_sc=False),
        scratch_types=[
            pltpu.VMEM((kb, ipw), jnp.int32),
            pltpu.VMEM((kb, ipw, D), jnp.float32),
            pltpu.SemaphoreType.DMA,
        ],
    )
    def gather_kernel(tab_hbm, idx_hbm, out_hbm, idx_v, rows_v, sem):
        wid = lax.axis_index("s") * NC + lax.axis_index("c")
        pltpu.sync_copy(idx_hbm.at[wid], idx_v)
        handles = []
        for c in range(kb):
            for s in range(sub):
                handles.append(pltpu.async_copy(
                    tab_hbm.at[idx_v.at[c, pl.ds(s * 128, 128)]],
                    rows_v.at[c, pl.ds(s * 128, 128)], sem))
        for h in handles:
            h.wait()
        for c in range(kb):
            pltpu.sync_copy(
                rows_v.at[c],
                out_hbm.at[pl.ds(c * (rows * 4) + wid * ipw, ipw)])

    return gather_kernel(tab_flat, idx_in)


def _mlp_body(embA_ref, embB_ref, xn_ref,
              bn0w, bn0b, bn0rm, bn0rv,
              w1kb_ref, w1n_ref, b1_ref, bn1w, bn1b, bn1rm, bn1rv,
              w2_ref, b2_ref, bn2w, bn2b, bn2rm, bn2rv,
              w3_ref, b3_ref, bn3w, bn3b, bn3rm, bn3rv,
              wout_ref, bout_ref,
              out_ref,
              w1kb_bf, w1n_bf, w2_bf, w3_bf, wout_bf,
              beff1, beff2, beff3, beffo):
    bf16, f32 = jnp.bfloat16, jnp.float32

    @pl.when(pl.program_id(0) == 0)
    def _():
        s0 = bn0w[...] * lax.rsqrt(bn0rv[...] + EPS)
        t0 = bn0b[...] - bn0rm[...] * s0
        s1 = bn1w[...] * lax.rsqrt(bn1rv[...] + EPS)
        t1 = bn1b[...] - bn1rm[...] * s1
        s2 = bn2w[...] * lax.rsqrt(bn2rv[...] + EPS)
        t2 = bn2b[...] - bn2rm[...] * s2
        s3 = bn3w[...] * lax.rsqrt(bn3rv[...] + EPS)
        t3 = bn3b[...] - bn3rm[...] * s3
        w1kb_bf[...] = w1kb_ref[...].astype(bf16)
        w1n_bf[...] = (s0.reshape(16, 1) * w1n_ref[...]).astype(bf16)
        w2_bf[...] = (s1.reshape(1024, 1) * w2_ref[...]).astype(bf16)
        w3_bf[...] = (s2.reshape(512, 1) * w3_ref[...]).astype(bf16)
        wout_bf[...] = (s3.reshape(256, 1) * wout_ref[...]).astype(bf16)
        beff1[...] = b1_ref[...] + jnp.dot(t0, w1n_ref[...],
                                           preferred_element_type=f32)
        beff2[...] = b2_ref[...] + jnp.dot(t1, w2_ref[...],
                                           preferred_element_type=f32)
        beff3[...] = b3_ref[...] + jnp.dot(t2, w3_ref[...],
                                           preferred_element_type=f32)
        beffo[...] = bout_ref[...] + jnp.dot(t3, wout_ref[...],
                                             preferred_element_type=f32)

    z = jnp.dot(xn_ref[...].astype(bf16), w1n_bf[...],
                preferred_element_type=f32)
    groups = (
        (jnp.concatenate([embA_ref[c] for c in range(4)], axis=1),
         jnp.concatenate([w1kb_bf[c] for c in range(4)], axis=0)),
        (jnp.concatenate([embB_ref[0], embB_ref[1]], axis=1),
         jnp.concatenate([w1kb_bf[4], w1kb_bf[5]], axis=0)),
        (embB_ref[2], w1kb_bf[6]),
    )
    for lhs, rhs in groups:
        z = z + jnp.dot(lhs.astype(bf16), rhs, preferred_element_type=f32)
    h = jnp.maximum(z + beff1[...], 0.0)

    z = jnp.dot(h.astype(bf16), w2_bf[...], preferred_element_type=f32)
    h = jnp.maximum(z + beff2[...], 0.0)

    z = jnp.dot(h.astype(bf16), w3_bf[...], preferred_element_type=f32)
    h = jnp.maximum(z + beff3[...], 0.0)

    out_ref[...] = (jnp.dot(h.astype(bf16), wout_bf[...],
                            preferred_element_type=f32) + beffo[...])


def _row(v):
    return v.reshape(1, -1)


def kernel(X_Categorical, X_Numerical, tables, bn0_w, bn0_b, bn0_rm, bn0_rv,
           W1, b1, bn1_w, bn1_b, bn1_rm, bn1_rv,
           W2, b2, bn2_w, bn2_b, bn2_rm, bn2_rv,
           W3, b3, bn3_w, bn3_b, bn3_rm, bn3_rv,
           Wout, bout):
    HB = B // 2
    xc = X_Categorical.astype(jnp.int32)

    fieldsA = jnp.arange(16, dtype=jnp.int32)
    fieldsB = jnp.asarray(np.array([16, 17, 18, 19, 20, 21, 22, 23,
                                    22, 23, 24, 25], dtype=np.int32))
    idxA = xc[:, :16] + fieldsA[None, :] * V
    idxB = xc[:, fieldsB] + (fieldsB[None, :] - 16) * V

    def _rearrange(ia, kb):
        return (ia.reshape(2, NW, HB // NW, kb, 4)
                .transpose(0, 1, 3, 2, 4).reshape(2, NW, kb, HB // NW * 4))

    idxA = _rearrange(idxA, 4)
    idxB = _rearrange(idxB, 3)
    tabA = tables[:16].reshape(16 * V, D)
    tabB = tables[16:].reshape(10 * V, D)
    embA_h, embB_h = [], []
    for h in range(2):
        embA_h.append(_sc_gather(tabA, idxA[h], HB, 4).reshape(4, HB, 128))
        embB_h.append(_sc_gather(tabB, idxB[h], HB, 3).reshape(3, HB, 128))

    pad = 16 - NUM
    xn = jnp.pad(X_Numerical, ((0, 0), (0, pad)))
    w1e = W1[:F * D]
    w1kb = jnp.concatenate(
        [w1e[: 6 * 128].reshape(6, 128, 1024),
         jnp.concatenate([jnp.zeros((64, 1024), w1e.dtype),
                          w1e[768:832]])[None]], axis=0)
    w1n = jnp.pad(W1[F * D:], ((0, pad), (0, 0)))
    bn0w = _row(jnp.pad(bn0_w, (0, pad)))
    bn0b = _row(jnp.pad(bn0_b, (0, pad)))
    bn0rm = _row(jnp.pad(bn0_rm, (0, pad)))
    bn0rv = _row(jnp.pad(bn0_rv, (0, pad), constant_values=1.0))

    full = lambda a: pl.BlockSpec(a.shape, lambda i: (0,) * a.ndim)
    params = [w1kb, w1n, _row(b1), _row(bn1_w), _row(bn1_b), _row(bn1_rm), _row(bn1_rv),
              W2, _row(b2), _row(bn2_w), _row(bn2_b), _row(bn2_rm), _row(bn2_rv),
              W3, _row(b3), _row(bn3_w), _row(bn3_b), _row(bn3_rm), _row(bn3_rv),
              Wout, _row(bout)]
    bn0s = [bn0w, bn0b, bn0rm, bn0rv]

    def make_mlp(h):
        return pl.pallas_call(
            _mlp_body,
            grid=(HB // BC,),
            in_specs=([pl.BlockSpec((4, BC, 128), lambda i: (0, i, 0)),
                       pl.BlockSpec((3, BC, 128), lambda i: (0, i, 0)),
                       pl.BlockSpec((BC, 16),
                                    lambda i, h=h: (i + h * (HB // BC), 0))]
                      + [full(a) for a in bn0s + params]),
            out_specs=pl.BlockSpec((BC, 1), lambda i: (i, 0)),
            out_shape=jax.ShapeDtypeStruct((HB, 1), jnp.float32),
            scratch_shapes=[
                pltpu.VMEM((KB, 128, 1024), jnp.bfloat16),
                pltpu.VMEM((16, 1024), jnp.bfloat16),
                pltpu.VMEM((1024, 512), jnp.bfloat16),
                pltpu.VMEM((512, 256), jnp.bfloat16),
                pltpu.VMEM((256, 1), jnp.bfloat16),
                pltpu.VMEM((1, 1024), jnp.float32),
                pltpu.VMEM((1, 512), jnp.float32),
                pltpu.VMEM((1, 256), jnp.float32),
                pltpu.VMEM((1, 1), jnp.float32),
            ],
        )
    outs = [make_mlp(h)(embA_h[h], embB_h[h], xn, *bn0s, *params)
            for h in range(2)]
    return jnp.concatenate(outs, axis=0)

# --- scband reference (transcript-rebuilt; emitter-appended) ---
"""Pipeline reference for scband-fare-prediction-model-25838523253014 (READ-ONLY COPY).

The authoritative reference and input builder live on the scoring server;
editing this copy changes nothing except your own understanding.
"""

import jax, jax.numpy as jnp
import numpy as np

B = 4096
F = 26
V = 1000
D = 32
NUM = 13
EPS = 1e-5


def setup_inputs(seed: int = 0) -> dict:
    key = jax.random.key(seed)
    ks = jax.random.split(key, 32)
    inp = {}
    inp["X_Categorical"] = jax.random.randint(ks[0], (B, F), 0, V)
    inp["X_Numerical"] = jax.random.normal(ks[1], (B, NUM), dtype=jnp.float32)
    # embedding tables: 26 tables of shape [1000, 32], stacked
    inp["tables"] = jax.random.normal(ks[2], (F, V, D), dtype=jnp.float32) * 0.05
    # batchnorm over numeric features (eval mode: running stats)
    inp["bn0_w"] = jnp.ones((NUM,), dtype=jnp.float32)
    inp["bn0_b"] = jnp.zeros((NUM,), dtype=jnp.float32)
    inp["bn0_rm"] = jnp.zeros((NUM,), dtype=jnp.float32)
    inp["bn0_rv"] = jnp.ones((NUM,), dtype=jnp.float32)
    d_in = F * D + NUM  # 845
    dims = [d_in, 1024, 512, 256]
    kidx = 3
    for li in range(3):
        fan_in, fan_out = dims[li], dims[li + 1]
        inp[f"W{li+1}"] = jax.random.normal(ks[kidx], (fan_in, fan_out), dtype=jnp.float32) * (1.0 / np.sqrt(fan_in)); kidx += 1
        inp[f"b{li+1}"] = jnp.zeros((fan_out,), dtype=jnp.float32)
        inp[f"bn{li+1}_w"] = jnp.ones((fan_out,), dtype=jnp.float32)
        inp[f"bn{li+1}_b"] = jnp.zeros((fan_out,), dtype=jnp.float32)
        inp[f"bn{li+1}_rm"] = jnp.zeros((fan_out,), dtype=jnp.float32)
        inp[f"bn{li+1}_rv"] = jnp.ones((fan_out,), dtype=jnp.float32)
    inp["Wout"] = jax.random.normal(ks[kidx], (256, 1), dtype=jnp.float32) * (1.0 / np.sqrt(256.0))
    inp["bout"] = jnp.zeros((1,), dtype=jnp.float32)
    return inp


def _bn(x, w, b, rm, rv):
    return (x - rm) / jnp.sqrt(rv + EPS) * w + b


def reference(X_Categorical, X_Numerical, tables, bn0_w, bn0_b, bn0_rm, bn0_rv,
              W1, b1, bn1_w, bn1_b, bn1_rm, bn1_rv,
              W2, b2, bn2_w, bn2_b, bn2_rm, bn2_rv,
              W3, b3, bn3_w, bn3_b, bn3_rm, bn3_rv,
              Wout, bout):
    # eval-mode semantics: dropout = identity, batchnorm uses running stats
    Bsz, Fn = X_Categorical.shape
    field_ids = jnp.arange(Fn)[None, :]  # [1, F]
    emb = tables[field_ids, X_Categorical]  # gather -> [B, F, D]
    X = emb.reshape(Bsz, -1)
    xn = _bn(X_Numerical, bn0_w, bn0_b, bn0_rm, bn0_rv)
    X = jnp.concatenate([X, xn], axis=1)
    h = jax.nn.relu(X @ W1 + b1)
    h = _bn(h, bn1_w, bn1_b, bn1_rm, bn1_rv)
    h = jax.nn.relu(h @ W2 + b2)
    h = _bn(h, bn2_w, bn2_b, bn2_rm, bn2_rv)
    h = jax.nn.relu(h @ W3 + b3)
    h = _bn(h, bn3_w, bn3_b, bn3_rm, bn3_rv)
    return h @ Wout + bout

if __name__ == "__main__":
    import jax
    _d = setup_inputs()
    print(jax.jit(kernel)(*tuple(_d.values())))

</pallas_src>

<mosaic_0001>
#map = affine_map<(d0, d1) -> (0, 0)>
#map1 = affine_map<(d0, d1) -> (0, 0, 0)>
module attributes {stable_mosaic.version = 14 : i64} {
  func.func @gather_kernel(%arg0: i32, %arg1: i32, %arg2: memref<16000x32xf32, #tpu.memory_space<hbm>>, %arg3: memref<32x4x256xi32, #tpu.memory_space<hbm>>, %arg4: memref<32768x32xf32, #tpu.memory_space<hbm>>, %arg5: memref<4x256xi32, #tpu.memory_space<vmem>>, %arg6: memref<4x256x32xf32, #tpu.memory_space<vmem>>, %arg7: memref<!tpu.dma_semaphore, #tpu.memory_space<semaphore_mem>>) attributes {dimension_semantics = [#tpu.dimension_semantics<core_parallel>, #tpu.dimension_semantics<subcore_parallel>], iteration_bounds = array<i64: 2, 16>, scalar_prefetch = 0 : i64, scratch_operands = 3 : i64, tpu.core_type = #tpu.core_type<sc_vector_subcore>, window_params = [{transform_indices = #map}, {transform_indices = #map1}, {transform_indices = #map}]} {
    %mul3A = arith.constant 2 : i32
    %mul3A_0 = arith.muli %arg1, %mul3A : i32
    %add3A = arith.addi %mul3A_0, %arg0 : i32
    "tpu.region"() ({
      %run_scoped3A_210 = tpu.sem_alloc : memref<!tpu.dma_semaphore, #tpu.memory_space<semaphore_mem>>
      %dma_start3A_211 = arith.constant 0 : i32
      %dma_start3A_212 = arith.constant 0 : i32
      %dma_start3A_213 = tpu.memref_slice %arg3[%add3A, %dma_start3A_211, %dma_start3A_212] : memref<32x4x256xi32, #tpu.memory_space<hbm>> -> memref<1x4x256xi32, #tpu.memory_space<hbm>>
      %dma_start3A_214 = tpu.memref_squeeze %dma_start3A_213 : memref<1x4x256xi32, #tpu.memory_space<hbm>> -> memref<4x256xi32, #tpu.memory_space<hbm>>
      %dma_start3A_215 = arith.constant 0 : i32
      %dma_start3A_216 = arith.constant 0 : i32
      %dma_start3A_217 = tpu.memref_slice %arg3[%add3A, %dma_start3A_215, %dma_start3A_216] : memref<32x4x256xi32, #tpu.memory_space<hbm>> -> memref<1x4x256xi32, #tpu.memory_space<hbm>>
      %dma_start3A_218 = tpu.memref_squeeze %dma_start3A_217 : memref<1x4x256xi32, #tpu.memory_space<hbm>> -> memref<4x256xi32, #tpu.memory_space<hbm>>
      tpu.enqueue_dma source(%dma_start3A_218 : memref<4x256xi32, #tpu.memory_space<hbm>>) target(%arg5 : memref<4x256xi32, #tpu.memory_space<vmem>>) target_semaphore(%run_scoped3A_210 : memref<!tpu.dma_semaphore, #tpu.memory_space<semaphore_mem>>)
      %dma_wait3A_219 = arith.constant 0 : i32
      %dma_wait3A_220 = arith.constant 0 : i32
      %dma_wait3A_221 = tpu.memref_slice %arg3[%add3A, %dma_wait3A_219, %dma_wait3A_220] : memref<32x4x256xi32, #tpu.memory_space<hbm>> -> memref<1x4x256xi32, #tpu.memory_space<hbm>>
      %dma_wait3A_222 = tpu.memref_squeeze %dma_wait3A_221 : memref<1x4x256xi32, #tpu.memory_space<hbm>> -> memref<4x256xi32, #tpu.memory_space<hbm>>
      %dma_wait3A_223 = arith.constant 0 : i32
      %dma_wait3A_224 = arith.constant 0 : i32
      %dma_wait3A_225 = tpu.memref_slice %arg3[%add3A, %dma_wait3A_223, %dma_wait3A_224] : memref<32x4x256xi32, #tpu.memory_space<hbm>> -> memref<1x4x256xi32, #tpu.memory_space<hbm>>
      %dma_wait3A_226 = tpu.memref_squeeze %dma_wait3A_225 : memref<1x4x256xi32, #tpu.memory_space<hbm>> -> memref<4x256xi32, #tpu.memory_space<hbm>>
      tpu.wait_dma2 semaphore(%run_scoped3A_210 : memref<!tpu.dma_semaphore, #tpu.memory_space<semaphore_mem>>) src(%dma_wait3A_226 : memref<4x256xi32, #tpu.memory_space<hbm>>) dst(%arg5 : memref<4x256xi32, #tpu.memory_space<vmem>>)
      tpu.yield
    }) : () -> ()
    %dma_start3A = arith.constant 0 : i32
    %dma_start3A_1 = arith.constant 0 : i32
    %dma_start3A_2 = arith.constant 0 : i32
    %dma_start3A_3 = arith.constant 0 : i32
    %dma_start3A_4 = tpu.memref_slice %arg6[%dma_start3A_1, %dma_start3A_2, %dma_start3A_3] : memref<4x256x32xf32, #tpu.memory_space<vmem>> -> memref<1x128x32xf32, #tpu.memory_space<vmem>>
    %dma_start3A_5 = tpu.memref_squeeze %dma_start3A_4 : memref<1x128x32xf32, #tpu.memory_space<vmem>> -> memref<128x32xf32, #tpu.memory_space<vmem>>
    %dma_start3A_6 = arith.constant 0 : i32
    %dma_start3A_7 = tpu.memref_slice %arg5[%dma_start3A, %dma_start3A_6] : memref<4x256xi32, #tpu.memory_space<vmem>> -> memref<1x128xi32, #tpu.memory_space<vmem>>
    %dma_start3A_8 = tpu.memref_squeeze %dma_start3A_7 : memref<1x128xi32, #tpu.memory_space<vmem>> -> memref<128xi32, #tpu.memory_space<vmem>>
    %dma_start3A_9 = arith.constant 0 : i32
    %dma_start3A_10 = arith.constant 0 : i32
    %dma_start3A_11 = tpu.memref_slice %arg2[%dma_start3A_9, %dma_start3A_10] : memref<16000x32xf32, #tpu.memory_space<hbm>> -> memref<16000x32xf32, #tpu.memory_space<hbm>>
    tpu.enqueue_indirect_dma source(%dma_start3A_11 : memref<16000x32xf32, #tpu.memory_space<hbm>>) target(%dma_start3A_5 : memref<128x32xf32, #tpu.memory_space<vmem>>) offsets(%dma_start3A_8 : memref<128xi32, #tpu.memory_space<vmem>>) semaphore(%arg7 : memref<!tpu.dma_semaphore, #tpu.memory_space<semaphore_mem>>)
    %dma_start3A_12 = arith.constant 0 : i32
    %dma_start3A_13 = arith.constant 0 : i32
    %dma_start3A_14 = arith.constant 128 : i32
    %dma_start3A_15 = arith.constant 0 : i32
    %dma_start3A_16 = tpu.memref_slice %arg6[%dma_start3A_13, %dma_start3A_14, %dma_start3A_15] : memref<4x256x32xf32, #tpu.memory_space<vmem>> -> memref<1x128x32xf32, #tpu.memory_space<vmem>>
    %dma_start3A_17 = tpu.memref_squeeze %dma_start3A_16 : memref<1x128x32xf32, #tpu.memory_space<vmem>> -> memref<128x32xf32, #tpu.memory_space<vmem>>
    %dma_start3A_18 = arith.constant 128 : i32
    %dma_start3A_19 = tpu.memref_slice %arg5[%dma_start3A_12, %dma_start3A_18] : memref<4x256xi32, #tpu.memory_space<vmem>> -> memref<1x128xi32, #tpu.memory_space<vmem>>
    %dma_start3A_20 = tpu.memref_squeeze %dma_start3A_19 : memref<1x128xi32, #tpu.memory_space<vmem>> -> memref<128xi32, #tpu.memory_space<vmem>>
    %dma_start3A_21 = arith.constant 0 : i32
    %dma_start3A_22 = arith.constant 0 : i32
    %dma_start3A_23 = tpu.memref_slice %arg2[%dma_start3A_21, %dma_start3A_22] : memref<16000x32xf32, #tpu.memory_space<hbm>> -> memref<16000x32xf32, #tpu.memory_space<hbm>>
    tpu.enqueue_indirect_dma source(%dma_start3A_23 : memref<16000x32xf32, #tpu.memory_space<hbm>>) target(%dma_start3A_17 : memref<128x32xf32, #tpu.memory_space<vmem>>) offsets(%dma_start3A_20 : memref<128xi32, #tpu.memory_space<vmem>>) semaphore(%arg7 : memref<!tpu.dma_semaphore, #tpu.memory_space<semaphore_mem>>)
    %dma_start3A_24 = arith.constant 1 : i32
    %dma_start3A_25 = arith.constant 1 : i32
    %dma_start3A_26 = arith.constant 0 : i32
    %dma_start3A_27 = arith.constant 0 : i32
    %dma_start3A_28 = tpu.memref_slice %arg6[%dma_start3A_25, %dma_start3A_26, %dma_start3A_27] : memref<4x256x32xf32, #tpu.memory_space<vmem>> -> memref<1x128x32xf32, #tpu.memory_space<vmem>>
    %dma_start3A_29 = tpu.memref_squeeze %dma_start3A_28 : memref<1x128x32xf32, #tpu.memory_space<vmem>> -> memref<128x32xf32, #tpu.memory_space<vmem>>
    %dma_start3A_30 = arith.constant 0 : i32
    %dma_start3A_31 = tpu.memref_slice %arg5[%dma_start3A_24, %dma_start3A_30] : memref<4x256xi32, #tpu.memory_space<vmem>> -> memref<1x128xi32, #tpu.memory_space<vmem>>
    %dma_start3A_32 = tpu.memref_squeeze %dma_start3A_31 : memref<1x128xi32, #tpu.memory_space<vmem>> -> memref<128xi32, #tpu.memory_space<vmem>>
    %dma_start3A_33 = arith.constant 0 : i32
    %dma_start3A_34 = arith.constant 0 : i32
    %dma_start3A_35 = tpu.memref_slice %arg2[%dma_start3A_33, %dma_start3A_34] : memref<16000x32xf32, #tpu.memory_space<hbm>> -> memref<16000x32xf32, #tpu.memory_space<hbm>>
    tpu.enqueue_indirect_dma source(%dma_start3A_35 : memref<16000x32xf32, #tpu.memory_space<hbm>>) target(%dma_start3A_29 : memref<128x32xf32, #tpu.memory_space<vmem>>) offsets(%dma_start3A_32 : memref<128xi32, #tpu.memory_space<vmem>>) semaphore(%arg7 : memref<!tpu.dma_semaphore, #tpu.memory_space<semaphore_mem>>)
    %dma_start3A_36 = arith.constant 1 : i32
    %dma_start3A_37 = arith.constant 1 : i32
    %dma_start3A_38 = arith.constant 128 : i32
    %dma_start3A_39 = arith.constant 0 : i32
    %dma_start3A_40 = tpu.memref_slice %arg6[%dma_start3A_37, %dma_start3A_38, %dma_start3A_39] : memref<4x256x32xf32, #tpu.memory_space<vmem>> -> memref<1x128x32xf32, #tpu.memory_space<vmem>>
    %dma_start3A_41 = tpu.memref_squeeze %dma_start3A_40 : memref<1x128x32xf32, #tpu.memory_space<vmem>> -> memref<128x32xf32, #tpu.memory_space<vmem>>
    %dma_start3A_42 = arith.constant 128 : i32
    %dma_start3A_43 = tpu.memref_slice %arg5[%dma_start3A_36, %dma_start3A_42] : memref<4x256xi32, #tpu.memory_space<vmem>> -> memref<1x128xi32, #tpu.memory_space<vmem>>
    %dma_start3A_44 = tpu.memref_squeeze %dma_start3A_43 : memref<1x128xi32, #tpu.memory_space<vmem>> -> memref<128xi32, #tpu.memory_space<vmem>>
    %dma_start3A_45 = arith.constant 0 : i32
    %dma_start3A_46 = arith.constant 0 : i32
    %dma_start3A_47 = tpu.memref_slice %arg2[%dma_start3A_45, %dma_start3A_46] : memref<16000x32xf32, #tpu.memory_space<hbm>> -> memref<16000x32xf32, #tpu.memory_space<hbm>>
    tpu.enqueue_indirect_dma source(%dma_start3A_47 : memref<16000x32xf32, #tpu.memory_space<hbm>>) target(%dma_start3A_41 : memref<128x32xf32, #tpu.memory_space<vmem>>) offsets(%dma_start3A_44 : memref<128xi32, #tpu.memory_space<vmem>>) semaphore(%arg7 : memref<!tpu.dma_semaphore, #tpu.memory_space<semaphore_mem>>)
    %dma_start3A_48 = arith.constant 2 : i32
    %dma_start3A_49 = arith.constant 2 : i32
    %dma_start3A_50 = arith.constant 0 : i32
    %dma_start3A_51 = arith.constant 0 : i32
    %dma_start3A_52 = tpu.memref_slice %arg6[%dma_start3A_49, %dma_start3A_50, %dma_start3A_51] : memref<4x256x32xf32, #tpu.memory_space<vmem>> -> memref<1x128x32xf32, #tpu.memory_space<vmem>>
    %dma_start3A_53 = tpu.memref_squeeze %dma_start3A_52 : memref<1x128x32xf32, #tpu.memory_space<vmem>> -> memref<128x32xf32, #tpu.memory_space<vmem>>
    %dma_start3A_54 = arith.constant 0 : i32
    %dma_start3A_55 = tpu.memref_slice %arg5[%dma_start3A_48, %dma_start3A_54] : memref<4x256xi32, #tpu.memory_space<vmem>> -> memref<1x128xi32, #tpu.memory_space<vmem>>
    %dma_start3A_56 = tpu.memref_squeeze %dma_start3A_55 : memref<1x128xi32, #tpu.memory_space<vmem>> -> memref<128xi32, #tpu.memory_space<vmem>>
    %dma_start3A_57 = arith.constant 0 : i32
    %dma_start3A_58 = arith.constant 0 : i32
    %dma_start3A_59 = tpu.memref_slice %arg2[%dma_start3A_57, %dma_start3A_58] : memref<16000x32xf32, #tpu.memory_space<hbm>> -> memref<16000x32xf32, #tpu.memory_space<hbm>>
    tpu.enqueue_indirect_dma source(%dma_start3A_59 : memref<16000x32xf32, #tpu.memory_space<hbm>>) target(%dma_start3A_53 : memref<128x32xf32, #tpu.memory_space<vmem>>) offsets(%dma_start3A_56 : memref<128xi32, #tpu.memory_space<vmem>>) semaphore(%arg7 : memref<!tpu.dma_semaphore, #tpu.memory_space<semaphore_mem>>)
    %dma_start3A_60 = arith.constant 2 : i32
    %dma_start3A_61 = arith.constant 2 : i32
    %dma_start3A_62 = arith.constant 128 : i32
    %dma_start3A_63 = arith.constant 0 : i32
    %dma_start3A_64 = tpu.memref_slice %arg6[%dma_start3A_61, %dma_start3A_62, %dma_start3A_63] : memref<4x256x32xf32, #tpu.memory_space<vmem>> -> memref<1x128x32xf32, #tpu.memory_space<vmem>>
    %dma_start3A_65 = tpu.memref_squeeze %dma_start3A_64 : memref<1x128x32xf32, #tpu.memory_space<vmem>> -> memref<128x32xf32, #tpu.memory_space<vmem>>
    %dma_start3A_66 = arith.constant 128 : i32
    %dma_start3A_67 = tpu.memref_slice %arg5[%dma_start3A_60, %dma_start3A_66] : memref<4x256xi32, #tpu.memory_space<vmem>> -> memref<1x128xi32, #tpu.memory_space<vmem>>
    %dma_start3A_68 = tpu.memref_squeeze %dma_start3A_67 : memref<1x128xi32, #tpu.memory_space<vmem>> -> memref<128xi32, #tpu.memory_space<vmem>>
    %dma_start3A_69 = arith.constant 0 : i32
    %dma_start3A_70 = arith.constant 0 : i32
    %dma_start3A_71 = tpu.memref_slice %arg2[%dma_start3A_69, %dma_start3A_70] : memref<16000x32xf32, #tpu.memory_space<hbm>> -> memref<16000x32xf32, #tpu.memory_space<hbm>>
    tpu.enqueue_indirect_dma source(%dma_start3A_71 : memref<16000x32xf32, #tpu.memory_space<hbm>>) target(%dma_start3A_65 : memref<128x32xf32, #tpu.memory_space<vmem>>) offsets(%dma_start3A_68 : memref<128xi32, #tpu.memory_space<vmem>>) semaphore(%arg7 : memref<!tpu.dma_semaphore, #tpu.memory_space<semaphore_mem>>)
    %dma_start3A_72 = arith.constant 3 : i32
    %dma_start3A_73 = arith.constant 3 : i32
    %dma_start3A_74 = arith.constant 0 : i32
    %dma_start3A_75 = arith.constant 0 : i32
    %dma_start3A_76 = tpu.memref_slice %arg6[%dma_start3A_73, %dma_start3A_74, %dma_start3A_75] : memref<4x256x32xf32, #tpu.memory_space<vmem>> -> memref<1x128x32xf32, #tpu.memory_space<vmem>>
    %dma_start3A_77 = tpu.memref_squeeze %dma_start3A_76 : memref<1x128x32xf32, #tpu.memory_space<vmem>> -> memref<128x32xf32, #tpu.memory_space<vmem>>
    %dma_start3A_78 = arith.constant 0 : i32
    %dma_start3A_79 = tpu.memref_slice %arg5[%dma_start3A_72, %dma_start3A_78] : memref<4x256xi32, #tpu.memory_space<vmem>> -> memref<1x128xi32, #tpu.memory_space<vmem>>
    %dma_start3A_80 = tpu.memref_squeeze %dma_start3A_79 : memref<1x128xi32, #tpu.memory_space<vmem>> -> memref<128xi32, #tpu.memory_space<vmem>>
    %dma_start3A_81 = arith.constant 0 : i32
    %dma_start3A_82 = arith.constant 0 : i32
    %dma_start3A_83 = tpu.memref_slice %arg2[%dma_start3A_81, %dma_start3A_82] : memref<16000x32xf32, #tpu.memory_space<hbm>> -> memref<16000x32xf32, #tpu.memory_space<hbm>>
    tpu.enqueue_indirect_dma source(%dma_start3A_83 : memref<16000x32xf32, #tpu.memory_space<hbm>>) target(%dma_start3A_77 : memref<128x32xf32, #tpu.memory_space<vmem>>) offsets(%dma_start3A_80 : memref<128xi32, #tpu.memory_space<vmem>>) semaphore(%arg7 : memref<!tpu.dma_semaphore, #tpu.memory_space<semaphore_mem>>)
    %dma_start3A_84 = arith.constant 3 : i32
    %dma_start3A_85 = arith.constant 3 : i32
    %dma_start3A_86 = arith.constant 128 : i32
    %dma_start3A_87 = arith.constant 0 : i32
    %dma_start3A_88 = tpu.memref_slice %arg6[%dma_start3A_85, %dma_start3A_86, %dma_start3A_87] : memref<4x256x32xf32, #tpu.memory_space<vmem>> -> memref<1x128x32xf32, #tpu.memory_space<vmem>>
    %dma_start3A_89 = tpu.memref_squeeze %dma_start3A_88 : memref<1x128x32xf32, #tpu.memory_space<vmem>> -> memref<128x32xf32, #tpu.memory_space<vmem>>
    %dma_start3A_90 = arith.constant 128 : i32
    %dma_start3A_91 = tpu.memref_slice %arg5[%dma_start3A_84, %dma_start3A_90] : memref<4x256xi32, #tpu.memory_space<vmem>> -> memref<1x128xi32, #tpu.memory_space<vmem>>
    %dma_start3A_92 = tpu.memref_squeeze %dma_start3A_91 : memref<1x128xi32, #tpu.memory_space<vmem>> -> memref<128xi32, #tpu.memory_space<vmem>>
    %dma_start3A_93 = arith.constant 0 : i32
    %dma_start3A_94 = arith.constant 0 : i32
    %dma_start3A_95 = tpu.memref_slice %arg2[%dma_start3A_93, %dma_start3A_94] : memref<16000x32xf32, #tpu.memory_space<hbm>> -> memref<16000x32xf32, #tpu.memory_space<hbm>>
    tpu.enqueue_indirect_dma source(%dma_start3A_95 : memref<16000x32xf32, #tpu.memory_space<hbm>>) target(%dma_start3A_89 : memref<128x32xf32, #tpu.memory_space<vmem>>) offsets(%dma_start3A_92 : memref<128xi32, #tpu.memory_space<vmem>>) semaphore(%arg7 : memref<!tpu.dma_semaphore, #tpu.memory_space<semaphore_mem>>)
    %dma_wait3A = arith.constant 0 : i32
    %dma_wait3A_96 = arith.constant 0 : i32
    %dma_wait3A_97 = arith.constant 0 : i32
    %dma_wait3A_98 = arith.constant 0 : i32
    %dma_wait3A_99 = tpu.memref_slice %arg6[%dma_wait3A_96, %dma_wait3A_97, %dma_wait3A_98] : memref<4x256x32xf32, #tpu.memory_space<vmem>> -> memref<1x128x32xf32, #tpu.memory_space<vmem>>
    %dma_wait3A_100 = tpu.memref_squeeze %dma_wait3A_99 : memref<1x128x32xf32, #tpu.memory_space<vmem>> -> memref<128x32xf32, #tpu.memory_space<vmem>>
    %dma_wait3A_101 = arith.constant 0 : i32
    %dma_wait3A_102 = tpu.memref_slice %arg5[%dma_wait3A, %dma_wait3A_101] : memref<4x256xi32, #tpu.memory_space<vmem>> -> memref<1x128xi32, #tpu.memory_space<vmem>>
    %dma_wait3A_103 = tpu.memref_squeeze %dma_wait3A_102 : memref<1x128xi32, #tpu.memory_space<vmem>> -> memref<128xi32, #tpu.memory_space<vmem>>
    %dma_wait3A_104 = arith.constant 0 : i32
    %dma_wait3A_105 = arith.constant 0 : i32
    %dma_wait3A_106 = tpu.memref_slice %arg2[%dma_wait3A_104, %dma_wait3A_105] : memref<16000x32xf32, #tpu.memory_space<hbm>> -> memref<16000x32xf32, #tpu.memory_space<hbm>>
    tpu.wait_indirect_dma semaphore(%arg7 : memref<!tpu.dma_semaphore, #tpu.memory_space<semaphore_mem>>) src(%dma_wait3A_106 : memref<16000x32xf32, #tpu.memory_space<hbm>>) dst(%dma_wait3A_100 : memref<128x32xf32, #tpu.memory_space<vmem>>)
    %dma_wait3A_107 = arith.constant 0 : i32
    %dma_wait3A_108 = arith.constant 0 : i32
    %dma_wait3A_109 = arith.constant 128 : i32
    %dma_wait3A_110 = arith.constant 0 : i32
    %dma_wait3A_111 = tpu.memref_slice %arg6[%dma_wait3A_108, %dma_wait3A_109, %dma_wait3A_110] : memref<4x256x32xf32, #tpu.memory_space<vmem>> -> memref<1x128x32xf32, #tpu.memory_space<vmem>>
    %dma_wait3A_112 = tpu.memref_squeeze %dma_wait3A_111 : memref<1x128x32xf32, #tpu.memory_space<vmem>> -> memref<128x32xf32, #tpu.memory_space<vmem>>
    %dma_wait3A_113 = arith.constant 128 : i32
    %dma_wait3A_114 = tpu.memref_slice %arg5[%dma_wait3A_107, %dma_wait3A_113] : memref<4x256xi32, #tpu.memory_space<vmem>> -> memref<1x128xi32, #tpu.memory_space<vmem>>
    %dma_wait3A_115 = tpu.memref_squeeze %dma_wait3A_114 : memref<1x128xi32, #tpu.memory_space<vmem>> -> memref<128xi32, #tpu.memory_space<vmem>>
    %dma_wait3A_116 = arith.constant 0 : i32
    %dma_wait3A_117 = arith.constant 0 : i32
    %dma_wait3A_118 = tpu.memref_slice %arg2[%dma_wait3A_116, %dma_wait3A_117] : memref<16000x32xf32, #tpu.memory_space<hbm>> -> memref<16000x32xf32, #tpu.memory_space<hbm>>
    tpu.wait_indirect_dma semaphore(%arg7 : memref<!tpu.dma_semaphore, #tpu.memory_space<semaphore_mem>>) src(%dma_wait3A_118 : memref<16000x32xf32, #tpu.memory_space<hbm>>) dst(%dma_wait3A_112 : memref<128x32xf32, #tpu.memory_space<vmem>>)
    %dma_wait3A_119 = arith.constant 1 : i32
    %dma_wait3A_120 = arith.constant 1 : i32
    %dma_wait3A_121 = arith.constant 0 : i32
    %dma_wait3A_122 = arith.constant 0 : i32
    %dma_wait3A_123 = tpu.memref_slice %arg6[%dma_wait3A_120, %dma_wait3A_121, %dma_wait3A_122] : memref<4x256x32xf32, #tpu.memory_space<vmem>> -> memref<1x128x32xf32, #tpu.memory_space<vmem>>
    %dma_wait3A_124 = tpu.memref_squeeze %dma_wait3A_123 : memref<1x128x32xf32, #tpu.memory_space<vmem>> -> memref<128x32xf32, #tpu.memory_space<vmem>>
    %dma_wait3A_125 = arith.constant 0 : i32
    %dma_wait3A_126 = tpu.memref_slice %arg5[%dma_wait3A_119, %dma_wait3A_125] : memref<4x256xi32, #tpu.memory_space<vmem>> -> memref<1x128xi32, #tpu.memory_space<vmem>>
    %dma_wait3A_127 = tpu.memref_squeeze %dma_wait3A_126 : memref<1x128xi32, #tpu.memory_space<vmem>> -> memref<128xi32, #tpu.memory_space<vmem>>
    %dma_wait3A_128 = arith.constant 0 : i32
    %dma_wait3A_129 = arith.constant 0 : i32
    %dma_wait3A_130 = tpu.memref_slice %arg2[%dma_wait3A_128, %dma_wait3A_129] : memref<16000x32xf32, #tpu.memory_space<hbm>> -> memref<16000x32xf32, #tpu.memory_space<hbm>>
    tpu.wait_indirect_dma semaphore(%arg7 : memref<!tpu.dma_semaphore, #tpu.memory_space<semaphore_mem>>) src(%dma_wait3A_130 : memref<16000x32xf32, #tpu.memory_space<hbm>>) dst(%dma_wait3A_124 : memref<128x32xf32, #tpu.memory_space<vmem>>)
    %dma_wait3A_131 = arith.constant 1 : i32
    %dma_wait3A_132 = arith.constant 1 : i32
    %dma_wait3A_133 = arith.constant 128 : i32
    %dma_wait3A_134 = arith.constant 0 : i32
    %dma_wait3A_135 = tpu.memref_slice %arg6[%dma_wait3A_132, %dma_wait3A_133, %dma_wait3A_134] : memref<4x256x32xf32, #tpu.memory_space<vmem>> -> memref<1x128x32xf32, #tpu.memory_space<vmem>>
    %dma_wait3A_136 = tpu.memref_squeeze %dma_wait3A_135 : memref<1x128x32xf32, #tpu.memory_space<vmem>> -> memref<128x32xf32, #tpu.memory_space<vmem>>
    %dma_wait3A_137 = arith.constant 128 : i32
    %dma_wait3A_138 = tpu.memref_slice %arg5[%dma_wait3A_131, %dma_wait3A_137] : memref<4x256xi32, #tpu.memory_space<vmem>> -> memref<1x128xi32, #tpu.memory_space<vmem>>
    %dma_wait3A_139 = tpu.memref_squeeze %dma_wait3A_138 : memref<1x128xi32, #tpu.memory_space<vmem>> -> memref<128xi32, #tpu.memory_space<vmem>>
    %dma_wait3A_140 = arith.constant 0 : i32
    %dma_wait3A_141 = arith.constant 0 : i32
    %dma_wait3A_142 = tpu.memref_slice %arg2[%dma_wait3A_140, %dma_wait3A_141] : memref<16000x32xf32, #tpu.memory_space<hbm>> -> memref<16000x32xf32, #tpu.memory_space<hbm>>
    tpu.wait_indirect_dma semaphore(%arg7 : memref<!tpu.dma_semaphore, #tpu.memory_space<semaphore_mem>>) src(%dma_wait3A_142 : memref<16000x32xf32, #tpu.memory_space<hbm>>) dst(%dma_wait3A_136 : memref<128x32xf32, #tpu.memory_space<vmem>>)
    %dma_wait3A_143 = arith.constant 2 : i32
    %dma_wait3A_144 = arith.constant 2 : i32
    %dma_wait3A_145 = arith.constant 0 : i32
    %dma_wait3A_146 = arith.constant 0 : i32
    %dma_wait3A_147 = tpu.memref_slice %arg6[%dma_wait3A_144, %dma_wait3A_145, %dma_wait3A_146] : memref<4x256x32xf32, #tpu.memory_space<vmem>> -> memref<1x128x32xf32, #tpu.memory_space<vmem>>
    %dma_wait3A_148 = tpu.memref_squeeze %dma_wait3A_147 : memref<1x128x32xf32, #tpu.memory_space<vmem>> -> memref<128x32xf32, #tpu.memory_space<vmem>>
    %dma_wait3A_149 = arith.constant 0 : i32
    %dma_wait3A_150 = tpu.memref_slice %arg5[%dma_wait3A_143, %dma_wait3A_149] : memref<4x256xi32, #tpu.memory_space<vmem>> -> memref<1x128xi32, #tpu.memory_space<vmem>>
    %dma_wait3A_151 = tpu.memref_squeeze %dma_wait3A_150 : memref<1x128xi32, #tpu.memory_space<vmem>> -> memref<128xi32, #tpu.memory_space<vmem>>
    %dma_wait3A_152 = arith.constant 0 : i32
    %dma_wait3A_153 = arith.constant 0 : i32
    %dma_wait3A_154 = tpu.memref_slice %arg2[%dma_wait3A_152, %dma_wait3A_153] : memref<16000x32xf32, #tpu.memory_space<hbm>> -> memref<16000x32xf32, #tpu.memory_space<hbm>>
    tpu.wait_indirect_dma semaphore(%arg7 : memref<!tpu.dma_semaphore, #tpu.memory_space<semaphore_mem>>) src(%dma_wait3A_154 : memref<16000x32xf32, #tpu.memory_space<hbm>>) dst(%dma_wait3A_148 : memref<128x32xf32, #tpu.memory_space<vmem>>)
    %dma_wait3A_155 = arith.constant 2 : i32
    %dma_wait3A_156 = arith.constant 2 : i32
    %dma_wait3A_157 = arith.constant 128 : i32
    %dma_wait3A_158 = arith.constant 0 : i32
    %dma_wait3A_159 = tpu.memref_slice %arg6[%dma_wait3A_156, %dma_wait3A_157, %dma_wait3A_158] : memref<4x256x32xf32, #tpu.memory_space<vmem>> -> memref<1x128x32xf32, #tpu.memory_space<vmem>>
    %dma_wait3A_160 = tpu.memref_squeeze %dma_wait3A_159 : memref<1x128x32xf32, #tpu.memory_space<vmem>> -> memref<128x32xf32, #tpu.memory_space<vmem>>
    %dma_wait3A_161 = arith.constant 128 : i32
    %dma_wait3A_162 = tpu.memref_slice %arg5[%dma_wait3A_155, %dma_wait3A_161] : memref<4x256xi32, #tpu.memory_space<vmem>> -> memref<1x128xi32, #tpu.memory_space<vmem>>
    %dma_wait3A_163 = tpu.memref_squeeze %dma_wait3A_162 : memref<1x128xi32, #tpu.memory_space<vmem>> -> memref<128xi32, #tpu.memory_space<vmem>>
    %dma_wait3A_164 = arith.constant 0 : i32
    %dma_wait3A_165 = arith.constant 0 : i32
    %dma_wait3A_166 = tpu.memref_slice %arg2[%dma_wait3A_164, %dma_wait3A_165] : memref<16000x32xf32, #tpu.memory_space<hbm>> -> memref<16000x32xf32, #tpu.memory_space<hbm>>
    tpu.wait_indirect_dma semaphore(%arg7 : memref<!tpu.dma_semaphore, #tpu.memory_space<semaphore_mem>>) src(%dma_wait3A_166 : memref<16000x32xf32, #tpu.memory_space<hbm>>) dst(%dma_wait3A_160 : memref<128x32xf32, #tpu.memory_space<vmem>>)
    %dma_wait3A_167 = arith.constant 3 : i32
    %dma_wait3A_168 = arith.constant 3 : i32
    %dma_wait3A_169 = arith.constant 0 : i32
    %dma_wait3A_170 = arith.constant 0 : i32
    %dma_wait3A_171 = tpu.memref_slice %arg6[%dma_wait3A_168, %dma_wait3A_169, %dma_wait3A_170] : memref<4x256x32xf32, #tpu.memory_space<vmem>> -> memref<1x128x32xf32, #tpu.memory_space<vmem>>
    %dma_wait3A_172 = tpu.memref_squeeze %dma_wait3A_171 : memref<1x128x32xf32, #tpu.memory_space<vmem>> -> memref<128x32xf32, #tpu.memory_space<vmem>>
    %dma_wait3A_173 = arith.constant 0 : i32
    %dma_wait3A_174 = tpu.memref_slice %arg5[%dma_wait3A_167, %dma_wait3A_173] : memref<4x256xi32, #tpu.memory_space<vmem>> -> memref<1x128xi32, #tpu.memory_space<vmem>>
    %dma_wait3A_175 = tpu.memref_squeeze %dma_wait3A_174 : memref<1x128xi32, #tpu.memory_space<vmem>> -> memref<128xi32, #tpu.memory_space<vmem>>
    %dma_wait3A_176 = arith.constant 0 : i32
    %dma_wait3A_177 = arith.constant 0 : i32
    %dma_wait3A_178 = tpu.memref_slice %arg2[%dma_wait3A_176, %dma_wait3A_177] : memref<16000x32xf32, #tpu.memory_space<hbm>> -> memref<16000x32xf32, #tpu.memory_space<hbm>>
    tpu.wait_indirect_dma semaphore(%arg7 : memref<!tpu.dma_semaphore, #tpu.memory_space<semaphore_mem>>) src(%dma_wait3A_178 : memref<16000x32xf32, #tpu.memory_space<hbm>>) dst(%dma_wait3A_172 : memref<128x32xf32, #tpu.memory_space<vmem>>)
    %dma_wait3A_179 = arith.constant 3 : i32
    %dma_wait3A_180 = arith.constant 3 : i32
    %dma_wait3A_181 = arith.constant 128 : i32
    %dma_wait3A_182 = arith.constant 0 : i32
    %dma_wait3A_183 = tpu.memref_slice %arg6[%dma_wait3A_180, %dma_wait3A_181, %dma_wait3A_182] : memref<4x256x32xf32, #tpu.memory_space<vmem>> -> memref<1x128x32xf32, #tpu.memory_space<vmem>>
    %dma_wait3A_184 = tpu.memref_squeeze %dma_wait3A_183 : memref<1x128x32xf32, #tpu.memory_space<vmem>> -> memref<128x32xf32, #tpu.memory_space<vmem>>
    %dma_wait3A_185 = arith.constant 128 : i32
    %dma_wait3A_186 = tpu.memref_slice %arg5[%dma_wait3A_179, %dma_wait3A_185] : memref<4x256xi32, #tpu.memory_space<vmem>> -> memref<1x128xi32, #tpu.memory_space<vmem>>
    %dma_wait3A_187 = tpu.memref_squeeze %dma_wait3A_186 : memref<1x128xi32, #tpu.memory_space<vmem>> -> memref<128xi32, #tpu.memory_space<vmem>>
    %dma_wait3A_188 = arith.constant 0 : i32
    %dma_wait3A_189 = arith.constant 0 : i32
    %dma_wait3A_190 = tpu.memref_slice %arg2[%dma_wait3A_188, %dma_wait3A_189] : memref<16000x32xf32, #tpu.memory_space<hbm>> -> memref<16000x32xf32, #tpu.memory_space<hbm>>
    tpu.wait_indirect_dma semaphore(%arg7 : memref<!tpu.dma_semaphore, #tpu.memory_space<semaphore_mem>>) src(%dma_wait3A_190 : memref<16000x32xf32, #tpu.memory_space<hbm>>) dst(%dma_wait3A_184 : memref<128x32xf32, #tpu.memory_space<vmem>>)
    %mul3A_191 = arith.constant 256 : i32
    %mul3A_192 = arith.muli %add3A, %mul3A_191 : i32
    %add3A_193 = arith.constant 0 : i32
    %add3A_194 = arith.addi %add3A_193, %mul3A_192 : i32
    %run_scoped3A = arith.constant 0 : i32
    "tpu.region"() ({
      %run_scoped3A_210 = tpu.sem_alloc : memref<!tpu.dma_semaphore, #tpu.memory_space<semaphore_mem>>
      %dma_start3A_211 = arith.constant 0 : i32
      %dma_start3A_212 = arith.constant 0 : i32
      %dma_start3A_213 = tpu.memref_slice %arg6[%run_scoped3A, %dma_start3A_211, %dma_start3A_212] : memref<4x256x32xf32, #tpu.memory_space<vmem>> -> memref<1x256x32xf32, #tpu.memory_space<vmem>>
      %dma_start3A_214 = tpu.memref_squeeze %dma_start3A_213 : memref<1x256x32xf32, #tpu.memory_space<vmem>> -> memref<256x32xf32, #tpu.memory_space<vmem>>
      %dma_start3A_215 = arith.constant 0 : i32
      %dma_start3A_216 = tpu.memref_slice %arg4[%add3A_194, %dma_start3A_215] : memref<32768x32xf32, #tpu.memory_space<hbm>> -> memref<256x32xf32, #tpu.memory_space<hbm>>
      %dma_start3A_217 = arith.constant 0 : i32
      %dma_start3A_218 = tpu.memref_slice %arg4[%add3A_194, %dma_start3A_217] : memref<32768x32xf32, #tpu.memory_space<hbm>> -> memref<256x32xf32, #tpu.memory_space<hbm>>
      %dma_start3A_219 = arith.constant 0 : i32
      %dma_start3A_220 = arith.constant 0 : i32
      %dma_start3A_221 = tpu.memref_slice %arg6[%run_scoped3A, %dma_start3A_219, %dma_start3A_220] : memref<4x256x32xf32, #tpu.memory_space<vmem>> -> memref<1x256x32xf32, #tpu.memory_space<vmem>>
      %dma_start3A_222 = tpu.memref_squeeze %dma_start3A_221 : memref<1x256x32xf32, #tpu.memory_space<vmem>> -> memref<256x32xf32, #tpu.memory_space<vmem>>
      tpu.enqueue_dma source(%dma_start3A_222 : memref<256x32xf32, #tpu.memory_space<vmem>>) target(%dma_start3A_218 : memref<256x32xf32, #tpu.memory_space<hbm>>) target_semaphore(%run_scoped3A_210 : memref<!tpu.dma_semaphore, #tpu.memory_space<semaphore_mem>>)
      %dma_wait3A_223 = arith.constant 0 : i32
      %dma_wait3A_224 = arith.constant 0 : i32
      %dma_wait3A_225 = tpu.memref_slice %arg6[%run_scoped3A, %dma_wait3A_223, %dma_wait3A_224] : memref<4x256x32xf32, #tpu.memory_space<vmem>> -> memref<1x256x32xf32, #tpu.memory_space<vmem>>
      %dma_wait3A_226 = tpu.memref_squeeze %dma_wait3A_225 : memref<1x256x32xf32, #tpu.memory_space<vmem>> -> memref<256x32xf32, #tpu.memory_space<vmem>>
      %dma_wait3A_227 = arith.constant 0 : i32
      %dma_wait3A_228 = tpu.memref_slice %arg4[%add3A_194, %dma_wait3A_227] : memref<32768x32xf32, #tpu.memory_space<hbm>> -> memref<256x32xf32, #tpu.memory_space<hbm>>
      %dma_wait3A_229 = arith.constant 0 : i32
      %dma_wait3A_230 = tpu.memref_slice %arg4[%add3A_194, %dma_wait3A_229] : memref<32768x32xf32, #tpu.memory_space<hbm>> -> memref<256x32xf32, #tpu.memory_space<hbm>>
      %dma_wait3A_231 = arith.constant 0 : i32
      %dma_wait3A_232 = arith.constant 0 : i32
      %dma_wait3A_233 = tpu.memref_slice %arg6[%run_scoped3A, %dma_wait3A_231, %dma_wait3A_232] : memref<4x256x32xf32, #tpu.memory_space<vmem>> -> memref<1x256x32xf32, #tpu.memory_space<vmem>>
      %dma_wait3A_234 = tpu.memref_squeeze %dma_wait3A_233 : memref<1x256x32xf32, #tpu.memory_space<vmem>> -> memref<256x32xf32, #tpu.memory_space<vmem>>
      tpu.wait_dma2 semaphore(%run_scoped3A_210 : memref<!tpu.dma_semaphore, #tpu.memory_space<semaphore_mem>>) src(%dma_wait3A_234 : memref<256x32xf32, #tpu.memory_space<vmem>>) dst(%dma_wait3A_230 : memref<256x32xf32, #tpu.memory_space<hbm>>)
      tpu.yield
    }) : () -> ()
    %mul3A_195 = arith.constant 256 : i32
    %mul3A_196 = arith.muli %add3A, %mul3A_195 : i32
    %add3A_197 = arith.constant 8192 : i32
    %add3A_198 = arith.addi %add3A_197, %mul3A_196 : i32
    %run_scoped3A_199 = arith.constant 1 : i32
    "tpu.region"() ({
      %run_scoped3A_210 = tpu.sem_alloc : memref<!tpu.dma_semaphore, #tpu.memory_space<semaphore_mem>>
      %dma_start3A_211 = arith.constant 0 : i32
      %dma_start3A_212 = arith.constant 0 : i32
      %dma_start3A_213 = tpu.memref_slice %arg6[%run_scoped3A_199, %dma_start3A_211, %dma_start3A_212] : memref<4x256x32xf32, #tpu.memory_space<vmem>> -> memref<1x256x32xf32, #tpu.memory_space<vmem>>
      %dma_start3A_214 = tpu.memref_squeeze %dma_start3A_213 : memref<1x256x32xf32, #tpu.memory_space<vmem>> -> memref<256x32xf32, #tpu.memory_space<vmem>>
      %dma_start3A_215 = arith.constant 0 : i32
      %dma_start3A_216 = tpu.memref_slice %arg4[%add3A_198, %dma_start3A_215] : memref<32768x32xf32, #tpu.memory_space<hbm>> -> memref<256x32xf32, #tpu.memory_space<hbm>>
      %dma_start3A_217 = arith.constant 0 : i32
      %dma_start3A_218 = tpu.memref_slice %arg4[%add3A_198, %dma_start3A_217] : memref<32768x32xf32, #tpu.memory_space<hbm>> -> memref<256x32xf32, #tpu.memory_space<hbm>>
      %dma_start3A_219 = arith.constant 0 : i32
      %dma_start3A_220 = arith.constant 0 : i32
      %dma_start3A_221 = tpu.memref_slice %arg6[%run_scoped3A_199, %dma_start3A_219, %dma_start3A_220] : memref<4x256x32xf32, #tpu.memory_space<vmem>> -> memref<1x256x32xf32, #tpu.memory_space<vmem>>
      %dma_start3A_222 = tpu.memref_squeeze %dma_start3A_221 : memref<1x256x32xf32, #tpu.memory_space<vmem>> -> memref<256x32xf32, #tpu.memory_space<vmem>>
      tpu.enqueue_dma source(%dma_start3A_222 : memref<256x32xf32, #tpu.memory_space<vmem>>) target(%dma_start3A_218 : memref<256x32xf32, #tpu.memory_space<hbm>>) target_semaphore(%run_scoped3A_210 : memref<!tpu.dma_semaphore, #tpu.memory_space<semaphore_mem>>)
      %dma_wait3A_223 = arith.constant 0 : i32
      %dma_wait3A_224 = arith.constant 0 : i32
      %dma_wait3A_225 = tpu.memref_slice %arg6[%run_scoped3A_199, %dma_wait3A_223, %dma_wait3A_224] : memref<4x256x32xf32, #tpu.memory_space<vmem>> -> memref<1x256x32xf32, #tpu.memory_space<vmem>>
      %dma_wait3A_226 = tpu.memref_squeeze %dma_wait3A_225 : memref<1x256x32xf32, #tpu.memory_space<vmem>> -> memref<256x32xf32, #tpu.memory_space<vmem>>
      %dma_wait3A_227 = arith.constant 0 : i32
      %dma_wait3A_228 = tpu.memref_slice %arg4[%add3A_198, %dma_wait3A_227] : memref<32768x32xf32, #tpu.memory_space<hbm>> -> memref<256x32xf32, #tpu.memory_space<hbm>>
      %dma_wait3A_229 = arith.constant 0 : i32
      %dma_wait3A_230 = tpu.memref_slice %arg4[%add3A_198, %dma_wait3A_229] : memref<32768x32xf32, #tpu.memory_space<hbm>> -> memref<256x32xf32, #tpu.memory_space<hbm>>
      %dma_wait3A_231 = arith.constant 0 : i32
      %dma_wait3A_232 = arith.constant 0 : i32
      %dma_wait3A_233 = tpu.memref_slice %arg6[%run_scoped3A_199, %dma_wait3A_231, %dma_wait3A_232] : memref<4x256x32xf32, #tpu.memory_space<vmem>> -> memref<1x256x32xf32, #tpu.memory_space<vmem>>
      %dma_wait3A_234 = tpu.memref_squeeze %dma_wait3A_233 : memref<1x256x32xf32, #tpu.memory_space<vmem>> -> memref<256x32xf32, #tpu.memory_space<vmem>>
      tpu.wait_dma2 semaphore(%run_scoped3A_210 : memref<!tpu.dma_semaphore, #tpu.memory_space<semaphore_mem>>) src(%dma_wait3A_234 : memref<256x32xf32, #tpu.memory_space<vmem>>) dst(%dma_wait3A_230 : memref<256x32xf32, #tpu.memory_space<hbm>>)
      tpu.yield
    }) : () -> ()
    %mul3A_200 = arith.constant 256 : i32
    %mul3A_201 = arith.muli %add3A, %mul3A_200 : i32
    %add3A_202 = arith.constant 16384 : i32
    %add3A_203 = arith.addi %add3A_202, %mul3A_201 : i32
    %run_scoped3A_204 = arith.constant 2 : i32
    "tpu.region"() ({
      %run_scoped3A_210 = tpu.sem_alloc : memref<!tpu.dma_semaphore, #tpu.memory_space<semaphore_mem>>
      %dma_start3A_211 = arith.constant 0 : i32
      %dma_start3A_212 = arith.constant 0 : i32
      %dma_start3A_213 = tpu.memref_slice %arg6[%run_scoped3A_204, %dma_start3A_211, %dma_start3A_212] : memref<4x256x32xf32, #tpu.memory_space<vmem>> -> memref<1x256x32xf32, #tpu.memory_space<vmem>>
      %dma_start3A_214 = tpu.memref_squeeze %dma_start3A_213 : memref<1x256x32xf32, #tpu.memory_space<vmem>> -> memref<256x32xf32, #tpu.memory_space<vmem>>
      %dma_start3A_215 = arith.constant 0 : i32
      %dma_start3A_216 = tpu.memref_slice %arg4[%add3A_203, %dma_start3A_215] : memref<32768x32xf32, #tpu.memory_space<hbm>> -> memref<256x32xf32, #tpu.memory_space<hbm>>
      %dma_start3A_217 = arith.constant 0 : i32
      %dma_start3A_218 = tpu.memref_slice %arg4[%add3A_203, %dma_start3A_217] : memref<32768x32xf32, #tpu.memory_space<hbm>> -> memref<256x32xf32, #tpu.memory_space<hbm>>
      %dma_start3A_219 = arith.constant 0 : i32
      %dma_start3A_220 = arith.constant 0 : i32
      %dma_start3A_221 = tpu.memref_slice %arg6[%run_scoped3A_204, %dma_start3A_219, %dma_start3A_220] : memref<4x256x32xf32, #tpu.memory_space<vmem>> -> memref<1x256x32xf32, #tpu.memory_space<vmem>>
      %dma_start3A_222 = tpu.memref_squeeze %dma_start3A_221 : memref<1x256x32xf32, #tpu.memory_space<vmem>> -> memref<256x32xf32, #tpu.memory_space<vmem>>
      tpu.enqueue_dma source(%dma_start3A_222 : memref<256x32xf32, #tpu.memory_space<vmem>>) target(%dma_start3A_218 : memref<256x32xf32, #tpu.memory_space<hbm>>) target_semaphore(%run_scoped3A_210 : memref<!tpu.dma_semaphore, #tpu.memory_space<semaphore_mem>>)
      %dma_wait3A_223 = arith.constant 0 : i32
      %dma_wait3A_224 = arith.constant 0 : i32
      %dma_wait3A_225 = tpu.memref_slice %arg6[%run_scoped3A_204, %dma_wait3A_223, %dma_wait3A_224] : memref<4x256x32xf32, #tpu.memory_space<vmem>> -> memref<1x256x32xf32, #tpu.memory_space<vmem>>
      %dma_wait3A_226 = tpu.memref_squeeze %dma_wait3A_225 : memref<1x256x32xf32, #tpu.memory_space<vmem>> -> memref<256x32xf32, #tpu.memory_space<vmem>>
      %dma_wait3A_227 = arith.constant 0 : i32
      %dma_wait3A_228 = tpu.memref_slice %arg4[%add3A_203, %dma_wait3A_227] : memref<32768x32xf32, #tpu.memory_space<hbm>> -> memref<256x32xf32, #tpu.memory_space<hbm>>
      %dma_wait3A_229 = arith.constant 0 : i32
      %dma_wait3A_230 = tpu.memref_slice %arg4[%add3A_203, %dma_wait3A_229] : memref<32768x32xf32, #tpu.memory_space<hbm>> -> memref<256x32xf32, #tpu.memory_space<hbm>>
      %dma_wait3A_231 = arith.constant 0 : i32
      %dma_wait3A_232 = arith.constant 0 : i32
      %dma_wait3A_233 = tpu.memref_slice %arg6[%run_scoped3A_204, %dma_wait3A_231, %dma_wait3A_232] : memref<4x256x32xf32, #tpu.memory_space<vmem>> -> memref<1x256x32xf32, #tpu.memory_space<vmem>>
      %dma_wait3A_234 = tpu.memref_squeeze %dma_wait3A_233 : memref<1x256x32xf32, #tpu.memory_space<vmem>> -> memref<256x32xf32, #tpu.memory_space<vmem>>
      tpu.wait_dma2 semaphore(%run_scoped3A_210 : memref<!tpu.dma_semaphore, #tpu.memory_space<semaphore_mem>>) src(%dma_wait3A_234 : memref<256x32xf32, #tpu.memory_space<vmem>>) dst(%dma_wait3A_230 : memref<256x32xf32, #tpu.memory_space<hbm>>)
      tpu.yield
    }) : () -> ()
    %mul3A_205 = arith.constant 256 : i32
    %mul3A_206 = arith.muli %add3A, %mul3A_205 : i32
    %add3A_207 = arith.constant 24576 : i32
    %add3A_208 = arith.addi %add3A_207, %mul3A_206 : i32
    %run_scoped3A_209 = arith.constant 3 : i32
    "tpu.region"() ({
      %run_scoped3A_210 = tpu.sem_alloc : memref<!tpu.dma_semaphore, #tpu.memory_space<semaphore_mem>>
      %dma_start3A_211 = arith.constant 0 : i32
      %dma_start3A_212 = arith.constant 0 : i32
      %dma_start3A_213 = tpu.memref_slice %arg6[%run_scoped3A_209, %dma_start3A_211, %dma_start3A_212] : memref<4x256x32xf32, #tpu.memory_space<vmem>> -> memref<1x256x32xf32, #tpu.memory_space<vmem>>
      %dma_start3A_214 = tpu.memref_squeeze %dma_start3A_213 : memref<1x256x32xf32, #tpu.memory_space<vmem>> -> memref<256x32xf32, #tpu.memory_space<vmem>>
      %dma_start3A_215 = arith.constant 0 : i32
      %dma_start3A_216 = tpu.memref_slice %arg4[%add3A_208, %dma_start3A_215] : memref<32768x32xf32, #tpu.memory_space<hbm>> -> memref<256x32xf32, #tpu.memory_space<hbm>>
      %dma_start3A_217 = arith.constant 0 : i32
      %dma_start3A_218 = tpu.memref_slice %arg4[%add3A_208, %dma_start3A_217] : memref<32768x32xf32, #tpu.memory_space<hbm>> -> memref<256x32xf32, #tpu.memory_space<hbm>>
      %dma_start3A_219 = arith.constant 0 : i32
      %dma_start3A_220 = arith.constant 0 : i32
      %dma_start3A_221 = tpu.memref_slice %arg6[%run_scoped3A_209, %dma_start3A_219, %dma_start3A_220] : memref<4x256x32xf32, #tpu.memory_space<vmem>> -> memref<1x256x32xf32, #tpu.memory_space<vmem>>
      %dma_start3A_222 = tpu.memref_squeeze %dma_start3A_221 : memref<1x256x32xf32, #tpu.memory_space<vmem>> -> memref<256x32xf32, #tpu.memory_space<vmem>>
      tpu.enqueue_dma source(%dma_start3A_222 : memref<256x32xf32, #tpu.memory_space<vmem>>) target(%dma_start3A_218 : memref<256x32xf32, #tpu.memory_space<hbm>>) target_semaphore(%run_scoped3A_210 : memref<!tpu.dma_semaphore, #tpu.memory_space<semaphore_mem>>)
      %dma_wait3A_223 = arith.constant 0 : i32
      %dma_wait3A_224 = arith.constant 0 : i32
      %dma_wait3A_225 = tpu.memref_slice %arg6[%run_scoped3A_209, %dma_wait3A_223, %dma_wait3A_224] : memref<4x256x32xf32, #tpu.memory_space<vmem>> -> memref<1x256x32xf32, #tpu.memory_space<vmem>>
      %dma_wait3A_226 = tpu.memref_squeeze %dma_wait3A_225 : memref<1x256x32xf32, #tpu.memory_space<vmem>> -> memref<256x32xf32, #tpu.memory_space<vmem>>
      %dma_wait3A_227 = arith.constant 0 : i32
      %dma_wait3A_228 = tpu.memref_slice %arg4[%add3A_208, %dma_wait3A_227] : memref<32768x32xf32, #tpu.memory_space<hbm>> -> memref<256x32xf32, #tpu.memory_space<hbm>>
      %dma_wait3A_229 = arith.constant 0 : i32
      %dma_wait3A_230 = tpu.memref_slice %arg4[%add3A_208, %dma_wait3A_229] : memref<32768x32xf32, #tpu.memory_space<hbm>> -> memref<256x32xf32, #tpu.memory_space<hbm>>
      %dma_wait3A_231 = arith.constant 0 : i32
      %dma_wait3A_232 = arith.constant 0 : i32
      %dma_wait3A_233 = tpu.memref_slice %arg6[%run_scoped3A_209, %dma_wait3A_231, %dma_wait3A_232] : memref<4x256x32xf32, #tpu.memory_space<vmem>> -> memref<1x256x32xf32, #tpu.memory_space<vmem>>
      %dma_wait3A_234 = tpu.memref_squeeze %dma_wait3A_233 : memref<1x256x32xf32, #tpu.memory_space<vmem>> -> memref<256x32xf32, #tpu.memory_space<vmem>>
      tpu.wait_dma2 semaphore(%run_scoped3A_210 : memref<!tpu.dma_semaphore, #tpu.memory_space<semaphore_mem>>) src(%dma_wait3A_234 : memref<256x32xf32, #tpu.memory_space<vmem>>) dst(%dma_wait3A_230 : memref<256x32xf32, #tpu.memory_space<hbm>>)
      tpu.yield
    }) : () -> ()
    return
  }
}

#map = affine_map<(d0, d1) -> (0, 0)>
#map1 = affine_map<(d0, d1) -> (0, 0, 0)>
module attributes {stable_mosaic.version = 14 : i64} {
  func.func @gather_kernel(%arg0: i32, %arg1: i32, %arg2: memref<10000x32xf32, #tpu.memory_space<hbm>>, %arg3: memref<32x3x256xi32, #tpu.memory_space<hbm>>, %arg4: memref<24576x32xf32, #tpu.memory_space<hbm>>, %arg5: memref<3x256xi32, #tpu.memory_space<vmem>>, %arg6: memref<3x256x32xf32, #tpu.memory_space<vmem>>, %arg7: memref<!tpu.dma_semaphore, #tpu.memory_space<semaphore_mem>>) attributes {dimension_semantics = [#tpu.dimension_semantics<core_parallel>, #tpu.dimension_semantics<subcore_parallel>], iteration_bounds = array<i64: 2, 16>, scalar_prefetch = 0 : i64, scratch_operands = 3 : i64, tpu.core_type = #tpu.core_type<sc_vector_subcore>, window_params = [{transform_indices = #map}, {transform_indices = #map1}, {transform_indices = #map}]} {
    %mul3A = arith.constant 2 : i32
    %mul3A_0 = arith.muli %arg1, %mul3A : i32
    %add3A = arith.addi %mul3A_0, %arg0 : i32
    "tpu.region"() ({
      %run_scoped3A_157 = tpu.sem_alloc : memref<!tpu.dma_semaphore, #tpu.memory_space<semaphore_mem>>
      %dma_start3A_158 = arith.constant 0 : i32
      %dma_start3A_159 = arith.constant 0 : i32
      %dma_start3A_160 = tpu.memref_slice %arg3[%add3A, %dma_start3A_158, %dma_start3A_159] : memref<32x3x256xi32, #tpu.memory_space<hbm>> -> memref<1x3x256xi32, #tpu.memory_space<hbm>>
      %dma_start3A_161 = tpu.memref_squeeze %dma_start3A_160 : memref<1x3x256xi32, #tpu.memory_space<hbm>> -> memref<3x256xi32, #tpu.memory_space<hbm>>
      %dma_start3A_162 = arith.constant 0 : i32
      %dma_start3A_163 = arith.constant 0 : i32
      %dma_start3A_164 = tpu.memref_slice %arg3[%add3A, %dma_start3A_162, %dma_start3A_163] : memref<32x3x256xi32, #tpu.memory_space<hbm>> -> memref<1x3x256xi32, #tpu.memory_space<hbm>>
      %dma_start3A_165 = tpu.memref_squeeze %dma_start3A_164 : memref<1x3x256xi32, #tpu.memory_space<hbm>> -> memref<3x256xi32, #tpu.memory_space<hbm>>
      tpu.enqueue_dma source(%dma_start3A_165 : memref<3x256xi32, #tpu.memory_space<hbm>>) target(%arg5 : memref<3x256xi32, #tpu.memory_space<vmem>>) target_semaphore(%run_scoped3A_157 : memref<!tpu.dma_semaphore, #tpu.memory_space<semaphore_mem>>)
      %dma_wait3A_166 = arith.constant 0 : i32
      %dma_wait3A_167 = arith.constant 0 : i32
      %dma_wait3A_168 = tpu.memref_slice %arg3[%add3A, %dma_wait3A_166, %dma_wait3A_167] : memref<32x3x256xi32, #tpu.memory_space<hbm>> -> memref<1x3x256xi32, #tpu.memory_space<hbm>>
      %dma_wait3A_169 = tpu.memref_squeeze %dma_wait3A_168 : memref<1x3x256xi32, #tpu.memory_space<hbm>> -> memref<3x256xi32, #tpu.memory_space<hbm>>
      %dma_wait3A_170 = arith.constant 0 : i32
      %dma_wait3A_171 = arith.constant 0 : i32
      %dma_wait3A_172 = tpu.memref_slice %arg3[%add3A, %dma_wait3A_170, %dma_wait3A_171] : memref<32x3x256xi32, #tpu.memory_space<hbm>> -> memref<1x3x256xi32, #tpu.memory_space<hbm>>
      %dma_wait3A_173 = tpu.memref_squeeze %dma_wait3A_172 : memref<1x3x256xi32, #tpu.memory_space<hbm>> -> memref<3x256xi32, #tpu.memory_space<hbm>>
      tpu.wait_dma2 semaphore(%run_scoped3A_157 : memref<!tpu.dma_semaphore, #tpu.memory_space<semaphore_mem>>) src(%dma_wait3A_173 : memref<3x256xi32, #tpu.memory_space<hbm>>) dst(%arg5 : memref<3x256xi32, #tpu.memory_space<vmem>>)
      tpu.yield
    }) : () -> ()
    %dma_start3A = arith.constant 0 : i32
    %dma_start3A_1 = arith.constant 0 : i32
    %dma_start3A_2 = arith.constant 0 : i32
    %dma_start3A_3 = arith.constant 0 : i32
    %dma_start3A_4 = tpu.memref_slice %arg6[%dma_start3A_1, %dma_start3A_2, %dma_start3A_3] : memref<3x256x32xf32, #tpu.memory_space<vmem>> -> memref<1x128x32xf32, #tpu.memory_space<vmem>>
    %dma_start3A_5 = tpu.memref_squeeze %dma_start3A_4 : memref<1x128x32xf32, #tpu.memory_space<vmem>> -> memref<128x32xf32, #tpu.memory_space<vmem>>
    %dma_start3A_6 = arith.constant 0 : i32
    %dma_start3A_7 = tpu.memref_slice %arg5[%dma_start3A, %dma_start3A_6] : memref<3x256xi32, #tpu.memory_space<vmem>> -> memref<1x128xi32, #tpu.memory_space<vmem>>
    %dma_start3A_8 = tpu.memref_squeeze %dma_start3A_7 : memref<1x128xi32, #tpu.memory_space<vmem>> -> memref<128xi32, #tpu.memory_space<vmem>>
    %dma_start3A_9 = arith.constant 0 : i32
    %dma_start3A_10 = arith.constant 0 : i32
    %dma_start3A_11 = tpu.memref_slice %arg2[%dma_start3A_9, %dma_start3A_10] : memref<10000x32xf32, #tpu.memory_space<hbm>> -> memref<10000x32xf32, #tpu.memory_space<hbm>>
    tpu.enqueue_indirect_dma source(%dma_start3A_11 : memref<10000x32xf32, #tpu.memory_space<hbm>>) target(%dma_start3A_5 : memref<128x32xf32, #tpu.memory_space<vmem>>) offsets(%dma_start3A_8 : memref<128xi32, #tpu.memory_space<vmem>>) semaphore(%arg7 : memref<!tpu.dma_semaphore, #tpu.memory_space<semaphore_mem>>)
    %dma_start3A_12 = arith.constant 0 : i32
    %dma_start3A_13 = arith.constant 0 : i32
    %dma_start3A_14 = arith.constant 128 : i32
    %dma_start3A_15 = arith.constant 0 : i32
    %dma_start3A_16 = tpu.memref_slice %arg6[%dma_start3A_13, %dma_start3A_14, %dma_start3A_15] : memref<3x256x32xf32, #tpu.memory_space<vmem>> -> memref<1x128x32xf32, #tpu.memory_space<vmem>>
    %dma_start3A_17 = tpu.memref_squeeze %dma_start3A_16 : memref<1x128x32xf32, #tpu.memory_space<vmem>> -> memref<128x32xf32, #tpu.memory_space<vmem>>
    %dma_start3A_18 = arith.constant 128 : i32
    %dma_start3A_19 = tpu.memref_slice %arg5[%dma_start3A_12, %dma_start3A_18] : memref<3x256xi32, #tpu.memory_space<vmem>> -> memref<1x128xi32, #tpu.memory_space<vmem>>
    %dma_start3A_20 = tpu.memref_squeeze %dma_start3A_19 : memref<1x128xi32, #tpu.memory_space<vmem>> -> memref<128xi32, #tpu.memory_space<vmem>>
    %dma_start3A_21 = arith.constant 0 : i32
    %dma_start3A_22 = arith.constant 0 : i32
    %dma_start3A_23 = tpu.memref_slice %arg2[%dma_start3A_21, %dma_start3A_22] : memref<10000x32xf32, #tpu.memory_space<hbm>> -> memref<10000x32xf32, #tpu.memory_space<hbm>>
    tpu.enqueue_indirect_dma source(%dma_start3A_23 : memref<10000x32xf32, #tpu.memory_space<hbm>>) target(%dma_start3A_17 : memref<128x32xf32, #tpu.memory_space<vmem>>) offsets(%dma_start3A_20 : memref<128xi32, #tpu.memory_space<vmem>>) semaphore(%arg7 : memref<!tpu.dma_semaphore, #tpu.memory_space<semaphore_mem>>)
    %dma_start3A_24 = arith.constant 1 : i32
    %dma_start3A_25 = arith.constant 1 : i32
    %dma_start3A_26 = arith.constant 0 : i32
    %dma_start3A_27 = arith.constant 0 : i32
    %dma_start3A_28 = tpu.memref_slice %arg6[%dma_start3A_25, %dma_start3A_26, %dma_start3A_27] : memref<3x256x32xf32, #tpu.memory_space<vmem>> -> memref<1x128x32xf32, #tpu.memory_space<vmem>>
    %dma_start3A_29 = tpu.memref_squeeze %dma_start3A_28 : memref<1x128x32xf32, #tpu.memory_space<vmem>> -> memref<128x32xf32, #tpu.memory_space<vmem>>
    %dma_start3A_30 = arith.constant 0 : i32
    %dma_start3A_31 = tpu.memref_slice %arg5[%dma_start3A_24, %dma_start3A_30] : memref<3x256xi32, #tpu.memory_space<vmem>> -> memref<1x128xi32, #tpu.memory_space<vmem>>
    %dma_start3A_32 = tpu.memref_squeeze %dma_start3A_31 : memref<1x128xi32, #tpu.memory_space<vmem>> -> memref<128xi32, #tpu.memory_space<vmem>>
    %dma_start3A_33 = arith.constant 0 : i32
    %dma_start3A_34 = arith.constant 0 : i32
    %dma_start3A_35 = tpu.memref_slice %arg2[%dma_start3A_33, %dma_start3A_34] : memref<10000x32xf32, #tpu.memory_space<hbm>> -> memref<10000x32xf32, #tpu.memory_space<hbm>>
    tpu.enqueue_indirect_dma source(%dma_start3A_35 : memref<10000x32xf32, #tpu.memory_space<hbm>>) target(%dma_start3A_29 : memref<128x32xf32, #tpu.memory_space<vmem>>) offsets(%dma_start3A_32 : memref<128xi32, #tpu.memory_space<vmem>>) semaphore(%arg7 : memref<!tpu.dma_semaphore, #tpu.memory_space<semaphore_mem>>)
    %dma_start3A_36 = arith.constant 1 : i32
    %dma_start3A_37 = arith.constant 1 : i32
    %dma_start3A_38 = arith.constant 128 : i32
    %dma_start3A_39 = arith.constant 0 : i32
    %dma_start3A_40 = tpu.memref_slice %arg6[%dma_start3A_37, %dma_start3A_38, %dma_start3A_39] : memref<3x256x32xf32, #tpu.memory_space<vmem>> -> memref<1x128x32xf32, #tpu.memory_space<vmem>>
    %dma_start3A_41 = tpu.memref_squeeze %dma_start3A_40 : memref<1x128x32xf32, #tpu.memory_space<vmem>> -> memref<128x32xf32, #tpu.memory_space<vmem>>
    %dma_start3A_42 = arith.constant 128 : i32
    %dma_start3A_43 = tpu.memref_slice %arg5[%dma_start3A_36, %dma_start3A_42] : memref<3x256xi32, #tpu.memory_space<vmem>> -> memref<1x128xi32, #tpu.memory_space<vmem>>
    %dma_start3A_44 = tpu.memref_squeeze %dma_start3A_43 : memref<1x128xi32, #tpu.memory_space<vmem>> -> memref<128xi32, #tpu.memory_space<vmem>>
    %dma_start3A_45 = arith.constant 0 : i32
    %dma_start3A_46 = arith.constant 0 : i32
    %dma_start3A_47 = tpu.memref_slice %arg2[%dma_start3A_45, %dma_start3A_46] : memref<10000x32xf32, #tpu.memory_space<hbm>> -> memref<10000x32xf32, #tpu.memory_space<hbm>>
    tpu.enqueue_indirect_dma source(%dma_start3A_47 : memref<10000x32xf32, #tpu.memory_space<hbm>>) target(%dma_start3A_41 : memref<128x32xf32, #tpu.memory_space<vmem>>) offsets(%dma_start3A_44 : memref<128xi32, #tpu.memory_space<vmem>>) semaphore(%arg7 : memref<!tpu.dma_semaphore, #tpu.memory_space<semaphore_mem>>)
    %dma_start3A_48 = arith.constant 2 : i32
    %dma_start3A_49 = arith.constant 2 : i32
    %dma_start3A_50 = arith.constant 0 : i32
    %dma_start3A_51 = arith.constant 0 : i32
    %dma_start3A_52 = tpu.memref_slice %arg6[%dma_start3A_49, %dma_start3A_50, %dma_start3A_51] : memref<3x256x32xf32, #tpu.memory_space<vmem>> -> memref<1x128x32xf32, #tpu.memory_space<vmem>>
    %dma_start3A_53 = tpu.memref_squeeze %dma_start3A_52 : memref<1x128x32xf32, #tpu.memory_space<vmem>> -> memref<128x32xf32, #tpu.memory_space<vmem>>
    %dma_start3A_54 = arith.constant 0 : i32
    %dma_start3A_55 = tpu.memref_slice %arg5[%dma_start3A_48, %dma_start3A_54] : memref<3x256xi32, #tpu.memory_space<vmem>> -> memref<1x128xi32, #tpu.memory_space<vmem>>
    %dma_start3A_56 = tpu.memref_squeeze %dma_start3A_55 : memref<1x128xi32, #tpu.memory_space<vmem>> -> memref<128xi32, #tpu.memory_space<vmem>>
    %dma_start3A_57 = arith.constant 0 : i32
    %dma_start3A_58 = arith.constant 0 : i32
    %dma_start3A_59 = tpu.memref_slice %arg2[%dma_start3A_57, %dma_start3A_58] : memref<10000x32xf32, #tpu.memory_space<hbm>> -> memref<10000x32xf32, #tpu.memory_space<hbm>>
    tpu.enqueue_indirect_dma source(%dma_start3A_59 : memref<10000x32xf32, #tpu.memory_space<hbm>>) target(%dma_start3A_53 : memref<128x32xf32, #tpu.memory_space<vmem>>) offsets(%dma_start3A_56 : memref<128xi32, #tpu.memory_space<vmem>>) semaphore(%arg7 : memref<!tpu.dma_semaphore, #tpu.memory_space<semaphore_mem>>)
    %dma_start3A_60 = arith.constant 2 : i32
    %dma_start3A_61 = arith.constant 2 : i32
    %dma_start3A_62 = arith.constant 128 : i32
    %dma_start3A_63 = arith.constant 0 : i32
    %dma_start3A_64 = tpu.memref_slice %arg6[%dma_start3A_61, %dma_start3A_62, %dma_start3A_63] : memref<3x256x32xf32, #tpu.memory_space<vmem>> -> memref<1x128x32xf32, #tpu.memory_space<vmem>>
    %dma_start3A_65 = tpu.memref_squeeze %dma_start3A_64 : memref<1x128x32xf32, #tpu.memory_space<vmem>> -> memref<128x32xf32, #tpu.memory_space<vmem>>
    %dma_start3A_66 = arith.constant 128 : i32
    %dma_start3A_67 = tpu.memref_slice %arg5[%dma_start3A_60, %dma_start3A_66] : memref<3x256xi32, #tpu.memory_space<vmem>> -> memref<1x128xi32, #tpu.memory_space<vmem>>
    %dma_start3A_68 = tpu.memref_squeeze %dma_start3A_67 : memref<1x128xi32, #tpu.memory_space<vmem>> -> memref<128xi32, #tpu.memory_space<vmem>>
    %dma_start3A_69 = arith.constant 0 : i32
    %dma_start3A_70 = arith.constant 0 : i32
    %dma_start3A_71 = tpu.memref_slice %arg2[%dma_start3A_69, %dma_start3A_70] : memref<10000x32xf32, #tpu.memory_space<hbm>> -> memref<10000x32xf32, #tpu.memory_space<hbm>>
    tpu.enqueue_indirect_dma source(%dma_start3A_71 : memref<10000x32xf32, #tpu.memory_space<hbm>>) target(%dma_start3A_65 : memref<128x32xf32, #tpu.memory_space<vmem>>) offsets(%dma_start3A_68 : memref<128xi32, #tpu.memory_space<vmem>>) semaphore(%arg7 : memref<!tpu.dma_semaphore, #tpu.memory_space<semaphore_mem>>)
    %dma_wait3A = arith.constant 0 : i32
    %dma_wait3A_72 = arith.constant 0 : i32
    %dma_wait3A_73 = arith.constant 0 : i32
    %dma_wait3A_74 = arith.constant 0 : i32
    %dma_wait3A_75 = tpu.memref_slice %arg6[%dma_wait3A_72, %dma_wait3A_73, %dma_wait3A_74] : memref<3x256x32xf32, #tpu.memory_space<vmem>> -> memref<1x128x32xf32, #tpu.memory_space<vmem>>
    %dma_wait3A_76 = tpu.memref_squeeze %dma_wait3A_75 : memref<1x128x32xf32, #tpu.memory_space<vmem>> -> memref<128x32xf32, #tpu.memory_space<vmem>>
    %dma_wait3A_77 = arith.constant 0 : i32
    %dma_wait3A_78 = tpu.memref_slice %arg5[%dma_wait3A, %dma_wait3A_77] : memref<3x256xi32, #tpu.memory_space<vmem>> -> memref<1x128xi32, #tpu.memory_space<vmem>>
    %dma_wait3A_79 = tpu.memref_squeeze %dma_wait3A_78 : memref<1x128xi32, #tpu.memory_space<vmem>> -> memref<128xi32, #tpu.memory_space<vmem>>
    %dma_wait3A_80 = arith.constant 0 : i32
    %dma_wait3A_81 = arith.constant 0 : i32
    %dma_wait3A_82 = tpu.memref_slice %arg2[%dma_wait3A_80, %dma_wait3A_81] : memref<10000x32xf32, #tpu.memory_space<hbm>> -> memref<10000x32xf32, #tpu.memory_space<hbm>>
    tpu.wait_indirect_dma semaphore(%arg7 : memref<!tpu.dma_semaphore, #tpu.memory_space<semaphore_mem>>) src(%dma_wait3A_82 : memref<10000x32xf32, #tpu.memory_space<hbm>>) dst(%dma_wait3A_76 : memref<128x32xf32, #tpu.memory_space<vmem>>)
    %dma_wait3A_83 = arith.constant 0 : i32
    %dma_wait3A_84 = arith.constant 0 : i32
    %dma_wait3A_85 = arith.constant 128 : i32
    %dma_wait3A_86 = arith.constant 0 : i32
    %dma_wait3A_87 = tpu.memref_slice %arg6[%dma_wait3A_84, %dma_wait3A_85, %dma_wait3A_86] : memref<3x256x32xf32, #tpu.memory_space<vmem>> -> memref<1x128x32xf32, #tpu.memory_space<vmem>>
    %dma_wait3A_88 = tpu.memref_squeeze %dma_wait3A_87 : memref<1x128x32xf32, #tpu.memory_space<vmem>> -> memref<128x32xf32, #tpu.memory_space<vmem>>
    %dma_wait3A_89 = arith.constant 128 : i32
    %dma_wait3A_90 = tpu.memref_slice %arg5[%dma_wait3A_83, %dma_wait3A_89] : memref<3x256xi32, #tpu.memory_space<vmem>> -> memref<1x128xi32, #tpu.memory_space<vmem>>
    %dma_wait3A_91 = tpu.memref_squeeze %dma_wait3A_90 : memref<1x128xi32, #tpu.memory_space<vmem>> -> memref<128xi32, #tpu.memory_space<vmem>>
    %dma_wait3A_92 = arith.constant 0 : i32
    %dma_wait3A_93 = arith.constant 0 : i32
    %dma_wait3A_94 = tpu.memref_slice %arg2[%dma_wait3A_92, %dma_wait3A_93] : memref<10000x32xf32, #tpu.memory_space<hbm>> -> memref<10000x32xf32, #tpu.memory_space<hbm>>
    tpu.wait_indirect_dma semaphore(%arg7 : memref<!tpu.dma_semaphore, #tpu.memory_space<semaphore_mem>>) src(%dma_wait3A_94 : memref<10000x32xf32, #tpu.memory_space<hbm>>) dst(%dma_wait3A_88 : memref<128x32xf32, #tpu.memory_space<vmem>>)
    %dma_wait3A_95 = arith.constant 1 : i32
    %dma_wait3A_96 = arith.constant 1 : i32
    %dma_wait3A_97 = arith.constant 0 : i32
    %dma_wait3A_98 = arith.constant 0 : i32
    %dma_wait3A_99 = tpu.memref_slice %arg6[%dma_wait3A_96, %dma_wait3A_97, %dma_wait3A_98] : memref<3x256x32xf32, #tpu.memory_space<vmem>> -> memref<1x128x32xf32, #tpu.memory_space<vmem>>
    %dma_wait3A_100 = tpu.memref_squeeze %dma_wait3A_99 : memref<1x128x32xf32, #tpu.memory_space<vmem>> -> memref<128x32xf32, #tpu.memory_space<vmem>>
    %dma_wait3A_101 = arith.constant 0 : i32
    %dma_wait3A_102 = tpu.memref_slice %arg5[%dma_wait3A_95, %dma_wait3A_101] : memref<3x256xi32, #tpu.memory_space<vmem>> -> memref<1x128xi32, #tpu.memory_space<vmem>>
    %dma_wait3A_103 = tpu.memref_squeeze %dma_wait3A_102 : memref<1x128xi32, #tpu.memory_space<vmem>> -> memref<128xi32, #tpu.memory_space<vmem>>
    %dma_wait3A_104 = arith.constant 0 : i32
    %dma_wait3A_105 = arith.constant 0 : i32
    %dma_wait3A_106 = tpu.memref_slice %arg2[%dma_wait3A_104, %dma_wait3A_105] : memref<10000x32xf32, #tpu.memory_space<hbm>> -> memref<10000x32xf32, #tpu.memory_space<hbm>>
    tpu.wait_indirect_dma semaphore(%arg7 : memref<!tpu.dma_semaphore, #tpu.memory_space<semaphore_mem>>) src(%dma_wait3A_106 : memref<10000x32xf32, #tpu.memory_space<hbm>>) dst(%dma_wait3A_100 : memref<128x32xf32, #tpu.memory_space<vmem>>)
    %dma_wait3A_107 = arith.constant 1 : i32
    %dma_wait3A_108 = arith.constant 1 : i32
    %dma_wait3A_109 = arith.constant 128 : i32
    %dma_wait3A_110 = arith.constant 0 : i32
    %dma_wait3A_111 = tpu.memref_slice %arg6[%dma_wait3A_108, %dma_wait3A_109, %dma_wait3A_110] : memref<3x256x32xf32, #tpu.memory_space<vmem>> -> memref<1x128x32xf32, #tpu.memory_space<vmem>>
    %dma_wait3A_112 = tpu.memref_squeeze %dma_wait3A_111 : memref<1x128x32xf32, #tpu.memory_space<vmem>> -> memref<128x32xf32, #tpu.memory_space<vmem>>
    %dma_wait3A_113 = arith.constant 128 : i32
    %dma_wait3A_114 = tpu.memref_slice %arg5[%dma_wait3A_107, %dma_wait3A_113] : memref<3x256xi32, #tpu.memory_space<vmem>> -> memref<1x128xi32, #tpu.memory_space<vmem>>
    %dma_wait3A_115 = tpu.memref_squeeze %dma_wait3A_114 : memref<1x128xi32, #tpu.memory_space<vmem>> -> memref<128xi32, #tpu.memory_space<vmem>>
    %dma_wait3A_116 = arith.constant 0 : i32
    %dma_wait3A_117 = arith.constant 0 : i32
    %dma_wait3A_118 = tpu.memref_slice %arg2[%dma_wait3A_116, %dma_wait3A_117] : memref<10000x32xf32, #tpu.memory_space<hbm>> -> memref<10000x32xf32, #tpu.memory_space<hbm>>
    tpu.wait_indirect_dma semaphore(%arg7 : memref<!tpu.dma_semaphore, #tpu.memory_space<semaphore_mem>>) src(%dma_wait3A_118 : memref<10000x32xf32, #tpu.memory_space<hbm>>) dst(%dma_wait3A_112 : memref<128x32xf32, #tpu.memory_space<vmem>>)
    %dma_wait3A_119 = arith.constant 2 : i32
    %dma_wait3A_120 = arith.constant 2 : i32
    %dma_wait3A_121 = arith.constant 0 : i32
    %dma_wait3A_122 = arith.constant 0 : i32
    %dma_wait3A_123 = tpu.memref_slice %arg6[%dma_wait3A_120, %dma_wait3A_121, %dma_wait3A_122] : memref<3x256x32xf32, #tpu.memory_space<vmem>> -> memref<1x128x32xf32, #tpu.memory_space<vmem>>
    %dma_wait3A_124 = tpu.memref_squeeze %dma_wait3A_123 : memref<1x128x32xf32, #tpu.memory_space<vmem>> -> memref<128x32xf32, #tpu.memory_space<vmem>>
    %dma_wait3A_125 = arith.constant 0 : i32
    %dma_wait3A_126 = tpu.memref_slice %arg5[%dma_wait3A_119, %dma_wait3A_125] : memref<3x256xi32, #tpu.memory_space<vmem>> -> memref<1x128xi32, #tpu.memory_space<vmem>>
    %dma_wait3A_127 = tpu.memref_squeeze %dma_wait3A_126 : memref<1x128xi32, #tpu.memory_space<vmem>> -> memref<128xi32, #tpu.memory_space<vmem>>
    %dma_wait3A_128 = arith.constant 0 : i32
    %dma_wait3A_129 = arith.constant 0 : i32
    %dma_wait3A_130 = tpu.memref_slice %arg2[%dma_wait3A_128, %dma_wait3A_129] : memref<10000x32xf32, #tpu.memory_space<hbm>> -> memref<10000x32xf32, #tpu.memory_space<hbm>>
    tpu.wait_indirect_dma semaphore(%arg7 : memref<!tpu.dma_semaphore, #tpu.memory_space<semaphore_mem>>) src(%dma_wait3A_130 : memref<10000x32xf32, #tpu.memory_space<hbm>>) dst(%dma_wait3A_124 : memref<128x32xf32, #tpu.memory_space<vmem>>)
    %dma_wait3A_131 = arith.constant 2 : i32
    %dma_wait3A_132 = arith.constant 2 : i32
    %dma_wait3A_133 = arith.constant 128 : i32
    %dma_wait3A_134 = arith.constant 0 : i32
    %dma_wait3A_135 = tpu.memref_slice %arg6[%dma_wait3A_132, %dma_wait3A_133, %dma_wait3A_134] : memref<3x256x32xf32, #tpu.memory_space<vmem>> -> memref<1x128x32xf32, #tpu.memory_space<vmem>>
    %dma_wait3A_136 = tpu.memref_squeeze %dma_wait3A_135 : memref<1x128x32xf32, #tpu.memory_space<vmem>> -> memref<128x32xf32, #tpu.memory_space<vmem>>
    %dma_wait3A_137 = arith.constant 128 : i32
    %dma_wait3A_138 = tpu.memref_slice %arg5[%dma_wait3A_131, %dma_wait3A_137] : memref<3x256xi32, #tpu.memory_space<vmem>> -> memref<1x128xi32, #tpu.memory_space<vmem>>
    %dma_wait3A_139 = tpu.memref_squeeze %dma_wait3A_138 : memref<1x128xi32, #tpu.memory_space<vmem>> -> memref<128xi32, #tpu.memory_space<vmem>>
    %dma_wait3A_140 = arith.constant 0 : i32
    %dma_wait3A_141 = arith.constant 0 : i32
    %dma_wait3A_142 = tpu.memref_slice %arg2[%dma_wait3A_140, %dma_wait3A_141] : memref<10000x32xf32, #tpu.memory_space<hbm>> -> memref<10000x32xf32, #tpu.memory_space<hbm>>
    tpu.wait_indirect_dma semaphore(%arg7 : memref<!tpu.dma_semaphore, #tpu.memory_space<semaphore_mem>>) src(%dma_wait3A_142 : memref<10000x32xf32, #tpu.memory_space<hbm>>) dst(%dma_wait3A_136 : memref<128x32xf32, #tpu.memory_space<vmem>>)
    %mul3A_143 = arith.constant 256 : i32
    %mul3A_144 = arith.muli %add3A, %mul3A_143 : i32
    %add3A_145 = arith.constant 0 : i32
    %add3A_146 = arith.addi %add3A_145, %mul3A_144 : i32
    %run_scoped3A = arith.constant 0 : i32
    "tpu.region"() ({
      %run_scoped3A_157 = tpu.sem_alloc : memref<!tpu.dma_semaphore, #tpu.memory_space<semaphore_mem>>
      %dma_start3A_158 = arith.constant 0 : i32
      %dma_start3A_159 = arith.constant 0 : i32
      %dma_start3A_160 = tpu.memref_slice %arg6[%run_scoped3A, %dma_start3A_158, %dma_start3A_159] : memref<3x256x32xf32, #tpu.memory_space<vmem>> -> memref<1x256x32xf32, #tpu.memory_space<vmem>>
      %dma_start3A_161 = tpu.memref_squeeze %dma_start3A_160 : memref<1x256x32xf32, #tpu.memory_space<vmem>> -> memref<256x32xf32, #tpu.memory_space<vmem>>
      %dma_start3A_162 = arith.constant 0 : i32
      %dma_start3A_163 = tpu.memref_slice %arg4[%add3A_146, %dma_start3A_162] : memref<24576x32xf32, #tpu.memory_space<hbm>> -> memref<256x32xf32, #tpu.memory_space<hbm>>
      %dma_start3A_164 = arith.constant 0 : i32
      %dma_start3A_165 = tpu.memref_slice %arg4[%add3A_146, %dma_start3A_164] : memref<24576x32xf32, #tpu.memory_space<hbm>> -> memref<256x32xf32, #tpu.memory_space<hbm>>
      %dma_start3A_166 = arith.constant 0 : i32
      %dma_start3A_167 = arith.constant 0 : i32
      %dma_start3A_168 = tpu.memref_slice %arg6[%run_scoped3A, %dma_start3A_166, %dma_start3A_167] : memref<3x256x32xf32, #tpu.memory_space<vmem>> -> memref<1x256x32xf32, #tpu.memory_space<vmem>>
      %dma_start3A_169 = tpu.memref_squeeze %dma_start3A_168 : memref<1x256x32xf32, #tpu.memory_space<vmem>> -> memref<256x32xf32, #tpu.memory_space<vmem>>
      tpu.enqueue_dma source(%dma_start3A_169 : memref<256x32xf32, #tpu.memory_space<vmem>>) target(%dma_start3A_165 : memref<256x32xf32, #tpu.memory_space<hbm>>) target_semaphore(%run_scoped3A_157 : memref<!tpu.dma_semaphore, #tpu.memory_space<semaphore_mem>>)
      %dma_wait3A_170 = arith.constant 0 : i32
      %dma_wait3A_171 = arith.constant 0 : i32
      %dma_wait3A_172 = tpu.memref_slice %arg6[%run_scoped3A, %dma_wait3A_170, %dma_wait3A_171] : memref<3x256x32xf32, #tpu.memory_space<vmem>> -> memref<1x256x32xf32, #tpu.memory_space<vmem>>
      %dma_wait3A_173 = tpu.memref_squeeze %dma_wait3A_172 : memref<1x256x32xf32, #tpu.memory_space<vmem>> -> memref<256x32xf32, #tpu.memory_space<vmem>>
      %dma_wait3A_174 = arith.constant 0 : i32
      %dma_wait3A_175 = tpu.memref_slice %arg4[%add3A_146, %dma_wait3A_174] : memref<24576x32xf32, #tpu.memory_space<hbm>> -> memref<256x32xf32, #tpu.memory_space<hbm>>
      %dma_wait3A_176 = arith.constant 0 : i32
      %dma_wait3A_177 = tpu.memref_slice %arg4[%add3A_146, %dma_wait3A_176] : memref<24576x32xf32, #tpu.memory_space<hbm>> -> memref<256x32xf32, #tpu.memory_space<hbm>>
      %dma_wait3A_178 = arith.constant 0 : i32
      %dma_wait3A_179 = arith.constant 0 : i32
      %dma_wait3A_180 = tpu.memref_slice %arg6[%run_scoped3A, %dma_wait3A_178, %dma_wait3A_179] : memref<3x256x32xf32, #tpu.memory_space<vmem>> -> memref<1x256x32xf32, #tpu.memory_space<vmem>>
      %dma_wait3A_181 = tpu.memref_squeeze %dma_wait3A_180 : memref<1x256x32xf32, #tpu.memory_space<vmem>> -> memref<256x32xf32, #tpu.memory_space<vmem>>
      tpu.wait_dma2 semaphore(%run_scoped3A_157 : memref<!tpu.dma_semaphore, #tpu.memory_space<semaphore_mem>>) src(%dma_wait3A_181 : memref<256x32xf32, #tpu.memory_space<vmem>>) dst(%dma_wait3A_177 : memref<256x32xf32, #tpu.memory_space<hbm>>)
      tpu.yield
    }) : () -> ()
    %mul3A_147 = arith.constant 256 : i32
    %mul3A_148 = arith.muli %add3A, %mul3A_147 : i32
    %add3A_149 = arith.constant 8192 : i32
    %add3A_150 = arith.addi %add3A_149, %mul3A_148 : i32
    %run_scoped3A_151 = arith.constant 1 : i32
    "tpu.region"() ({
      %run_scoped3A_157 = tpu.sem_alloc : memref<!tpu.dma_semaphore, #tpu.memory_space<semaphore_mem>>
      %dma_start3A_158 = arith.constant 0 : i32
      %dma_start3A_159 = arith.constant 0 : i32
      %dma_start3A_160 = tpu.memref_slice %arg6[%run_scoped3A_151, %dma_start3A_158, %dma_start3A_159] : memref<3x256x32xf32, #tpu.memory_space<vmem>> -> memref<1x256x32xf32, #tpu.memory_space<vmem>>
      %dma_start3A_161 = tpu.memref_squeeze %dma_start3A_160 : memref<1x256x32xf32, #tpu.memory_space<vmem>> -> memref<256x32xf32, #tpu.memory_space<vmem>>
      %dma_start3A_162 = arith.constant 0 : i32
      %dma_start3A_163 = tpu.memref_slice %arg4[%add3A_150, %dma_start3A_162] : memref<24576x32xf32, #tpu.memory_space<hbm>> -> memref<256x32xf32, #tpu.memory_space<hbm>>
      %dma_start3A_164 = arith.constant 0 : i32
      %dma_start3A_165 = tpu.memref_slice %arg4[%add3A_150, %dma_start3A_164] : memref<24576x32xf32, #tpu.memory_space<hbm>> -> memref<256x32xf32, #tpu.memory_space<hbm>>
      %dma_start3A_166 = arith.constant 0 : i32
      %dma_start3A_167 = arith.constant 0 : i32
      %dma_start3A_168 = tpu.memref_slice %arg6[%run_scoped3A_151, %dma_start3A_166, %dma_start3A_167] : memref<3x256x32xf32, #tpu.memory_space<vmem>> -> memref<1x256x32xf32, #tpu.memory_space<vmem>>
      %dma_start3A_169 = tpu.memref_squeeze %dma_start3A_168 : memref<1x256x32xf32, #tpu.memory_space<vmem>> -> memref<256x32xf32, #tpu.memory_space<vmem>>
      tpu.enqueue_dma source(%dma_start3A_169 : memref<256x32xf32, #tpu.memory_space<vmem>>) target(%dma_start3A_165 : memref<256x32xf32, #tpu.memory_space<hbm>>) target_semaphore(%run_scoped3A_157 : memref<!tpu.dma_semaphore, #tpu.memory_space<semaphore_mem>>)
      %dma_wait3A_170 = arith.constant 0 : i32
      %dma_wait3A_171 = arith.constant 0 : i32
      %dma_wait3A_172 = tpu.memref_slice %arg6[%run_scoped3A_151, %dma_wait3A_170, %dma_wait3A_171] : memref<3x256x32xf32, #tpu.memory_space<vmem>> -> memref<1x256x32xf32, #tpu.memory_space<vmem>>
      %dma_wait3A_173 = tpu.memref_squeeze %dma_wait3A_172 : memref<1x256x32xf32, #tpu.memory_space<vmem>> -> memref<256x32xf32, #tpu.memory_space<vmem>>
      %dma_wait3A_174 = arith.constant 0 : i32
      %dma_wait3A_175 = tpu.memref_slice %arg4[%add3A_150, %dma_wait3A_174] : memref<24576x32xf32, #tpu.memory_space<hbm>> -> memref<256x32xf32, #tpu.memory_space<hbm>>
      %dma_wait3A_176 = arith.constant 0 : i32
      %dma_wait3A_177 = tpu.memref_slice %arg4[%add3A_150, %dma_wait3A_176] : memref<24576x32xf32, #tpu.memory_space<hbm>> -> memref<256x32xf32, #tpu.memory_space<hbm>>
      %dma_wait3A_178 = arith.constant 0 : i32
      %dma_wait3A_179 = arith.constant 0 : i32
      %dma_wait3A_180 = tpu.memref_slice %arg6[%run_scoped3A_151, %dma_wait3A_178, %dma_wait3A_179] : memref<3x256x32xf32, #tpu.memory_space<vmem>> -> memref<1x256x32xf32, #tpu.memory_space<vmem>>
      %dma_wait3A_181 = tpu.memref_squeeze %dma_wait3A_180 : memref<1x256x32xf32, #tpu.memory_space<vmem>> -> memref<256x32xf32, #tpu.memory_space<vmem>>
      tpu.wait_dma2 semaphore(%run_scoped3A_157 : memref<!tpu.dma_semaphore, #tpu.memory_space<semaphore_mem>>) src(%dma_wait3A_181 : memref<256x32xf32, #tpu.memory_space<vmem>>) dst(%dma_wait3A_177 : memref<256x32xf32, #tpu.memory_space<hbm>>)
      tpu.yield
    }) : () -> ()
    %mul3A_152 = arith.constant 256 : i32
    %mul3A_153 = arith.muli %add3A, %mul3A_152 : i32
    %add3A_154 = arith.constant 16384 : i32
    %add3A_155 = arith.addi %add3A_154, %mul3A_153 : i32
    %run_scoped3A_156 = arith.constant 2 : i32
    "tpu.region"() ({
      %run_scoped3A_157 = tpu.sem_alloc : memref<!tpu.dma_semaphore, #tpu.memory_space<semaphore_mem>>
      %dma_start3A_158 = arith.constant 0 : i32
      %dma_start3A_159 = arith.constant 0 : i32
      %dma_start3A_160 = tpu.memref_slice %arg6[%run_scoped3A_156, %dma_start3A_158, %dma_start3A_159] : memref<3x256x32xf32, #tpu.memory_space<vmem>> -> memref<1x256x32xf32, #tpu.memory_space<vmem>>
      %dma_start3A_161 = tpu.memref_squeeze %dma_start3A_160 : memref<1x256x32xf32, #tpu.memory_space<vmem>> -> memref<256x32xf32, #tpu.memory_space<vmem>>
      %dma_start3A_162 = arith.constant 0 : i32
      %dma_start3A_163 = tpu.memref_slice %arg4[%add3A_155, %dma_start3A_162] : memref<24576x32xf32, #tpu.memory_space<hbm>> -> memref<256x32xf32, #tpu.memory_space<hbm>>
      %dma_start3A_164 = arith.constant 0 : i32
      %dma_start3A_165 = tpu.memref_slice %arg4[%add3A_155, %dma_start3A_164] : memref<24576x32xf32, #tpu.memory_space<hbm>> -> memref<256x32xf32, #tpu.memory_space<hbm>>
      %dma_start3A_166 = arith.constant 0 : i32
      %dma_start3A_167 = arith.constant 0 : i32
      %dma_start3A_168 = tpu.memref_slice %arg6[%run_scoped3A_156, %dma_start3A_166, %dma_start3A_167] : memref<3x256x32xf32, #tpu.memory_space<vmem>> -> memref<1x256x32xf32, #tpu.memory_space<vmem>>
      %dma_start3A_169 = tpu.memref_squeeze %dma_start3A_168 : memref<1x256x32xf32, #tpu.memory_space<vmem>> -> memref<256x32xf32, #tpu.memory_space<vmem>>
      tpu.enqueue_dma source(%dma_start3A_169 : memref<256x32xf32, #tpu.memory_space<vmem>>) target(%dma_start3A_165 : memref<256x32xf32, #tpu.memory_space<hbm>>) target_semaphore(%run_scoped3A_157 : memref<!tpu.dma_semaphore, #tpu.memory_space<semaphore_mem>>)
      %dma_wait3A_170 = arith.constant 0 : i32
      %dma_wait3A_171 = arith.constant 0 : i32
      %dma_wait3A_172 = tpu.memref_slice %arg6[%run_scoped3A_156, %dma_wait3A_170, %dma_wait3A_171] : memref<3x256x32xf32, #tpu.memory_space<vmem>> -> memref<1x256x32xf32, #tpu.memory_space<vmem>>
      %dma_wait3A_173 = tpu.memref_squeeze %dma_wait3A_172 : memref<1x256x32xf32, #tpu.memory_space<vmem>> -> memref<256x32xf32, #tpu.memory_space<vmem>>
      %dma_wait3A_174 = arith.constant 0 : i32
      %dma_wait3A_175 = tpu.memref_slice %arg4[%add3A_155, %dma_wait3A_174] : memref<24576x32xf32, #tpu.memory_space<hbm>> -> memref<256x32xf32, #tpu.memory_space<hbm>>
      %dma_wait3A_176 = arith.constant 0 : i32
      %dma_wait3A_177 = tpu.memref_slice %arg4[%add3A_155, %dma_wait3A_176] : memref<24576x32xf32, #tpu.memory_space<hbm>> -> memref<256x32xf32, #tpu.memory_space<hbm>>
      %dma_wait3A_178 = arith.constant 0 : i32
      %dma_wait3A_179 = arith.constant 0 : i32
      %dma_wait3A_180 = tpu.memref_slice %arg6[%run_scoped3A_156, %dma_wait3A_178, %dma_wait3A_179] : memref<3x256x32xf32, #tpu.memory_space<vmem>> -> memref<1x256x32xf32, #tpu.memory_space<vmem>>
      %dma_wait3A_181 = tpu.memref_squeeze %dma_wait3A_180 : memref<1x256x32xf32, #tpu.memory_space<vmem>> -> memref<256x32xf32, #tpu.memory_space<vmem>>
      tpu.wait_dma2 semaphore(%run_scoped3A_157 : memref<!tpu.dma_semaphore, #tpu.memory_space<semaphore_mem>>) src(%dma_wait3A_181 : memref<256x32xf32, #tpu.memory_space<vmem>>) dst(%dma_wait3A_177 : memref<256x32xf32, #tpu.memory_space<hbm>>)
      tpu.yield
    }) : () -> ()
    return
  }
}

#map = affine_map<(d0, d1) -> (0, 0)>
#map1 = affine_map<(d0, d1) -> (0, 0, 0)>
module attributes {stable_mosaic.version = 14 : i64} {
  func.func @gather_kernel(%arg0: i32, %arg1: i32, %arg2: memref<16000x32xf32, #tpu.memory_space<hbm>>, %arg3: memref<32x4x256xi32, #tpu.memory_space<hbm>>, %arg4: memref<32768x32xf32, #tpu.memory_space<hbm>>, %arg5: memref<4x256xi32, #tpu.memory_space<vmem>>, %arg6: memref<4x256x32xf32, #tpu.memory_space<vmem>>, %arg7: memref<!tpu.dma_semaphore, #tpu.memory_space<semaphore_mem>>) attributes {dimension_semantics = [#tpu.dimension_semantics<core_parallel>, #tpu.dimension_semantics<subcore_parallel>], iteration_bounds = array<i64: 2, 16>, scalar_prefetch = 0 : i64, scratch_operands = 3 : i64, tpu.core_type = #tpu.core_type<sc_vector_subcore>, window_params = [{transform_indices = #map}, {transform_indices = #map1}, {transform_indices = #map}]} {
    %mul3A = arith.constant 2 : i32
    %mul3A_0 = arith.muli %arg1, %mul3A : i32
    %add3A = arith.addi %mul3A_0, %arg0 : i32
    "tpu.region"() ({
      %run_scoped3A_210 = tpu.sem_alloc : memref<!tpu.dma_semaphore, #tpu.memory_space<semaphore_mem>>
      %dma_start3A_211 = arith.constant 0 : i32
      %dma_start3A_212 = arith.constant 0 : i32
      %dma_start3A_213 = tpu.memref_slice %arg3[%add3A, %dma_start3A_211, %dma_start3A_212] : memref<32x4x256xi32, #tpu.memory_space<hbm>> -> memref<1x4x256xi32, #tpu.memory_space<hbm>>
      %dma_start3A_214 = tpu.memref_squeeze %dma_start3A_213 : memref<1x4x256xi32, #tpu.memory_space<hbm>> -> memref<4x256xi32, #tpu.memory_space<hbm>>
      %dma_start3A_215 = arith.constant 0 : i32
      %dma_start3A_216 = arith.constant 0 : i32
      %dma_start3A_217 = tpu.memref_slice %arg3[%add3A, %dma_start3A_215, %dma_start3A_216] : memref<32x4x256xi32, #tpu.memory_space<hbm>> -> memref<1x4x256xi32, #tpu.memory_space<hbm>>
      %dma_start3A_218 = tpu.memref_squeeze %dma_start3A_217 : memref<1x4x256xi32, #tpu.memory_space<hbm>> -> memref<4x256xi32, #tpu.memory_space<hbm>>
      tpu.enqueue_dma source(%dma_start3A_218 : memref<4x256xi32, #tpu.memory_space<hbm>>) target(%arg5 : memref<4x256xi32, #tpu.memory_space<vmem>>) target_semaphore(%run_scoped3A_210 : memref<!tpu.dma_semaphore, #tpu.memory_space<semaphore_mem>>)
      %dma_wait3A_219 = arith.constant 0 : i32
      %dma_wait3A_220 = arith.constant 0 : i32
      %dma_wait3A_221 = tpu.memref_slice %arg3[%add3A, %dma_wait3A_219, %dma_wait3A_220] : memref<32x4x256xi32, #tpu.memory_space<hbm>> -> memref<1x4x256xi32, #tpu.memory_space<hbm>>
      %dma_wait3A_222 = tpu.memref_squeeze %dma_wait3A_221 : memref<1x4x256xi32, #tpu.memory_space<hbm>> -> memref<4x256xi32, #tpu.memory_space<hbm>>
      %dma_wait3A_223 = arith.constant 0 : i32
      %dma_wait3A_224 = arith.constant 0 : i32
      %dma_wait3A_225 = tpu.memref_slice %arg3[%add3A, %dma_wait3A_223, %dma_wait3A_224] : memref<32x4x256xi32, #tpu.memory_space<hbm>> -> memref<1x4x256xi32, #tpu.memory_space<hbm>>
      %dma_wait3A_226 = tpu.memref_squeeze %dma_wait3A_225 : memref<1x4x256xi32, #tpu.memory_space<hbm>> -> memref<4x256xi32, #tpu.memory_space<hbm>>
      tpu.wait_dma2 semaphore(%run_scoped3A_210 : memref<!tpu.dma_semaphore, #tpu.memory_space<semaphore_mem>>) src(%dma_wait3A_226 : memref<4x256xi32, #tpu.memory_space<hbm>>) dst(%arg5 : memref<4x256xi32, #tpu.memory_space<vmem>>)
      tpu.yield
    }) : () -> ()
    %dma_start3A = arith.constant 0 : i32
    %dma_start3A_1 = arith.constant 0 : i32
    %dma_start3A_2 = arith.constant 0 : i32
    %dma_start3A_3 = arith.constant 0 : i32
    %dma_start3A_4 = tpu.memref_slice %arg6[%dma_start3A_1, %dma_start3A_2, %dma_start3A_3] : memref<4x256x32xf32, #tpu.memory_space<vmem>> -> memref<1x128x32xf32, #tpu.memory_space<vmem>>
    %dma_start3A_5 = tpu.memref_squeeze %dma_start3A_4 : memref<1x128x32xf32, #tpu.memory_space<vmem>> -> memref<128x32xf32, #tpu.memory_space<vmem>>
    %dma_start3A_6 = arith.constant 0 : i32
    %dma_start3A_7 = tpu.memref_slice %arg5[%dma_start3A, %dma_start3A_6] : memref<4x256xi32, #tpu.memory_space<vmem>> -> memref<1x128xi32, #tpu.memory_space<vmem>>
    %dma_start3A_8 = tpu.memref_squeeze %dma_start3A_7 : memref<1x128xi32, #tpu.memory_space<vmem>> -> memref<128xi32, #tpu.memory_space<vmem>>
    %dma_start3A_9 = arith.constant 0 : i32
    %dma_start3A_10 = arith.constant 0 : i32
    %dma_start3A_11 = tpu.memref_slice %arg2[%dma_start3A_9, %dma_start3A_10] : memref<16000x32xf32, #tpu.memory_space<hbm>> -> memref<16000x32xf32, #tpu.memory_space<hbm>>
    tpu.enqueue_indirect_dma source(%dma_start3A_11 : memref<16000x32xf32, #tpu.memory_space<hbm>>) target(%dma_start3A_5 : memref<128x32xf32, #tpu.memory_space<vmem>>) offsets(%dma_start3A_8 : memref<128xi32, #tpu.memory_space<vmem>>) semaphore(%arg7 : memref<!tpu.dma_semaphore, #tpu.memory_space<semaphore_mem>>)
    %dma_start3A_12 = arith.constant 0 : i32
    %dma_start3A_13 = arith.constant 0 : i32
    %dma_start3A_14 = arith.constant 128 : i32
    %dma_start3A_15 = arith.constant 0 : i32
    %dma_start3A_16 = tpu.memref_slice %arg6[%dma_start3A_13, %dma_start3A_14, %dma_start3A_15] : memref<4x256x32xf32, #tpu.memory_space<vmem>> -> memref<1x128x32xf32, #tpu.memory_space<vmem>>
    %dma_start3A_17 = tpu.memref_squeeze %dma_start3A_16 : memref<1x128x32xf32, #tpu.memory_space<vmem>> -> memref<128x32xf32, #tpu.memory_space<vmem>>
    %dma_start3A_18 = arith.constant 128 : i32
    %dma_start3A_19 = tpu.memref_slice %arg5[%dma_start3A_12, %dma_start3A_18] : memref<4x256xi32, #tpu.memory_space<vmem>> -> memref<1x128xi32, #tpu.memory_space<vmem>>
    %dma_start3A_20 = tpu.memref_squeeze %dma_start3A_19 : memref<1x128xi32, #tpu.memory_space<vmem>> -> memref<128xi32, #tpu.memory_space<vmem>>
    %dma_start3A_21 = arith.constant 0 : i32
    %dma_start3A_22 = arith.constant 0 : i32
    %dma_start3A_23 = tpu.memref_slice %arg2[%dma_start3A_21, %dma_start3A_22] : memref<16000x32xf32, #tpu.memory_space<hbm>> -> memref<16000x32xf32, #tpu.memory_space<hbm>>
    tpu.enqueue_indirect_dma source(%dma_start3A_23 : memref<16000x32xf32, #tpu.memory_space<hbm>>) target(%dma_start3A_17 : memref<128x32xf32, #tpu.memory_space<vmem>>) offsets(%dma_start3A_20 : memref<128xi32, #tpu.memory_space<vmem>>) semaphore(%arg7 : memref<!tpu.dma_semaphore, #tpu.memory_space<semaphore_mem>>)
    %dma_start3A_24 = arith.constant 1 : i32
    %dma_start3A_25 = arith.constant 1 : i32
    %dma_start3A_26 = arith.constant 0 : i32
    %dma_start3A_27 = arith.constant 0 : i32
    %dma_start3A_28 = tpu.memref_slice %arg6[%dma_start3A_25, %dma_start3A_26, %dma_start3A_27] : memref<4x256x32xf32, #tpu.memory_space<vmem>> -> memref<1x128x32xf32, #tpu.memory_space<vmem>>
    %dma_start3A_29 = tpu.memref_squeeze %dma_start3A_28 : memref<1x128x32xf32, #tpu.memory_space<vmem>> -> memref<128x32xf32, #tpu.memory_space<vmem>>
    %dma_start3A_30 = arith.constant 0 : i32
    %dma_start3A_31 = tpu.memref_slice %arg5[%dma_start3A_24, %dma_start3A_30] : memref<4x256xi32, #tpu.memory_space<vmem>> -> memref<1x128xi32, #tpu.memory_space<vmem>>
    %dma_start3A_32 = tpu.memref_squeeze %dma_start3A_31 : memref<1x128xi32, #tpu.memory_space<vmem>> -> memref<128xi32, #tpu.memory_space<vmem>>
    %dma_start3A_33 = arith.constant 0 : i32
    %dma_start3A_34 = arith.constant 0 : i32
    %dma_start3A_35 = tpu.memref_slice %arg2[%dma_start3A_33, %dma_start3A_34] : memref<16000x32xf32, #tpu.memory_space<hbm>> -> memref<16000x32xf32, #tpu.memory_space<hbm>>
    tpu.enqueue_indirect_dma source(%dma_start3A_35 : memref<16000x32xf32, #tpu.memory_space<hbm>>) target(%dma_start3A_29 : memref<128x32xf32, #tpu.memory_space<vmem>>) offsets(%dma_start3A_32 : memref<128xi32, #tpu.memory_space<vmem>>) semaphore(%arg7 : memref<!tpu.dma_semaphore, #tpu.memory_space<semaphore_mem>>)
    %dma_start3A_36 = arith.constant 1 : i32
    %dma_start3A_37 = arith.constant 1 : i32
    %dma_start3A_38 = arith.constant 128 : i32
    %dma_start3A_39 = arith.constant 0 : i32
    %dma_start3A_40 = tpu.memref_slice %arg6[%dma_start3A_37, %dma_start3A_38, %dma_start3A_39] : memref<4x256x32xf32, #tpu.memory_space<vmem>> -> memref<1x128x32xf32, #tpu.memory_space<vmem>>
    %dma_start3A_41 = tpu.memref_squeeze %dma_start3A_40 : memref<1x128x32xf32, #tpu.memory_space<vmem>> -> memref<128x32xf32, #tpu.memory_space<vmem>>
    %dma_start3A_42 = arith.constant 128 : i32
    %dma_start3A_43 = tpu.memref_slice %arg5[%dma_start3A_36, %dma_start3A_42] : memref<4x256xi32, #tpu.memory_space<vmem>> -> memref<1x128xi32, #tpu.memory_space<vmem>>
    %dma_start3A_44 = tpu.memref_squeeze %dma_start3A_43 : memref<1x128xi32, #tpu.memory_space<vmem>> -> memref<128xi32, #tpu.memory_space<vmem>>
    %dma_start3A_45 = arith.constant 0 : i32
    %dma_start3A_46 = arith.constant 0 : i32
    %dma_start3A_47 = tpu.memref_slice %arg2[%dma_start3A_45, %dma_start3A_46] : memref<16000x32xf32, #tpu.memory_space<hbm>> -> memref<16000x32xf32, #tpu.memory_space<hbm>>
    tpu.enqueue_indirect_dma source(%dma_start3A_47 : memref<16000x32xf32, #tpu.memory_space<hbm>>) target(%dma_start3A_41 : memref<128x32xf32, #tpu.memory_space<vmem>>) offsets(%dma_start3A_44 : memref<128xi32, #tpu.memory_space<vmem>>) semaphore(%arg7 : memref<!tpu.dma_semaphore, #tpu.memory_space<semaphore_mem>>)
    %dma_start3A_48 = arith.constant 2 : i32
    %dma_start3A_49 = arith.constant 2 : i32
    %dma_start3A_50 = arith.constant 0 : i32
    %dma_start3A_51 = arith.constant 0 : i32
    %dma_start3A_52 = tpu.memref_slice %arg6[%dma_start3A_49, %dma_start3A_50, %dma_start3A_51] : memref<4x256x32xf32, #tpu.memory_space<vmem>> -> memref<1x128x32xf32, #tpu.memory_space<vmem>>
    %dma_start3A_53 = tpu.memref_squeeze %dma_start3A_52 : memref<1x128x32xf32, #tpu.memory_space<vmem>> -> memref<128x32xf32, #tpu.memory_space<vmem>>
    %dma_start3A_54 = arith.constant 0 : i32
    %dma_start3A_55 = tpu.memref_slice %arg5[%dma_start3A_48, %dma_start3A_54] : memref<4x256xi32, #tpu.memory_space<vmem>> -> memref<1x128xi32, #tpu.memory_space<vmem>>
    %dma_start3A_56 = tpu.memref_squeeze %dma_start3A_55 : memref<1x128xi32, #tpu.memory_space<vmem>> -> memref<128xi32, #tpu.memory_space<vmem>>
    %dma_start3A_57 = arith.constant 0 : i32
    %dma_start3A_58 = arith.constant 0 : i32
    %dma_start3A_59 = tpu.memref_slice %arg2[%dma_start3A_57, %dma_start3A_58] : memref<16000x32xf32, #tpu.memory_space<hbm>> -> memref<16000x32xf32, #tpu.memory_space<hbm>>
    tpu.enqueue_indirect_dma source(%dma_start3A_59 : memref<16000x32xf32, #tpu.memory_space<hbm>>) target(%dma_start3A_53 : memref<128x32xf32, #tpu.memory_space<vmem>>) offsets(%dma_start3A_56 : memref<128xi32, #tpu.memory_space<vmem>>) semaphore(%arg7 : memref<!tpu.dma_semaphore, #tpu.memory_space<semaphore_mem>>)
    %dma_start3A_60 = arith.constant 2 : i32
    %dma_start3A_61 = arith.constant 2 : i32
    %dma_start3A_62 = arith.constant 128 : i32
    %dma_start3A_63 = arith.constant 0 : i32
    %dma_start3A_64 = tpu.memref_slice %arg6[%dma_start3A_61, %dma_start3A_62, %dma_start3A_63] : memref<4x256x32xf32, #tpu.memory_space<vmem>> -> memref<1x128x32xf32, #tpu.memory_space<vmem>>
    %dma_start3A_65 = tpu.memref_squeeze %dma_start3A_64 : memref<1x128x32xf32, #tpu.memory_space<vmem>> -> memref<128x32xf32, #tpu.memory_space<vmem>>
    %dma_start3A_66 = arith.constant 128 : i32
    %dma_start3A_67 = tpu.memref_slice %arg5[%dma_start3A_60, %dma_start3A_66] : memref<4x256xi32, #tpu.memory_space<vmem>> -> memref<1x128xi32, #tpu.memory_space<vmem>>
    %dma_start3A_68 = tpu.memref_squeeze %dma_start3A_67 : memref<1x128xi32, #tpu.memory_space<vmem>> -> memref<128xi32, #tpu.memory_space<vmem>>
    %dma_start3A_69 = arith.constant 0 : i32
    %dma_start3A_70 = arith.constant 0 : i32
    %dma_start3A_71 = tpu.memref_slice %arg2[%dma_start3A_69, %dma_start3A_70] : memref<16000x32xf32, #tpu.memory_space<hbm>> -> memref<16000x32xf32, #tpu.memory_space<hbm>>
    tpu.enqueue_indirect_dma source(%dma_start3A_71 : memref<16000x32xf32, #tpu.memory_space<hbm>>) target(%dma_start3A_65 : memref<128x32xf32, #tpu.memory_space<vmem>>) offsets(%dma_start3A_68 : memref<128xi32, #tpu.memory_space<vmem>>) semaphore(%arg7 : memref<!tpu.dma_semaphore, #tpu.memory_space<semaphore_mem>>)
    %dma_start3A_72 = arith.constant 3 : i32
    %dma_start3A_73 = arith.constant 3 : i32
    %dma_start3A_74 = arith.constant 0 : i32
    %dma_start3A_75 = arith.constant 0 : i32
    %dma_start3A_76 = tpu.memref_slice %arg6[%dma_start3A_73, %dma_start3A_74, %dma_start3A_75] : memref<4x256x32xf32, #tpu.memory_space<vmem>> -> memref<1x128x32xf32, #tpu.memory_space<vmem>>
    %dma_start3A_77 = tpu.memref_squeeze %dma_start3A_76 : memref<1x128x32xf32, #tpu.memory_space<vmem>> -> memref<128x32xf32, #tpu.memory_space<vmem>>
    %dma_start3A_78 = arith.constant 0 : i32
    %dma_start3A_79 = tpu.memref_slice %arg5[%dma_start3A_72, %dma_start3A_78] : memref<4x256xi32, #tpu.memory_space<vmem>> -> memref<1x128xi32, #tpu.memory_space<vmem>>
    %dma_start3A_80 = tpu.memref_squeeze %dma_start3A_79 : memref<1x128xi32, #tpu.memory_space<vmem>> -> memref<128xi32, #tpu.memory_space<vmem>>
    %dma_start3A_81 = arith.constant 0 : i32
    %dma_start3A_82 = arith.constant 0 : i32
    %dma_start3A_83 = tpu.memref_slice %arg2[%dma_start3A_81, %dma_start3A_82] : memref<16000x32xf32, #tpu.memory_space<hbm>> -> memref<16000x32xf32, #tpu.memory_space<hbm>>
    tpu.enqueue_indirect_dma source(%dma_start3A_83 : memref<16000x32xf32, #tpu.memory_space<hbm>>) target(%dma_start3A_77 : memref<128x32xf32, #tpu.memory_space<vmem>>) offsets(%dma_start3A_80 : memref<128xi32, #tpu.memory_space<vmem>>) semaphore(%arg7 : memref<!tpu.dma_semaphore, #tpu.memory_space<semaphore_mem>>)
    %dma_start3A_84 = arith.constant 3 : i32
    %dma_start3A_85 = arith.constant 3 : i32
    %dma_start3A_86 = arith.constant 128 : i32
    %dma_start3A_87 = arith.constant 0 : i32
    %dma_start3A_88 = tpu.memref_slice %arg6[%dma_start3A_85, %dma_start3A_86, %dma_start3A_87] : memref<4x256x32xf32, #tpu.memory_space<vmem>> -> memref<1x128x32xf32, #tpu.memory_space<vmem>>
    %dma_start3A_89 = tpu.memref_squeeze %dma_start3A_88 : memref<1x128x32xf32, #tpu.memory_space<vmem>> -> memref<128x32xf32, #tpu.memory_space<vmem>>
    %dma_start3A_90 = arith.constant 128 : i32
    %dma_start3A_91 = tpu.memref_slice %arg5[%dma_start3A_84, %dma_start3A_90] : memref<4x256xi32, #tpu.memory_space<vmem>> -> memref<1x128xi32, #tpu.memory_space<vmem>>
    %dma_start3A_92 = tpu.memref_squeeze %dma_start3A_91 : memref<1x128xi32, #tpu.memory_space<vmem>> -> memref<128xi32, #tpu.memory_space<vmem>>
    %dma_start3A_93 = arith.constant 0 : i32
    %dma_start3A_94 = arith.constant 0 : i32
    %dma_start3A_95 = tpu.memref_slice %arg2[%dma_start3A_93, %dma_start3A_94] : memref<16000x32xf32, #tpu.memory_space<hbm>> -> memref<16000x32xf32, #tpu.memory_space<hbm>>
    tpu.enqueue_indirect_dma source(%dma_start3A_95 : memref<16000x32xf32, #tpu.memory_space<hbm>>) target(%dma_start3A_89 : memref<128x32xf32, #tpu.memory_space<vmem>>) offsets(%dma_start3A_92 : memref<128xi32, #tpu.memory_space<vmem>>) semaphore(%arg7 : memref<!tpu.dma_semaphore, #tpu.memory_space<semaphore_mem>>)
    %dma_wait3A = arith.constant 0 : i32
    %dma_wait3A_96 = arith.constant 0 : i32
    %dma_wait3A_97 = arith.constant 0 : i32
    %dma_wait3A_98 = arith.constant 0 : i32
    %dma_wait3A_99 = tpu.memref_slice %arg6[%dma_wait3A_96, %dma_wait3A_97, %dma_wait3A_98] : memref<4x256x32xf32, #tpu.memory_space<vmem>> -> memref<1x128x32xf32, #tpu.memory_space<vmem>>
    %dma_wait3A_100 = tpu.memref_squeeze %dma_wait3A_99 : memref<1x128x32xf32, #tpu.memory_space<vmem>> -> memref<128x32xf32, #tpu.memory_space<vmem>>
    %dma_wait3A_101 = arith.constant 0 : i32
    %dma_wait3A_102 = tpu.memref_slice %arg5[%dma_wait3A, %dma_wait3A_101] : memref<4x256xi32, #tpu.memory_space<vmem>> -> memref<1x128xi32, #tpu.memory_space<vmem>>
    %dma_wait3A_103 = tpu.memref_squeeze %dma_wait3A_102 : memref<1x128xi32, #tpu.memory_space<vmem>> -> memref<128xi32, #tpu.memory_space<vmem>>
    %dma_wait3A_104 = arith.constant 0 : i32
    %dma_wait3A_105 = arith.constant 0 : i32
    %dma_wait3A_106 = tpu.memref_slice %arg2[%dma_wait3A_104, %dma_wait3A_105] : memref<16000x32xf32, #tpu.memory_space<hbm>> -> memref<16000x32xf32, #tpu.memory_space<hbm>>
    tpu.wait_indirect_dma semaphore(%arg7 : memref<!tpu.dma_semaphore, #tpu.memory_space<semaphore_mem>>) src(%dma_wait3A_106 : memref<16000x32xf32, #tpu.memory_space<hbm>>) dst(%dma_wait3A_100 : memref<128x32xf32, #tpu.memory_space<vmem>>)
    %dma_wait3A_107 = arith.constant 0 : i32
    %dma_wait3A_108 = arith.constant 0 : i32
    %dma_wait3A_109 = arith.constant 128 : i32
    %dma_wait3A_110 = arith.constant 0 : i32
    %dma_wait3A_111 = tpu.memref_slice %arg6[%dma_wait3A_108, %dma_wait3A_109, %dma_wait3A_110] : memref<4x256x32xf32, #tpu.memory_space<vmem>> -> memref<1x128x32xf32, #tpu.memory_space<vmem>>
    %dma_wait3A_112 = tpu.memref_squeeze %dma_wait3A_111 : memref<1x128x32xf32, #tpu.memory_space<vmem>> -> memref<128x32xf32, #tpu.memory_space<vmem>>
    %dma_wait3A_113 = arith.constant 128 : i32
    %dma_wait3A_114 = tpu.memref_slice %arg5[%dma_wait3A_107, %dma_wait3A_113] : memref<4x256xi32, #tpu.memory_space<vmem>> -> memref<1x128xi32, #tpu.memory_space<vmem>>
    %dma_wait3A_115 = tpu.memref_squeeze %dma_wait3A_114 : memref<1x128xi32, #tpu.memory_space<vmem>> -> memref<128xi32, #tpu.memory_space<vmem>>
    %dma_wait3A_116 = arith.constant 0 : i32
    %dma_wait3A_117 = arith.constant 0 : i32
    %dma_wait3A_118 = tpu.memref_slice %arg2[%dma_wait3A_116, %dma_wait3A_117] : memref<16000x32xf32, #tpu.memory_space<hbm>> -> memref<16000x32xf32, #tpu.memory_space<hbm>>
    tpu.wait_indirect_dma semaphore(%arg7 : memref<!tpu.dma_semaphore, #tpu.memory_space<semaphore_mem>>) src(%dma_wait3A_118 : memref<16000x32xf32, #tpu.memory_space<hbm>>) dst(%dma_wait3A_112 : memref<128x32xf32, #tpu.memory_space<vmem>>)
    %dma_wait3A_119 = arith.constant 1 : i32
    %dma_wait3A_120 = arith.constant 1 : i32
    %dma_wait3A_121 = arith.constant 0 : i32
    %dma_wait3A_122 = arith.constant 0 : i32
    %dma_wait3A_123 = tpu.memref_slice %arg6[%dma_wait3A_120, %dma_wait3A_121, %dma_wait3A_122] : memref<4x256x32xf32, #tpu.memory_space<vmem>> -> memref<1x128x32xf32, #tpu.memory_space<vmem>>
    %dma_wait3A_124 = tpu.memref_squeeze %dma_wait3A_123 : memref<1x128x32xf32, #tpu.memory_space<vmem>> -> memref<128x32xf32, #tpu.memory_space<vmem>>
    %dma_wait3A_125 = arith.constant 0 : i32
    %dma_wait3A_126 = tpu.memref_slice %arg5[%dma_wait3A_119, %dma_wait3A_125] : memref<4x256xi32, #tpu.memory_space<vmem>> -> memref<1x128xi32, #tpu.memory_space<vmem>>
    %dma_wait3A_127 = tpu.memref_squeeze %dma_wait3A_126 : memref<1x128xi32, #tpu.memory_space<vmem>> -> memref<128xi32, #tpu.memory_space<vmem>>
    %dma_wait3A_128 = arith.constant 0 : i32
    %dma_wait3A_129 = arith.constant 0 : i32
    %dma_wait3A_130 = tpu.memref_slice %arg2[%dma_wait3A_128, %dma_wait3A_129] : memref<16000x32xf32, #tpu.memory_space<hbm>> -> memref<16000x32xf32, #tpu.memory_space<hbm>>
    tpu.wait_indirect_dma semaphore(%arg7 : memref<!tpu.dma_semaphore, #tpu.memory_space<semaphore_mem>>) src(%dma_wait3A_130 : memref<16000x32xf32, #tpu.memory_space<hbm>>) dst(%dma_wait3A_124 : memref<128x32xf32, #tpu.memory_space<vmem>>)
    %dma_wait3A_131 = arith.constant 1 : i32
    %dma_wait3A_132 = arith.constant 1 : i32
    %dma_wait3A_133 = arith.constant 128 : i32
    %dma_wait3A_134 = arith.constant 0 : i32
    %dma_wait3A_135 = tpu.memref_slice %arg6[%dma_wait3A_132, %dma_wait3A_133, %dma_wait3A_134] : memref<4x256x32xf32, #tpu.memory_space<vmem>> -> memref<1x128x32xf32, #tpu.memory_space<vmem>>
    %dma_wait3A_136 = tpu.memref_squeeze %dma_wait3A_135 : memref<1x128x32xf32, #tpu.memory_space<vmem>> -> memref<128x32xf32, #tpu.memory_space<vmem>>
    %dma_wait3A_137 = arith.constant 128 : i32
    %dma_wait3A_138 = tpu.memref_slice %arg5[%dma_wait3A_131, %dma_wait3A_137] : memref<4x256xi32, #tpu.memory_space<vmem>> -> memref<1x128xi32, #tpu.memory_space<vmem>>
    %dma_wait3A_139 = tpu.memref_squeeze %dma_wait3A_138 : memref<1x128xi32, #tpu.memory_space<vmem>> -> memref<128xi32, #tpu.memory_space<vmem>>
    %dma_wait3A_140 = arith.constant 0 : i32
    %dma_wait3A_141 = arith.constant 0 : i32
    %dma_wait3A_142 = tpu.memref_slice %arg2[%dma_wait3A_140, %dma_wait3A_141] : memref<16000x32xf32, #tpu.memory_space<hbm>> -> memref<16000x32xf32, #tpu.memory_space<hbm>>
    tpu.wait_indirect_dma semaphore(%arg7 : memref<!tpu.dma_semaphore, #tpu.memory_space<semaphore_mem>>) src(%dma_wait3A_142 : memref<16000x32xf32, #tpu.memory_space<hbm>>) dst(%dma_wait3A_136 : memref<128x32xf32, #tpu.memory_space<vmem>>)
    %dma_wait3A_143 = arith.constant 2 : i32
    %dma_wait3A_144 = arith.constant 2 : i32
    %dma_wait3A_145 = arith.constant 0 : i32
    %dma_wait3A_146 = arith.constant 0 : i32
    %dma_wait3A_147 = tpu.memref_slice %arg6[%dma_wait3A_144, %dma_wait3A_145, %dma_wait3A_146] : memref<4x256x32xf32, #tpu.memory_space<vmem>> -> memref<1x128x32xf32, #tpu.memory_space<vmem>>
    %dma_wait3A_148 = tpu.memref_squeeze %dma_wait3A_147 : memref<1x128x32xf32, #tpu.memory_space<vmem>> -> memref<128x32xf32, #tpu.memory_space<vmem>>
    %dma_wait3A_149 = arith.constant 0 : i32
    %dma_wait3A_150 = tpu.memref_slice %arg5[%dma_wait3A_143, %dma_wait3A_149] : memref<4x256xi32, #tpu.memory_space<vmem>> -> memref<1x128xi32, #tpu.memory_space<vmem>>
    %dma_wait3A_151 = tpu.memref_squeeze %dma_wait3A_150 : memref<1x128xi32, #tpu.memory_space<vmem>> -> memref<128xi32, #tpu.memory_space<vmem>>
    %dma_wait3A_152 = arith.constant 0 : i32
    %dma_wait3A_153 = arith.constant 0 : i32
    %dma_wait3A_154 = tpu.memref_slice %arg2[%dma_wait3A_152, %dma_wait3A_153] : memref<16000x32xf32, #tpu.memory_space<hbm>> -> memref<16000x32xf32, #tpu.memory_space<hbm>>
    tpu.wait_indirect_dma semaphore(%arg7 : memref<!tpu.dma_semaphore, #tpu.memory_space<semaphore_mem>>) src(%dma_wait3A_154 : memref<16000x32xf32, #tpu.memory_space<hbm>>) dst(%dma_wait3A_148 : memref<128x32xf32, #tpu.memory_space<vmem>>)
    %dma_wait3A_155 = arith.constant 2 : i32
    %dma_wait3A_156 = arith.constant 2 : i32
    %dma_wait3A_157 = arith.constant 128 : i32
    %dma_wait3A_158 = arith.constant 0 : i32
    %dma_wait3A_159 = tpu.memref_slice %arg6[%dma_wait3A_156, %dma_wait3A_157, %dma_wait3A_158] : memref<4x256x32xf32, #tpu.memory_space<vmem>> -> memref<1x128x32xf32, #tpu.memory_space<vmem>>
    %dma_wait3A_160 = tpu.memref_squeeze %dma_wait3A_159 : memref<1x128x32xf32, #tpu.memory_space<vmem>> -> memref<128x32xf32, #tpu.memory_space<vmem>>
    %dma_wait3A_161 = arith.constant 128 : i32
    %dma_wait3A_162 = tpu.memref_slice %arg5[%dma_wait3A_155, %dma_wait3A_161] : memref<4x256xi32, #tpu.memory_space<vmem>> -> memref<1x128xi32, #tpu.memory_space<vmem>>
    %dma_wait3A_163 = tpu.memref_squeeze %dma_wait3A_162 : memref<1x128xi32, #tpu.memory_space<vmem>> -> memref<128xi32, #tpu.memory_space<vmem>>
    %dma_wait3A_164 = arith.constant 0 : i32
    %dma_wait3A_165 = arith.constant 0 : i32
    %dma_wait3A_166 = tpu.memref_slice %arg2[%dma_wait3A_164, %dma_wait3A_165] : memref<16000x32xf32, #tpu.memory_space<hbm>> -> memref<16000x32xf32, #tpu.memory_space<hbm>>
    tpu.wait_indirect_dma semaphore(%arg7 : memref<!tpu.dma_semaphore, #tpu.memory_space<semaphore_mem>>) src(%dma_wait3A_166 : memref<16000x32xf32, #tpu.memory_space<hbm>>) dst(%dma_wait3A_160 : memref<128x32xf32, #tpu.memory_space<vmem>>)
    %dma_wait3A_167 = arith.constant 3 : i32
    %dma_wait3A_168 = arith.constant 3 : i32
    %dma_wait3A_169 = arith.constant 0 : i32
    %dma_wait3A_170 = arith.constant 0 : i32
    %dma_wait3A_171 = tpu.memref_slice %arg6[%dma_wait3A_168, %dma_wait3A_169, %dma_wait3A_170] : memref<4x256x32xf32, #tpu.memory_space<vmem>> -> memref<1x128x32xf32, #tpu.memory_space<vmem>>
    %dma_wait3A_172 = tpu.memref_squeeze %dma_wait3A_171 : memref<1x128x32xf32, #tpu.memory_space<vmem>> -> memref<128x32xf32, #tpu.memory_space<vmem>>
    %dma_wait3A_173 = arith.constant 0 : i32
    %dma_wait3A_174 = tpu.memref_slice %arg5[%dma_wait3A_167, %dma_wait3A_173] : memref<4x256xi32, #tpu.memory_space<vmem>> -> memref<1x128xi32, #tpu.memory_space<vmem>>
    %dma_wait3A_175 = tpu.memref_squeeze %dma_wait3A_174 : memref<1x128xi32, #tpu.memory_space<vmem>> -> memref<128xi32, #tpu.memory_space<vmem>>
    %dma_wait3A_176 = arith.constant 0 : i32
    %dma_wait3A_177 = arith.constant 0 : i32
    %dma_wait3A_178 = tpu.memref_slice %arg2[%dma_wait3A_176, %dma_wait3A_177] : memref<16000x32xf32, #tpu.memory_space<hbm>> -> memref<16000x32xf32, #tpu.memory_space<hbm>>
    tpu.wait_indirect_dma semaphore(%arg7 : memref<!tpu.dma_semaphore, #tpu.memory_space<semaphore_mem>>) src(%dma_wait3A_178 : memref<16000x32xf32, #tpu.memory_space<hbm>>) dst(%dma_wait3A_172 : memref<128x32xf32, #tpu.memory_space<vmem>>)
    %dma_wait3A_179 = arith.constant 3 : i32
    %dma_wait3A_180 = arith.constant 3 : i32
    %dma_wait3A_181 = arith.constant 128 : i32
    %dma_wait3A_182 = arith.constant 0 : i32
    %dma_wait3A_183 = tpu.memref_slice %arg6[%dma_wait3A_180, %dma_wait3A_181, %dma_wait3A_182] : memref<4x256x32xf32, #tpu.memory_space<vmem>> -> memref<1x128x32xf32, #tpu.memory_space<vmem>>
    %dma_wait3A_184 = tpu.memref_squeeze %dma_wait3A_183 : memref<1x128x32xf32, #tpu.memory_space<vmem>> -> memref<128x32xf32, #tpu.memory_space<vmem>>
    %dma_wait3A_185 = arith.constant 128 : i32
    %dma_wait3A_186 = tpu.memref_slice %arg5[%dma_wait3A_179, %dma_wait3A_185] : memref<4x256xi32, #tpu.memory_space<vmem>> -> memref<1x128xi32, #tpu.memory_space<vmem>>
    %dma_wait3A_187 = tpu.memref_squeeze %dma_wait3A_186 : memref<1x128xi32, #tpu.memory_space<vmem>> -> memref<128xi32, #tpu.memory_space<vmem>>
    %dma_wait3A_188 = arith.constant 0 : i32
    %dma_wait3A_189 = arith.constant 0 : i32
    %dma_wait3A_190 = tpu.memref_slice %arg2[%dma_wait3A_188, %dma_wait3A_189] : memref<16000x32xf32, #tpu.memory_space<hbm>> -> memref<16000x32xf32, #tpu.memory_space<hbm>>
    tpu.wait_indirect_dma semaphore(%arg7 : memref<!tpu.dma_semaphore, #tpu.memory_space<semaphore_mem>>) src(%dma_wait3A_190 : memref<16000x32xf32, #tpu.memory_space<hbm>>) dst(%dma_wait3A_184 : memref<128x32xf32, #tpu.memory_space<vmem>>)
    %mul3A_191 = arith.constant 256 : i32
    %mul3A_192 = arith.muli %add3A, %mul3A_191 : i32
    %add3A_193 = arith.constant 0 : i32
    %add3A_194 = arith.addi %add3A_193, %mul3A_192 : i32
    %run_scoped3A = arith.constant 0 : i32
    "tpu.region"() ({
      %run_scoped3A_210 = tpu.sem_alloc : memref<!tpu.dma_semaphore, #tpu.memory_space<semaphore_mem>>
      %dma_start3A_211 = arith.constant 0 : i32
      %dma_start3A_212 = arith.constant 0 : i32
      %dma_start3A_213 = tpu.memref_slice %arg6[%run_scoped3A, %dma_start3A_211, %dma_start3A_212] : memref<4x256x32xf32, #tpu.memory_space<vmem>> -> memref<1x256x32xf32, #tpu.memory_space<vmem>>
      %dma_start3A_214 = tpu.memref_squeeze %dma_start3A_213 : memref<1x256x32xf32, #tpu.memory_space<vmem>> -> memref<256x32xf32, #tpu.memory_space<vmem>>
      %dma_start3A_215 = arith.constant 0 : i32
      %dma_start3A_216 = tpu.memref_slice %arg4[%add3A_194, %dma_start3A_215] : memref<32768x32xf32, #tpu.memory_space<hbm>> -> memref<256x32xf32, #tpu.memory_space<hbm>>
      %dma_start3A_217 = arith.constant 0 : i32
      %dma_start3A_218 = tpu.memref_slice %arg4[%add3A_194, %dma_start3A_217] : memref<32768x32xf32, #tpu.memory_space<hbm>> -> memref<256x32xf32, #tpu.memory_space<hbm>>
      %dma_start3A_219 = arith.constant 0 : i32
      %dma_start3A_220 = arith.constant 0 : i32
      %dma_start3A_221 = tpu.memref_slice %arg6[%run_scoped3A, %dma_start3A_219, %dma_start3A_220] : memref<4x256x32xf32, #tpu.memory_space<vmem>> -> memref<1x256x32xf32, #tpu.memory_space<vmem>>
      %dma_start3A_222 = tpu.memref_squeeze %dma_start3A_221 : memref<1x256x32xf32, #tpu.memory_space<vmem>> -> memref<256x32xf32, #tpu.memory_space<vmem>>
      tpu.enqueue_dma source(%dma_start3A_222 : memref<256x32xf32, #tpu.memory_space<vmem>>) target(%dma_start3A_218 : memref<256x32xf32, #tpu.memory_space<hbm>>) target_semaphore(%run_scoped3A_210 : memref<!tpu.dma_semaphore, #tpu.memory_space<semaphore_mem>>)
      %dma_wait3A_223 = arith.constant 0 : i32
      %dma_wait3A_224 = arith.constant 0 : i32
      %dma_wait3A_225 = tpu.memref_slice %arg6[%run_scoped3A, %dma_wait3A_223, %dma_wait3A_224] : memref<4x256x32xf32, #tpu.memory_space<vmem>> -> memref<1x256x32xf32, #tpu.memory_space<vmem>>
      %dma_wait3A_226 = tpu.memref_squeeze %dma_wait3A_225 : memref<1x256x32xf32, #tpu.memory_space<vmem>> -> memref<256x32xf32, #tpu.memory_space<vmem>>
      %dma_wait3A_227 = arith.constant 0 : i32
      %dma_wait3A_228 = tpu.memref_slice %arg4[%add3A_194, %dma_wait3A_227] : memref<32768x32xf32, #tpu.memory_space<hbm>> -> memref<256x32xf32, #tpu.memory_space<hbm>>
      %dma_wait3A_229 = arith.constant 0 : i32
      %dma_wait3A_230 = tpu.memref_slice %arg4[%add3A_194, %dma_wait3A_229] : memref<32768x32xf32, #tpu.memory_space<hbm>> -> memref<256x32xf32, #tpu.memory_space<hbm>>
      %dma_wait3A_231 = arith.constant 0 : i32
      %dma_wait3A_232 = arith.constant 0 : i32
      %dma_wait3A_233 = tpu.memref_slice %arg6[%run_scoped3A, %dma_wait3A_231, %dma_wait3A_232] : memref<4x256x32xf32, #tpu.memory_space<vmem>> -> memref<1x256x32xf32, #tpu.memory_space<vmem>>
      %dma_wait3A_234 = tpu.memref_squeeze %dma_wait3A_233 : memref<1x256x32xf32, #tpu.memory_space<vmem>> -> memref<256x32xf32, #tpu.memory_space<vmem>>
      tpu.wait_dma2 semaphore(%run_scoped3A_210 : memref<!tpu.dma_semaphore, #tpu.memory_space<semaphore_mem>>) src(%dma_wait3A_234 : memref<256x32xf32, #tpu.memory_space<vmem>>) dst(%dma_wait3A_230 : memref<256x32xf32, #tpu.memory_space<hbm>>)
      tpu.yield
    }) : () -> ()
    %mul3A_195 = arith.constant 256 : i32
    %mul3A_196 = arith.muli %add3A, %mul3A_195 : i32
    %add3A_197 = arith.constant 8192 : i32
    %add3A_198 = arith.addi %add3A_197, %mul3A_196 : i32
    %run_scoped3A_199 = arith.constant 1 : i32
    "tpu.region"() ({
      %run_scoped3A_210 = tpu.sem_alloc : memref<!tpu.dma_semaphore, #tpu.memory_space<semaphore_mem>>
      %dma_start3A_211 = arith.constant 0 : i32
      %dma_start3A_212 = arith.constant 0 : i32
      %dma_start3A_213 = tpu.memref_slice %arg6[%run_scoped3A_199, %dma_start3A_211, %dma_start3A_212] : memref<4x256x32xf32, #tpu.memory_space<vmem>> -> memref<1x256x32xf32, #tpu.memory_space<vmem>>
      %dma_start3A_214 = tpu.memref_squeeze %dma_start3A_213 : memref<1x256x32xf32, #tpu.memory_space<vmem>> -> memref<256x32xf32, #tpu.memory_space<vmem>>
      %dma_start3A_215 = arith.constant 0 : i32
      %dma_start3A_216 = tpu.memref_slice %arg4[%add3A_198, %dma_start3A_215] : memref<32768x32xf32, #tpu.memory_space<hbm>> -> memref<256x32xf32, #tpu.memory_space<hbm>>
      %dma_start3A_217 = arith.constant 0 : i32
      %dma_start3A_218 = tpu.memref_slice %arg4[%add3A_198, %dma_start3A_217] : memref<32768x32xf32, #tpu.memory_space<hbm>> -> memref<256x32xf32, #tpu.memory_space<hbm>>
      %dma_start3A_219 = arith.constant 0 : i32
      %dma_start3A_220 = arith.constant 0 : i32
      %dma_start3A_221 = tpu.memref_slice %arg6[%run_scoped3A_199, %dma_start3A_219, %dma_start3A_220] : memref<4x256x32xf32, #tpu.memory_space<vmem>> -> memref<1x256x32xf32, #tpu.memory_space<vmem>>
      %dma_start3A_222 = tpu.memref_squeeze %dma_start3A_221 : memref<1x256x32xf32, #tpu.memory_space<vmem>> -> memref<256x32xf32, #tpu.memory_space<vmem>>
      tpu.enqueue_dma source(%dma_start3A_222 : memref<256x32xf32, #tpu.memory_space<vmem>>) target(%dma_start3A_218 : memref<256x32xf32, #tpu.memory_space<hbm>>) target_semaphore(%run_scoped3A_210 : memref<!tpu.dma_semaphore, #tpu.memory_space<semaphore_mem>>)
      %dma_wait3A_223 = arith.constant 0 : i32
      %dma_wait3A_224 = arith.constant 0 : i32
      %dma_wait3A_225 = tpu.memref_slice %arg6[%run_scoped3A_199, %dma_wait3A_223, %dma_wait3A_224] : memref<4x256x32xf32, #tpu.memory_space<vmem>> -> memref<1x256x32xf32, #tpu.memory_space<vmem>>
      %dma_wait3A_226 = tpu.memref_squeeze %dma_wait3A_225 : memref<1x256x32xf32, #tpu.memory_space<vmem>> -> memref<256x32xf32, #tpu.memory_space<vmem>>
      %dma_wait3A_227 = arith.constant 0 : i32
      %dma_wait3A_228 = tpu.memref_slice %arg4[%add3A_198, %dma_wait3A_227] : memref<32768x32xf32, #tpu.memory_space<hbm>> -> memref<256x32xf32, #tpu.memory_space<hbm>>
      %dma_wait3A_229 = arith.constant 0 : i32
      %dma_wait3A_230 = tpu.memref_slice %arg4[%add3A_198, %dma_wait3A_229] : memref<32768x32xf32, #tpu.memory_space<hbm>> -> memref<256x32xf32, #tpu.memory_space<hbm>>
      %dma_wait3A_231 = arith.constant 0 : i32
      %dma_wait3A_232 = arith.constant 0 : i32
      %dma_wait3A_233 = tpu.memref_slice %arg6[%run_scoped3A_199, %dma_wait3A_231, %dma_wait3A_232] : memref<4x256x32xf32, #tpu.memory_space<vmem>> -> memref<1x256x32xf32, #tpu.memory_space<vmem>>
      %dma_wait3A_234 = tpu.memref_squeeze %dma_wait3A_233 : memref<1x256x32xf32, #tpu.memory_space<vmem>> -> memref<256x32xf32, #tpu.memory_space<vmem>>
      tpu.wait_dma2 semaphore(%run_scoped3A_210 : memref<!tpu.dma_semaphore, #tpu.memory_space<semaphore_mem>>) src(%dma_wait3A_234 : memref<256x32xf32, #tpu.memory_space<vmem>>) dst(%dma_wait3A_230 : memref<256x32xf32, #tpu.memory_space<hbm>>)
      tpu.yield
    }) : () -> ()
    %mul3A_200 = arith.constant 256 : i32
    %mul3A_201 = arith.muli %add3A, %mul3A_200 : i32
    %add3A_202 = arith.constant 16384 : i32
    %add3A_203 = arith.addi %add3A_202, %mul3A_201 : i32
    %run_scoped3A_204 = arith.constant 2 : i32
    "tpu.region"() ({
      %run_scoped3A_210 = tpu.sem_alloc : memref<!tpu.dma_semaphore, #tpu.memory_space<semaphore_mem>>
      %dma_start3A_211 = arith.constant 0 : i32
      %dma_start3A_212 = arith.constant 0 : i32
      %dma_start3A_213 = tpu.memref_slice %arg6[%run_scoped3A_204, %dma_start3A_211, %dma_start3A_212] : memref<4x256x32xf32, #tpu.memory_space<vmem>> -> memref<1x256x32xf32, #tpu.memory_space<vmem>>
      %dma_start3A_214 = tpu.memref_squeeze %dma_start3A_213 : memref<1x256x32xf32, #tpu.memory_space<vmem>> -> memref<256x32xf32, #tpu.memory_space<vmem>>
      %dma_start3A_215 = arith.constant 0 : i32
      %dma_start3A_216 = tpu.memref_slice %arg4[%add3A_203, %dma_start3A_215] : memref<32768x32xf32, #tpu.memory_space<hbm>> -> memref<256x32xf32, #tpu.memory_space<hbm>>
      %dma_start3A_217 = arith.constant 0 : i32
      %dma_start3A_218 = tpu.memref_slice %arg4[%add3A_203, %dma_start3A_217] : memref<32768x32xf32, #tpu.memory_space<hbm>> -> memref<256x32xf32, #tpu.memory_space<hbm>>
      %dma_start3A_219 = arith.constant 0 : i32
      %dma_start3A_220 = arith.constant 0 : i32
      %dma_start3A_221 = tpu.memref_slice %arg6[%run_scoped3A_204, %dma_start3A_219, %dma_start3A_220] : memref<4x256x32xf32, #tpu.memory_space<vmem>> -> memref<1x256x32xf32, #tpu.memory_space<vmem>>
      %dma_start3A_222 = tpu.memref_squeeze %dma_start3A_221 : memref<1x256x32xf32, #tpu.memory_space<vmem>> -> memref<256x32xf32, #tpu.memory_space<vmem>>
      tpu.enqueue_dma source(%dma_start3A_222 : memref<256x32xf32, #tpu.memory_space<vmem>>) target(%dma_start3A_218 : memref<256x32xf32, #tpu.memory_space<hbm>>) target_semaphore(%run_scoped3A_210 : memref<!tpu.dma_semaphore, #tpu.memory_space<semaphore_mem>>)
      %dma_wait3A_223 = arith.constant 0 : i32
      %dma_wait3A_224 = arith.constant 0 : i32
      %dma_wait3A_225 = tpu.memref_slice %arg6[%run_scoped3A_204, %dma_wait3A_223, %dma_wait3A_224] : memref<4x256x32xf32, #tpu.memory_space<vmem>> -> memref<1x256x32xf32, #tpu.memory_space<vmem>>
      %dma_wait3A_226 = tpu.memref_squeeze %dma_wait3A_225 : memref<1x256x32xf32, #tpu.memory_space<vmem>> -> memref<256x32xf32, #tpu.memory_space<vmem>>
      %dma_wait3A_227 = arith.constant 0 : i32
      %dma_wait3A_228 = tpu.memref_slice %arg4[%add3A_203, %dma_wait3A_227] : memref<32768x32xf32, #tpu.memory_space<hbm>> -> memref<256x32xf32, #tpu.memory_space<hbm>>
      %dma_wait3A_229 = arith.constant 0 : i32
      %dma_wait3A_230 = tpu.memref_slice %arg4[%add3A_203, %dma_wait3A_229] : memref<32768x32xf32, #tpu.memory_space<hbm>> -> memref<256x32xf32, #tpu.memory_space<hbm>>
      %dma_wait3A_231 = arith.constant 0 : i32
      %dma_wait3A_232 = arith.constant 0 : i32
      %dma_wait3A_233 = tpu.memref_slice %arg6[%run_scoped3A_204, %dma_wait3A_231, %dma_wait3A_232] : memref<4x256x32xf32, #tpu.memory_space<vmem>> -> memref<1x256x32xf32, #tpu.memory_space<vmem>>
      %dma_wait3A_234 = tpu.memref_squeeze %dma_wait3A_233 : memref<1x256x32xf32, #tpu.memory_space<vmem>> -> memref<256x32xf32, #tpu.memory_space<vmem>>
      tpu.wait_dma2 semaphore(%run_scoped3A_210 : memref<!tpu.dma_semaphore, #tpu.memory_space<semaphore_mem>>) src(%dma_wait3A_234 : memref<256x32xf32, #tpu.memory_space<vmem>>) dst(%dma_wait3A_230 : memref<256x32xf32, #tpu.memory_space<hbm>>)
      tpu.yield
    }) : () -> ()
    %mul3A_205 = arith.constant 256 : i32
    %mul3A_206 = arith.muli %add3A, %mul3A_205 : i32
    %add3A_207 = arith.constant 24576 : i32
    %add3A_208 = arith.addi %add3A_207, %mul3A_206 : i32
    %run_scoped3A_209 = arith.constant 3 : i32
    "tpu.region"() ({
      %run_scoped3A_210 = tpu.sem_alloc : memref<!tpu.dma_semaphore, #tpu.memory_space<semaphore_mem>>
      %dma_start3A_211 = arith.constant 0 : i32
      %dma_start3A_212 = arith.constant 0 : i32
      %dma_start3A_213 = tpu.memref_slice %arg6[%run_scoped3A_209, %dma_start3A_211, %dma_start3A_212] : memref<4x256x32xf32, #tpu.memory_space<vmem>> -> memref<1x256x32xf32, #tpu.memory_space<vmem>>
      %dma_start3A_214 = tpu.memref_squeeze %dma_start3A_213 : memref<1x256x32xf32, #tpu.memory_space<vmem>> -> memref<256x32xf32, #tpu.memory_space<vmem>>
      %dma_start3A_215 = arith.constant 0 : i32
      %dma_start3A_216 = tpu.memref_slice %arg4[%add3A_208, %dma_start3A_215] : memref<32768x32xf32, #tpu.memory_space<hbm>> -> memref<256x32xf32, #tpu.memory_space<hbm>>
      %dma_start3A_217 = arith.constant 0 : i32
      %dma_start3A_218 = tpu.memref_slice %arg4[%add3A_208, %dma_start3A_217] : memref<32768x32xf32, #tpu.memory_space<hbm>> -> memref<256x32xf32, #tpu.memory_space<hbm>>
      %dma_start3A_219 = arith.constant 0 : i32
      %dma_start3A_220 = arith.constant 0 : i32
      %dma_start3A_221 = tpu.memref_slice %arg6[%run_scoped3A_209, %dma_start3A_219, %dma_start3A_220] : memref<4x256x32xf32, #tpu.memory_space<vmem>> -> memref<1x256x32xf32, #tpu.memory_space<vmem>>
      %dma_start3A_222 = tpu.memref_squeeze %dma_start3A_221 : memref<1x256x32xf32, #tpu.memory_space<vmem>> -> memref<256x32xf32, #tpu.memory_space<vmem>>
      tpu.enqueue_dma source(%dma_start3A_222 : memref<256x32xf32, #tpu.memory_space<vmem>>) target(%dma_start3A_218 : memref<256x32xf32, #tpu.memory_space<hbm>>) target_semaphore(%run_scoped3A_210 : memref<!tpu.dma_semaphore, #tpu.memory_space<semaphore_mem>>)
      %dma_wait3A_223 = arith.constant 0 : i32
      %dma_wait3A_224 = arith.constant 0 : i32
      %dma_wait3A_225 = tpu.memref_slice %arg6[%run_scoped3A_209, %dma_wait3A_223, %dma_wait3A_224] : memref<4x256x32xf32, #tpu.memory_space<vmem>> -> memref<1x256x32xf32, #tpu.memory_space<vmem>>
      %dma_wait3A_226 = tpu.memref_squeeze %dma_wait3A_225 : memref<1x256x32xf32, #tpu.memory_space<vmem>> -> memref<256x32xf32, #tpu.memory_space<vmem>>
      %dma_wait3A_227 = arith.constant 0 : i32
      %dma_wait3A_228 = tpu.memref_slice %arg4[%add3A_208, %dma_wait3A_227] : memref<32768x32xf32, #tpu.memory_space<hbm>> -> memref<256x32xf32, #tpu.memory_space<hbm>>
      %dma_wait3A_229 = arith.constant 0 : i32
      %dma_wait3A_230 = tpu.memref_slice %arg4[%add3A_208, %dma_wait3A_229] : memref<32768x32xf32, #tpu.memory_space<hbm>> -> memref<256x32xf32, #tpu.memory_space<hbm>>
      %dma_wait3A_231 = arith.constant 0 : i32
      %dma_wait3A_232 = arith.constant 0 : i32
      %dma_wait3A_233 = tpu.memref_slice %arg6[%run_scoped3A_209, %dma_wait3A_231, %dma_wait3A_232] : memref<4x256x32xf32, #tpu.memory_space<vmem>> -> memref<1x256x32xf32, #tpu.memory_space<vmem>>
      %dma_wait3A_234 = tpu.memref_squeeze %dma_wait3A_233 : memref<1x256x32xf32, #tpu.memory_space<vmem>> -> memref<256x32xf32, #tpu.memory_space<vmem>>
      tpu.wait_dma2 semaphore(%run_scoped3A_210 : memref<!tpu.dma_semaphore, #tpu.memory_space<semaphore_mem>>) src(%dma_wait3A_234 : memref<256x32xf32, #tpu.memory_space<vmem>>) dst(%dma_wait3A_230 : memref<256x32xf32, #tpu.memory_space<hbm>>)
      tpu.yield
    }) : () -> ()
    return
  }
}

#map = affine_map<(d0, d1) -> (0, 0)>
#map1 = affine_map<(d0, d1) -> (0, 0, 0)>
module attributes {stable_mosaic.version = 14 : i64} {
  func.func @gather_kernel(%arg0: i32, %arg1: i32, %arg2: memref<10000x32xf32, #tpu.memory_space<hbm>>, %arg3: memref<32x3x256xi32, #tpu.memory_space<hbm>>, %arg4: memref<24576x32xf32, #tpu.memory_space<hbm>>, %arg5: memref<3x256xi32, #tpu.memory_space<vmem>>, %arg6: memref<3x256x32xf32, #tpu.memory_space<vmem>>, %arg7: memref<!tpu.dma_semaphore, #tpu.memory_space<semaphore_mem>>) attributes {dimension_semantics = [#tpu.dimension_semantics<core_parallel>, #tpu.dimension_semantics<subcore_parallel>], iteration_bounds = array<i64: 2, 16>, scalar_prefetch = 0 : i64, scratch_operands = 3 : i64, tpu.core_type = #tpu.core_type<sc_vector_subcore>, window_params = [{transform_indices = #map}, {transform_indices = #map1}, {transform_indices = #map}]} {
    %mul3A = arith.constant 2 : i32
    %mul3A_0 = arith.muli %arg1, %mul3A : i32
    %add3A = arith.addi %mul3A_0, %arg0 : i32
    "tpu.region"() ({
      %run_scoped3A_157 = tpu.sem_alloc : memref<!tpu.dma_semaphore, #tpu.memory_space<semaphore_mem>>
      %dma_start3A_158 = arith.constant 0 : i32
      %dma_start3A_159 = arith.constant 0 : i32
      %dma_start3A_160 = tpu.memref_slice %arg3[%add3A, %dma_start3A_158, %dma_start3A_159] : memref<32x3x256xi32, #tpu.memory_space<hbm>> -> memref<1x3x256xi32, #tpu.memory_space<hbm>>
      %dma_start3A_161 = tpu.memref_squeeze %dma_start3A_160 : memref<1x3x256xi32, #tpu.memory_space<hbm>> -> memref<3x256xi32, #tpu.memory_space<hbm>>
      %dma_start3A_162 = arith.constant 0 : i32
      %dma_start3A_163 = arith.constant 0 : i32
      %dma_start3A_164 = tpu.memref_slice %arg3[%add3A, %dma_start3A_162, %dma_start3A_163] : memref<32x3x256xi32, #tpu.memory_space<hbm>> -> memref<1x3x256xi32, #tpu.memory_space<hbm>>
      %dma_start3A_165 = tpu.memref_squeeze %dma_start3A_164 : memref<1x3x256xi32, #tpu.memory_space<hbm>> -> memref<3x256xi32, #tpu.memory_space<hbm>>
      tpu.enqueue_dma source(%dma_start3A_165 : memref<3x256xi32, #tpu.memory_space<hbm>>) target(%arg5 : memref<3x256xi32, #tpu.memory_space<vmem>>) target_semaphore(%run_scoped3A_157 : memref<!tpu.dma_semaphore, #tpu.memory_space<semaphore_mem>>)
      %dma_wait3A_166 = arith.constant 0 : i32
      %dma_wait3A_167 = arith.constant 0 : i32
      %dma_wait3A_168 = tpu.memref_slice %arg3[%add3A, %dma_wait3A_166, %dma_wait3A_167] : memref<32x3x256xi32, #tpu.memory_space<hbm>> -> memref<1x3x256xi32, #tpu.memory_space<hbm>>
      %dma_wait3A_169 = tpu.memref_squeeze %dma_wait3A_168 : memref<1x3x256xi32, #tpu.memory_space<hbm>> -> memref<3x256xi32, #tpu.memory_space<hbm>>
      %dma_wait3A_170 = arith.constant 0 : i32
      %dma_wait3A_171 = arith.constant 0 : i32
      %dma_wait3A_172 = tpu.memref_slice %arg3[%add3A, %dma_wait3A_170, %dma_wait3A_171] : memref<32x3x256xi32, #tpu.memory_space<hbm>> -> memref<1x3x256xi32, #tpu.memory_space<hbm>>
      %dma_wait3A_173 = tpu.memref_squeeze %dma_wait3A_172 : memref<1x3x256xi32, #tpu.memory_space<hbm>> -> memref<3x256xi32, #tpu.memory_space<hbm>>
      tpu.wait_dma2 semaphore(%run_scoped3A_157 : memref<!tpu.dma_semaphore, #tpu.memory_space<semaphore_mem>>) src(%dma_wait3A_173 : memref<3x256xi32, #tpu.memory_space<hbm>>) dst(%arg5 : memref<3x256xi32, #tpu.memory_space<vmem>>)
      tpu.yield
    }) : () -> ()
    %dma_start3A = arith.constant 0 : i32
    %dma_start3A_1 = arith.constant 0 : i32
    %dma_start3A_2 = arith.constant 0 : i32
    %dma_start3A_3 = arith.constant 0 : i32
    %dma_start3A_4 = tpu.memref_slice %arg6[%dma_start3A_1, %dma_start3A_2, %dma_start3A_3] : memref<3x256x32xf32, #tpu.memory_space<vmem>> -> memref<1x128x32xf32, #tpu.memory_space<vmem>>
    %dma_start3A_5 = tpu.memref_squeeze %dma_start3A_4 : memref<1x128x32xf32, #tpu.memory_space<vmem>> -> memref<128x32xf32, #tpu.memory_space<vmem>>
    %dma_start3A_6 = arith.constant 0 : i32
    %dma_start3A_7 = tpu.memref_slice %arg5[%dma_start3A, %dma_start3A_6] : memref<3x256xi32, #tpu.memory_space<vmem>> -> memref<1x128xi32, #tpu.memory_space<vmem>>
    %dma_start3A_8 = tpu.memref_squeeze %dma_start3A_7 : memref<1x128xi32, #tpu.memory_space<vmem>> -> memref<128xi32, #tpu.memory_space<vmem>>
    %dma_start3A_9 = arith.constant 0 : i32
    %dma_start3A_10 = arith.constant 0 : i32
    %dma_start3A_11 = tpu.memref_slice %arg2[%dma_start3A_9, %dma_start3A_10] : memref<10000x32xf32, #tpu.memory_space<hbm>> -> memref<10000x32xf32, #tpu.memory_space<hbm>>
    tpu.enqueue_indirect_dma source(%dma_start3A_11 : memref<10000x32xf32, #tpu.memory_space<hbm>>) target(%dma_start3A_5 : memref<128x32xf32, #tpu.memory_space<vmem>>) offsets(%dma_start3A_8 : memref<128xi32, #tpu.memory_space<vmem>>) semaphore(%arg7 : memref<!tpu.dma_semaphore, #tpu.memory_space<semaphore_mem>>)
    %dma_start3A_12 = arith.constant 0 : i32
    %dma_start3A_13 = arith.constant 0 : i32
    %dma_start3A_14 = arith.constant 128 : i32
    %dma_start3A_15 = arith.constant 0 : i32
    %dma_start3A_16 = tpu.memref_slice %arg6[%dma_start3A_13, %dma_start3A_14, %dma_start3A_15] : memref<3x256x32xf32, #tpu.memory_space<vmem>> -> memref<1x128x32xf32, #tpu.memory_space<vmem>>
    %dma_start3A_17 = tpu.memref_squeeze %dma_start3A_16 : memref<1x128x32xf32, #tpu.memory_space<vmem>> -> memref<128x32xf32, #tpu.memory_space<vmem>>
    %dma_start3A_18 = arith.constant 128 : i32
    %dma_start3A_19 = tpu.memref_slice %arg5[%dma_start3A_12, %dma_start3A_18] : memref<3x256xi32, #tpu.memory_space<vmem>> -> memref<1x128xi32, #tpu.memory_space<vmem>>
    %dma_start3A_20 = tpu.memref_squeeze %dma_start3A_19 : memref<1x128xi32, #tpu.memory_space<vmem>> -> memref<128xi32, #tpu.memory_space<vmem>>
    %dma_start3A_21 = arith.constant 0 : i32
    %dma_start3A_22 = arith.constant 0 : i32
    %dma_start3A_23 = tpu.memref_slice %arg2[%dma_start3A_21, %dma_start3A_22] : memref<10000x32xf32, #tpu.memory_space<hbm>> -> memref<10000x32xf32, #tpu.memory_space<hbm>>
    tpu.enqueue_indirect_dma source(%dma_start3A_23 : memref<10000x32xf32, #tpu.memory_space<hbm>>) target(%dma_start3A_17 : memref<128x32xf32, #tpu.memory_space<vmem>>) offsets(%dma_start3A_20 : memref<128xi32, #tpu.memory_space<vmem>>) semaphore(%arg7 : memref<!tpu.dma_semaphore, #tpu.memory_space<semaphore_mem>>)
    %dma_start3A_24 = arith.constant 1 : i32
    %dma_start3A_25 = arith.constant 1 : i32
    %dma_start3A_26 = arith.constant 0 : i32
    %dma_start3A_27 = arith.constant 0 : i32
    %dma_start3A_28 = tpu.memref_slice %arg6[%dma_start3A_25, %dma_start3A_26, %dma_start3A_27] : memref<3x256x32xf32, #tpu.memory_space<vmem>> -> memref<1x128x32xf32, #tpu.memory_space<vmem>>
    %dma_start3A_29 = tpu.memref_squeeze %dma_start3A_28 : memref<1x128x32xf32, #tpu.memory_space<vmem>> -> memref<128x32xf32, #tpu.memory_space<vmem>>
    %dma_start3A_30 = arith.constant 0 : i32
    %dma_start3A_31 = tpu.memref_slice %arg5[%dma_start3A_24, %dma_start3A_30] : memref<3x256xi32, #tpu.memory_space<vmem>> -> memref<1x128xi32, #tpu.memory_space<vmem>>
    %dma_start3A_32 = tpu.memref_squeeze %dma_start3A_31 : memref<1x128xi32, #tpu.memory_space<vmem>> -> memref<128xi32, #tpu.memory_space<vmem>>
    %dma_start3A_33 = arith.constant 0 : i32
    %dma_start3A_34 = arith.constant 0 : i32
    %dma_start3A_35 = tpu.memref_slice %arg2[%dma_start3A_33, %dma_start3A_34] : memref<10000x32xf32, #tpu.memory_space<hbm>> -> memref<10000x32xf32, #tpu.memory_space<hbm>>
    tpu.enqueue_indirect_dma source(%dma_start3A_35 : memref<10000x32xf32, #tpu.memory_space<hbm>>) target(%dma_start3A_29 : memref<128x32xf32, #tpu.memory_space<vmem>>) offsets(%dma_start3A_32 : memref<128xi32, #tpu.memory_space<vmem>>) semaphore(%arg7 : memref<!tpu.dma_semaphore, #tpu.memory_space<semaphore_mem>>)
    %dma_start3A_36 = arith.constant 1 : i32
    %dma_start3A_37 = arith.constant 1 : i32
    %dma_start3A_38 = arith.constant 128 : i32
    %dma_start3A_39 = arith.constant 0 : i32
    %dma_start3A_40 = tpu.memref_slice %arg6[%dma_start3A_37, %dma_start3A_38, %dma_start3A_39] : memref<3x256x32xf32, #tpu.memory_space<vmem>> -> memref<1x128x32xf32, #tpu.memory_space<vmem>>
    %dma_start3A_41 = tpu.memref_squeeze %dma_start3A_40 : memref<1x128x32xf32, #tpu.memory_space<vmem>> -> memref<128x32xf32, #tpu.memory_space<vmem>>
    %dma_start3A_42 = arith.constant 128 : i32
    %dma_start3A_43 = tpu.memref_slice %arg5[%dma_start3A_36, %dma_start3A_42] : memref<3x256xi32, #tpu.memory_space<vmem>> -> memref<1x128xi32, #tpu.memory_space<vmem>>
    %dma_start3A_44 = tpu.memref_squeeze %dma_start3A_43 : memref<1x128xi32, #tpu.memory_space<vmem>> -> memref<128xi32, #tpu.memory_space<vmem>>
    %dma_start3A_45 = arith.constant 0 : i32
    %dma_start3A_46 = arith.constant 0 : i32
    %dma_start3A_47 = tpu.memref_slice %arg2[%dma_start3A_45, %dma_start3A_46] : memref<10000x32xf32, #tpu.memory_space<hbm>> -> memref<10000x32xf32, #tpu.memory_space<hbm>>
    tpu.enqueue_indirect_dma source(%dma_start3A_47 : memref<10000x32xf32, #tpu.memory_space<hbm>>) target(%dma_start3A_41 : memref<128x32xf32, #tpu.memory_space<vmem>>) offsets(%dma_start3A_44 : memref<128xi32, #tpu.memory_space<vmem>>) semaphore(%arg7 : memref<!tpu.dma_semaphore, #tpu.memory_space<semaphore_mem>>)
    %dma_start3A_48 = arith.constant 2 : i32
    %dma_start3A_49 = arith.constant 2 : i32
    %dma_start3A_50 = arith.constant 0 : i32
    %dma_start3A_51 = arith.constant 0 : i32
    %dma_start3A_52 = tpu.memref_slice %arg6[%dma_start3A_49, %dma_start3A_50, %dma_start3A_51] : memref<3x256x32xf32, #tpu.memory_space<vmem>> -> memref<1x128x32xf32, #tpu.memory_space<vmem>>
    %dma_start3A_53 = tpu.memref_squeeze %dma_start3A_52 : memref<1x128x32xf32, #tpu.memory_space<vmem>> -> memref<128x32xf32, #tpu.memory_space<vmem>>
    %dma_start3A_54 = arith.constant 0 : i32
    %dma_start3A_55 = tpu.memref_slice %arg5[%dma_start3A_48, %dma_start3A_54] : memref<3x256xi32, #tpu.memory_space<vmem>> -> memref<1x128xi32, #tpu.memory_space<vmem>>
    %dma_start3A_56 = tpu.memref_squeeze %dma_start3A_55 : memref<1x128xi32, #tpu.memory_space<vmem>> -> memref<128xi32, #tpu.memory_space<vmem>>
    %dma_start3A_57 = arith.constant 0 : i32
    %dma_start3A_58 = arith.constant 0 : i32
    %dma_start3A_59 = tpu.memref_slice %arg2[%dma_start3A_57, %dma_start3A_58] : memref<10000x32xf32, #tpu.memory_space<hbm>> -> memref<10000x32xf32, #tpu.memory_space<hbm>>
    tpu.enqueue_indirect_dma source(%dma_start3A_59 : memref<10000x32xf32, #tpu.memory_space<hbm>>) target(%dma_start3A_53 : memref<128x32xf32, #tpu.memory_space<vmem>>) offsets(%dma_start3A_56 : memref<128xi32, #tpu.memory_space<vmem>>) semaphore(%arg7 : memref<!tpu.dma_semaphore, #tpu.memory_space<semaphore_mem>>)
    %dma_start3A_60 = arith.constant 2 : i32
    %dma_start3A_61 = arith.constant 2 : i32
    %dma_start3A_62 = arith.constant 128 : i32
    %dma_start3A_63 = arith.constant 0 : i32
    %dma_start3A_64 = tpu.memref_slice %arg6[%dma_start3A_61, %dma_start3A_62, %dma_start3A_63] : memref<3x256x32xf32, #tpu.memory_space<vmem>> -> memref<1x128x32xf32, #tpu.memory_space<vmem>>
    %dma_start3A_65 = tpu.memref_squeeze %dma_start3A_64 : memref<1x128x32xf32, #tpu.memory_space<vmem>> -> memref<128x32xf32, #tpu.memory_space<vmem>>
    %dma_start3A_66 = arith.constant 128 : i32
    %dma_start3A_67 = tpu.memref_slice %arg5[%dma_start3A_60, %dma_start3A_66] : memref<3x256xi32, #tpu.memory_space<vmem>> -> memref<1x128xi32, #tpu.memory_space<vmem>>
    %dma_start3A_68 = tpu.memref_squeeze %dma_start3A_67 : memref<1x128xi32, #tpu.memory_space<vmem>> -> memref<128xi32, #tpu.memory_space<vmem>>
    %dma_start3A_69 = arith.constant 0 : i32
    %dma_start3A_70 = arith.constant 0 : i32
    %dma_start3A_71 = tpu.memref_slice %arg2[%dma_start3A_69, %dma_start3A_70] : memref<10000x32xf32, #tpu.memory_space<hbm>> -> memref<10000x32xf32, #tpu.memory_space<hbm>>
    tpu.enqueue_indirect_dma source(%dma_start3A_71 : memref<10000x32xf32, #tpu.memory_space<hbm>>) target(%dma_start3A_65 : memref<128x32xf32, #tpu.memory_space<vmem>>) offsets(%dma_start3A_68 : memref<128xi32, #tpu.memory_space<vmem>>) semaphore(%arg7 : memref<!tpu.dma_semaphore, #tpu.memory_space<semaphore_mem>>)
    %dma_wait3A = arith.constant 0 : i32
    %dma_wait3A_72 = arith.constant 0 : i32
    %dma_wait3A_73 = arith.constant 0 : i32
    %dma_wait3A_74 = arith.constant 0 : i32
    %dma_wait3A_75 = tpu.memref_slice %arg6[%dma_wait3A_72, %dma_wait3A_73, %dma_wait3A_74] : memref<3x256x32xf32, #tpu.memory_space<vmem>> -> memref<1x128x32xf32, #tpu.memory_space<vmem>>
    %dma_wait3A_76 = tpu.memref_squeeze %dma_wait3A_75 : memref<1x128x32xf32, #tpu.memory_space<vmem>> -> memref<128x32xf32, #tpu.memory_space<vmem>>
    %dma_wait3A_77 = arith.constant 0 : i32
    %dma_wait3A_78 = tpu.memref_slice %arg5[%dma_wait3A, %dma_wait3A_77] : memref<3x256xi32, #tpu.memory_space<vmem>> -> memref<1x128xi32, #tpu.memory_space<vmem>>
    %dma_wait3A_79 = tpu.memref_squeeze %dma_wait3A_78 : memref<1x128xi32, #tpu.memory_space<vmem>> -> memref<128xi32, #tpu.memory_space<vmem>>
    %dma_wait3A_80 = arith.constant 0 : i32
    %dma_wait3A_81 = arith.constant 0 : i32
    %dma_wait3A_82 = tpu.memref_slice %arg2[%dma_wait3A_80, %dma_wait3A_81] : memref<10000x32xf32, #tpu.memory_space<hbm>> -> memref<10000x32xf32, #tpu.memory_space<hbm>>
    tpu.wait_indirect_dma semaphore(%arg7 : memref<!tpu.dma_semaphore, #tpu.memory_space<semaphore_mem>>) src(%dma_wait3A_82 : memref<10000x32xf32, #tpu.memory_space<hbm>>) dst(%dma_wait3A_76 : memref<128x32xf32, #tpu.memory_space<vmem>>)
    %dma_wait3A_83 = arith.constant 0 : i32
    %dma_wait3A_84 = arith.constant 0 : i32
    %dma_wait3A_85 = arith.constant 128 : i32
    %dma_wait3A_86 = arith.constant 0 : i32
    %dma_wait3A_87 = tpu.memref_slice %arg6[%dma_wait3A_84, %dma_wait3A_85, %dma_wait3A_86] : memref<3x256x32xf32, #tpu.memory_space<vmem>> -> memref<1x128x32xf32, #tpu.memory_space<vmem>>
    %dma_wait3A_88 = tpu.memref_squeeze %dma_wait3A_87 : memref<1x128x32xf32, #tpu.memory_space<vmem>> -> memref<128x32xf32, #tpu.memory_space<vmem>>
    %dma_wait3A_89 = arith.constant 128 : i32
    %dma_wait3A_90 = tpu.memref_slice %arg5[%dma_wait3A_83, %dma_wait3A_89] : memref<3x256xi32, #tpu.memory_space<vmem>> -> memref<1x128xi32, #tpu.memory_space<vmem>>
    %dma_wait3A_91 = tpu.memref_squeeze %dma_wait3A_90 : memref<1x128xi32, #tpu.memory_space<vmem>> -> memref<128xi32, #tpu.memory_space<vmem>>
    %dma_wait3A_92 = arith.constant 0 : i32
    %dma_wait3A_93 = arith.constant 0 : i32
    %dma_wait3A_94 = tpu.memref_slice %arg2[%dma_wait3A_92, %dma_wait3A_93] : memref<10000x32xf32, #tpu.memory_space<hbm>> -> memref<10000x32xf32, #tpu.memory_space<hbm>>
    tpu.wait_indirect_dma semaphore(%arg7 : memref<!tpu.dma_semaphore, #tpu.memory_space<semaphore_mem>>) src(%dma_wait3A_94 : memref<10000x32xf32, #tpu.memory_space<hbm>>) dst(%dma_wait3A_88 : memref<128x32xf32, #tpu.memory_space<vmem>>)
    %dma_wait3A_95 = arith.constant 1 : i32
    %dma_wait3A_96 = arith.constant 1 : i32
    %dma_wait3A_97 = arith.constant 0 : i32
    %dma_wait3A_98 = arith.constant 0 : i32
    %dma_wait3A_99 = tpu.memref_slice %arg6[%dma_wait3A_96, %dma_wait3A_97, %dma_wait3A_98] : memref<3x256x32xf32, #tpu.memory_space<vmem>> -> memref<1x128x32xf32, #tpu.memory_space<vmem>>
    %dma_wait3A_100 = tpu.memref_squeeze %dma_wait3A_99 : memref<1x128x32xf32, #tpu.memory_space<vmem>> -> memref<128x32xf32, #tpu.memory_space<vmem>>
    %dma_wait3A_101 = arith.constant 0 : i32
    %dma_wait3A_102 = tpu.memref_slice %arg5[%dma_wait3A_95, %dma_wait3A_101] : memref<3x256xi32, #tpu.memory_space<vmem>> -> memref<1x128xi32, #tpu.memory_space<vmem>>
    %dma_wait3A_103 = tpu.memref_squeeze %dma_wait3A_102 : memref<1x128xi32, #tpu.memory_space<vmem>> -> memref<128xi32, #tpu.memory_space<vmem>>
    %dma_wait3A_104 = arith.constant 0 : i32
    %dma_wait3A_105 = arith.constant 0 : i32
    %dma_wait3A_106 = tpu.memref_slice %arg2[%dma_wait3A_104, %dma_wait3A_105] : memref<10000x32xf32, #tpu.memory_space<hbm>> -> memref<10000x32xf32, #tpu.memory_space<hbm>>
    tpu.wait_indirect_dma semaphore(%arg7 : memref<!tpu.dma_semaphore, #tpu.memory_space<semaphore_mem>>) src(%dma_wait3A_106 : memref<10000x32xf32, #tpu.memory_space<hbm>>) dst(%dma_wait3A_100 : memref<128x32xf32, #tpu.memory_space<vmem>>)
    %dma_wait3A_107 = arith.constant 1 : i32
    %dma_wait3A_108 = arith.constant 1 : i32
    %dma_wait3A_109 = arith.constant 128 : i32
    %dma_wait3A_110 = arith.constant 0 : i32
    %dma_wait3A_111 = tpu.memref_slice %arg6[%dma_wait3A_108, %dma_wait3A_109, %dma_wait3A_110] : memref<3x256x32xf32, #tpu.memory_space<vmem>> -> memref<1x128x32xf32, #tpu.memory_space<vmem>>
    %dma_wait3A_112 = tpu.memref_squeeze %dma_wait3A_111 : memref<1x128x32xf32, #tpu.memory_space<vmem>> -> memref<128x32xf32, #tpu.memory_space<vmem>>
    %dma_wait3A_113 = arith.constant 128 : i32
    %dma_wait3A_114 = tpu.memref_slice %arg5[%dma_wait3A_107, %dma_wait3A_113] : memref<3x256xi32, #tpu.memory_space<vmem>> -> memref<1x128xi32, #tpu.memory_space<vmem>>
    %dma_wait3A_115 = tpu.memref_squeeze %dma_wait3A_114 : memref<1x128xi32, #tpu.memory_space<vmem>> -> memref<128xi32, #tpu.memory_space<vmem>>
    %dma_wait3A_116 = arith.constant 0 : i32
    %dma_wait3A_117 = arith.constant 0 : i32
    %dma_wait3A_118 = tpu.memref_slice %arg2[%dma_wait3A_116, %dma_wait3A_117] : memref<10000x32xf32, #tpu.memory_space<hbm>> -> memref<10000x32xf32, #tpu.memory_space<hbm>>
    tpu.wait_indirect_dma semaphore(%arg7 : memref<!tpu.dma_semaphore, #tpu.memory_space<semaphore_mem>>) src(%dma_wait3A_118 : memref<10000x32xf32, #tpu.memory_space<hbm>>) dst(%dma_wait3A_112 : memref<128x32xf32, #tpu.memory_space<vmem>>)
    %dma_wait3A_119 = arith.constant 2 : i32
    %dma_wait3A_120 = arith.constant 2 : i32
    %dma_wait3A_121 = arith.constant 0 : i32
    %dma_wait3A_122 = arith.constant 0 : i32
    %dma_wait3A_123 = tpu.memref_slice %arg6[%dma_wait3A_120, %dma_wait3A_121, %dma_wait3A_122] : memref<3x256x32xf32, #tpu.memory_space<vmem>> -> memref<1x128x32xf32, #tpu.memory_space<vmem>>
    %dma_wait3A_124 = tpu.memref_squeeze %dma_wait3A_123 : memref<1x128x32xf32, #tpu.memory_space<vmem>> -> memref<128x32xf32, #tpu.memory_space<vmem>>
    %dma_wait3A_125 = arith.constant 0 : i32
    %dma_wait3A_126 = tpu.memref_slice %arg5[%dma_wait3A_119, %dma_wait3A_125] : memref<3x256xi32, #tpu.memory_space<vmem>> -> memref<1x128xi32, #tpu.memory_space<vmem>>
    %dma_wait3A_127 = tpu.memref_squeeze %dma_wait3A_126 : memref<1x128xi32, #tpu.memory_space<vmem>> -> memref<128xi32, #tpu.memory_space<vmem>>
    %dma_wait3A_128 = arith.constant 0 : i32
    %dma_wait3A_129 = arith.constant 0 : i32
    %dma_wait3A_130 = tpu.memref_slice %arg2[%dma_wait3A_128, %dma_wait3A_129] : memref<10000x32xf32, #tpu.memory_space<hbm>> -> memref<10000x32xf32, #tpu.memory_space<hbm>>
    tpu.wait_indirect_dma semaphore(%arg7 : memref<!tpu.dma_semaphore, #tpu.memory_space<semaphore_mem>>) src(%dma_wait3A_130 : memref<10000x32xf32, #tpu.memory_space<hbm>>) dst(%dma_wait3A_124 : memref<128x32xf32, #tpu.memory_space<vmem>>)
    %dma_wait3A_131 = arith.constant 2 : i32
    %dma_wait3A_132 = arith.constant 2 : i32
    %dma_wait3A_133 = arith.constant 128 : i32
    %dma_wait3A_134 = arith.constant 0 : i32
    %dma_wait3A_135 = tpu.memref_slice %arg6[%dma_wait3A_132, %dma_wait3A_133, %dma_wait3A_134] : memref<3x256x32xf32, #tpu.memory_space<vmem>> -> memref<1x128x32xf32, #tpu.memory_space<vmem>>
    %dma_wait3A_136 = tpu.memref_squeeze %dma_wait3A_135 : memref<1x128x32xf32, #tpu.memory_space<vmem>> -> memref<128x32xf32, #tpu.memory_space<vmem>>
    %dma_wait3A_137 = arith.constant 128 : i32
    %dma_wait3A_138 = tpu.memref_slice %arg5[%dma_wait3A_131, %dma_wait3A_137] : memref<3x256xi32, #tpu.memory_space<vmem>> -> memref<1x128xi32, #tpu.memory_space<vmem>>
    %dma_wait3A_139 = tpu.memref_squeeze %dma_wait3A_138 : memref<1x128xi32, #tpu.memory_space<vmem>> -> memref<128xi32, #tpu.memory_space<vmem>>
    %dma_wait3A_140 = arith.constant 0 : i32
    %dma_wait3A_141 = arith.constant 0 : i32
    %dma_wait3A_142 = tpu.memref_slice %arg2[%dma_wait3A_140, %dma_wait3A_141] : memref<10000x32xf32, #tpu.memory_space<hbm>> -> memref<10000x32xf32, #tpu.memory_space<hbm>>
    tpu.wait_indirect_dma semaphore(%arg7 : memref<!tpu.dma_semaphore, #tpu.memory_space<semaphore_mem>>) src(%dma_wait3A_142 : memref<10000x32xf32, #tpu.memory_space<hbm>>) dst(%dma_wait3A_136 : memref<128x32xf32, #tpu.memory_space<vmem>>)
    %mul3A_143 = arith.constant 256 : i32
    %mul3A_144 = arith.muli %add3A, %mul3A_143 : i32
    %add3A_145 = arith.constant 0 : i32
    %add3A_146 = arith.addi %add3A_145, %mul3A_144 : i32
    %run_scoped3A = arith.constant 0 : i32
    "tpu.region"() ({
      %run_scoped3A_157 = tpu.sem_alloc : memref<!tpu.dma_semaphore, #tpu.memory_space<semaphore_mem>>
      %dma_start3A_158 = arith.constant 0 : i32
      %dma_start3A_159 = arith.constant 0 : i32
      %dma_start3A_160 = tpu.memref_slice %arg6[%run_scoped3A, %dma_start3A_158, %dma_start3A_159] : memref<3x256x32xf32, #tpu.memory_space<vmem>> -> memref<1x256x32xf32, #tpu.memory_space<vmem>>
      %dma_start3A_161 = tpu.memref_squeeze %dma_start3A_160 : memref<1x256x32xf32, #tpu.memory_space<vmem>> -> memref<256x32xf32, #tpu.memory_space<vmem>>
      %dma_start3A_162 = arith.constant 0 : i32
      %dma_start3A_163 = tpu.memref_slice %arg4[%add3A_146, %dma_start3A_162] : memref<24576x32xf32, #tpu.memory_space<hbm>> -> memref<256x32xf32, #tpu.memory_space<hbm>>
      %dma_start3A_164 = arith.constant 0 : i32
      %dma_start3A_165 = tpu.memref_slice %arg4[%add3A_146, %dma_start3A_164] : memref<24576x32xf32, #tpu.memory_space<hbm>> -> memref<256x32xf32, #tpu.memory_space<hbm>>
      %dma_start3A_166 = arith.constant 0 : i32
      %dma_start3A_167 = arith.constant 0 : i32
      %dma_start3A_168 = tpu.memref_slice %arg6[%run_scoped3A, %dma_start3A_166, %dma_start3A_167] : memref<3x256x32xf32, #tpu.memory_space<vmem>> -> memref<1x256x32xf32, #tpu.memory_space<vmem>>
      %dma_start3A_169 = tpu.memref_squeeze %dma_start3A_168 : memref<1x256x32xf32, #tpu.memory_space<vmem>> -> memref<256x32xf32, #tpu.memory_space<vmem>>
      tpu.enqueue_dma source(%dma_start3A_169 : memref<256x32xf32, #tpu.memory_space<vmem>>) target(%dma_start3A_165 : memref<256x32xf32, #tpu.memory_space<hbm>>) target_semaphore(%run_scoped3A_157 : memref<!tpu.dma_semaphore, #tpu.memory_space<semaphore_mem>>)
      %dma_wait3A_170 = arith.constant 0 : i32
      %dma_wait3A_171 = arith.constant 0 : i32
      %dma_wait3A_172 = tpu.memref_slice %arg6[%run_scoped3A, %dma_wait3A_170, %dma_wait3A_171] : memref<3x256x32xf32, #tpu.memory_space<vmem>> -> memref<1x256x32xf32, #tpu.memory_space<vmem>>
      %dma_wait3A_173 = tpu.memref_squeeze %dma_wait3A_172 : memref<1x256x32xf32, #tpu.memory_space<vmem>> -> memref<256x32xf32, #tpu.memory_space<vmem>>
      %dma_wait3A_174 = arith.constant 0 : i32
      %dma_wait3A_175 = tpu.memref_slice %arg4[%add3A_146, %dma_wait3A_174] : memref<24576x32xf32, #tpu.memory_space<hbm>> -> memref<256x32xf32, #tpu.memory_space<hbm>>
      %dma_wait3A_176 = arith.constant 0 : i32
      %dma_wait3A_177 = tpu.memref_slice %arg4[%add3A_146, %dma_wait3A_176] : memref<24576x32xf32, #tpu.memory_space<hbm>> -> memref<256x32xf32, #tpu.memory_space<hbm>>
      %dma_wait3A_178 = arith.constant 0 : i32
      %dma_wait3A_179 = arith.constant 0 : i32
      %dma_wait3A_180 = tpu.memref_slice %arg6[%run_scoped3A, %dma_wait3A_178, %dma_wait3A_179] : memref<3x256x32xf32, #tpu.memory_space<vmem>> -> memref<1x256x32xf32, #tpu.memory_space<vmem>>
      %dma_wait3A_181 = tpu.memref_squeeze %dma_wait3A_180 : memref<1x256x32xf32, #tpu.memory_space<vmem>> -> memref<256x32xf32, #tpu.memory_space<vmem>>
      tpu.wait_dma2 semaphore(%run_scoped3A_157 : memref<!tpu.dma_semaphore, #tpu.memory_space<semaphore_mem>>) src(%dma_wait3A_181 : memref<256x32xf32, #tpu.memory_space<vmem>>) dst(%dma_wait3A_177 : memref<256x32xf32, #tpu.memory_space<hbm>>)
      tpu.yield
    }) : () -> ()
    %mul3A_147 = arith.constant 256 : i32
    %mul3A_148 = arith.muli %add3A, %mul3A_147 : i32
    %add3A_149 = arith.constant 8192 : i32
    %add3A_150 = arith.addi %add3A_149, %mul3A_148 : i32
    %run_scoped3A_151 = arith.constant 1 : i32
    "tpu.region"() ({
      %run_scoped3A_157 = tpu.sem_alloc : memref<!tpu.dma_semaphore, #tpu.memory_space<semaphore_mem>>
      %dma_start3A_158 = arith.constant 0 : i32
      %dma_start3A_159 = arith.constant 0 : i32
      %dma_start3A_160 = tpu.memref_slice %arg6[%run_scoped3A_151, %dma_start3A_158, %dma_start3A_159] : memref<3x256x32xf32, #tpu.memory_space<vmem>> -> memref<1x256x32xf32, #tpu.memory_space<vmem>>
      %dma_start3A_161 = tpu.memref_squeeze %dma_start3A_160 : memref<1x256x32xf32, #tpu.memory_space<vmem>> -> memref<256x32xf32, #tpu.memory_space<vmem>>
      %dma_start3A_162 = arith.constant 0 : i32
      %dma_start3A_163 = tpu.memref_slice %arg4[%add3A_150, %dma_start3A_162] : memref<24576x32xf32, #tpu.memory_space<hbm>> -> memref<256x32xf32, #tpu.memory_space<hbm>>
      %dma_start3A_164 = arith.constant 0 : i32
      %dma_start3A_165 = tpu.memref_slice %arg4[%add3A_150, %dma_start3A_164] : memref<24576x32xf32, #tpu.memory_space<hbm>> -> memref<256x32xf32, #tpu.memory_space<hbm>>
      %dma_start3A_166 = arith.constant 0 : i32
      %dma_start3A_167 = arith.constant 0 : i32
      %dma_start3A_168 = tpu.memref_slice %arg6[%run_scoped3A_151, %dma_start3A_166, %dma_start3A_167] : memref<3x256x32xf32, #tpu.memory_space<vmem>> -> memref<1x256x32xf32, #tpu.memory_space<vmem>>
      %dma_start3A_169 = tpu.memref_squeeze %dma_start3A_168 : memref<1x256x32xf32, #tpu.memory_space<vmem>> -> memref<256x32xf32, #tpu.memory_space<vmem>>
      tpu.enqueue_dma source(%dma_start3A_169 : memref<256x32xf32, #tpu.memory_space<vmem>>) target(%dma_start3A_165 : memref<256x32xf32, #tpu.memory_space<hbm>>) target_semaphore(%run_scoped3A_157 : memref<!tpu.dma_semaphore, #tpu.memory_space<semaphore_mem>>)
      %dma_wait3A_170 = arith.constant 0 : i32
      %dma_wait3A_171 = arith.constant 0 : i32
      %dma_wait3A_172 = tpu.memref_slice %arg6[%run_scoped3A_151, %dma_wait3A_170, %dma_wait3A_171] : memref<3x256x32xf32, #tpu.memory_space<vmem>> -> memref<1x256x32xf32, #tpu.memory_space<vmem>>
      %dma_wait3A_173 = tpu.memref_squeeze %dma_wait3A_172 : memref<1x256x32xf32, #tpu.memory_space<vmem>> -> memref<256x32xf32, #tpu.memory_space<vmem>>
      %dma_wait3A_174 = arith.constant 0 : i32
      %dma_wait3A_175 = tpu.memref_slice %arg4[%add3A_150, %dma_wait3A_174] : memref<24576x32xf32, #tpu.memory_space<hbm>> -> memref<256x32xf32, #tpu.memory_space<hbm>>
      %dma_wait3A_176 = arith.constant 0 : i32
      %dma_wait3A_177 = tpu.memref_slice %arg4[%add3A_150, %dma_wait3A_176] : memref<24576x32xf32, #tpu.memory_space<hbm>> -> memref<256x32xf32, #tpu.memory_space<hbm>>
      %dma_wait3A_178 = arith.constant 0 : i32
      %dma_wait3A_179 = arith.constant 0 : i32
      %dma_wait3A_180 = tpu.memref_slice %arg6[%run_scoped3A_151, %dma_wait3A_178, %dma_wait3A_179] : memref<3x256x32xf32, #tpu.memory_space<vmem>> -> memref<1x256x32xf32, #tpu.memory_space<vmem>>
      %dma_wait3A_181 = tpu.memref_squeeze %dma_wait3A_180 : memref<1x256x32xf32, #tpu.memory_space<vmem>> -> memref<256x32xf32, #tpu.memory_space<vmem>>
      tpu.wait_dma2 semaphore(%run_scoped3A_157 : memref<!tpu.dma_semaphore, #tpu.memory_space<semaphore_mem>>) src(%dma_wait3A_181 : memref<256x32xf32, #tpu.memory_space<vmem>>) dst(%dma_wait3A_177 : memref<256x32xf32, #tpu.memory_space<hbm>>)
      tpu.yield
    }) : () -> ()
    %mul3A_152 = arith.constant 256 : i32
    %mul3A_153 = arith.muli %add3A, %mul3A_152 : i32
    %add3A_154 = arith.constant 16384 : i32
    %add3A_155 = arith.addi %add3A_154, %mul3A_153 : i32
    %run_scoped3A_156 = arith.constant 2 : i32
    "tpu.region"() ({
      %run_scoped3A_157 = tpu.sem_alloc : memref<!tpu.dma_semaphore, #tpu.memory_space<semaphore_mem>>
      %dma_start3A_158 = arith.constant 0 : i32
      %dma_start3A_159 = arith.constant 0 : i32
      %dma_start3A_160 = tpu.memref_slice %arg6[%run_scoped3A_156, %dma_start3A_158, %dma_start3A_159] : memref<3x256x32xf32, #tpu.memory_space<vmem>> -> memref<1x256x32xf32, #tpu.memory_space<vmem>>
      %dma_start3A_161 = tpu.memref_squeeze %dma_start3A_160 : memref<1x256x32xf32, #tpu.memory_space<vmem>> -> memref<256x32xf32, #tpu.memory_space<vmem>>
      %dma_start3A_162 = arith.constant 0 : i32
      %dma_start3A_163 = tpu.memref_slice %arg4[%add3A_155, %dma_start3A_162] : memref<24576x32xf32, #tpu.memory_space<hbm>> -> memref<256x32xf32, #tpu.memory_space<hbm>>
      %dma_start3A_164 = arith.constant 0 : i32
      %dma_start3A_165 = tpu.memref_slice %arg4[%add3A_155, %dma_start3A_164] : memref<24576x32xf32, #tpu.memory_space<hbm>> -> memref<256x32xf32, #tpu.memory_space<hbm>>
      %dma_start3A_166 = arith.constant 0 : i32
      %dma_start3A_167 = arith.constant 0 : i32
      %dma_start3A_168 = tpu.memref_slice %arg6[%run_scoped3A_156, %dma_start3A_166, %dma_start3A_167] : memref<3x256x32xf32, #tpu.memory_space<vmem>> -> memref<1x256x32xf32, #tpu.memory_space<vmem>>
      %dma_start3A_169 = tpu.memref_squeeze %dma_start3A_168 : memref<1x256x32xf32, #tpu.memory_space<vmem>> -> memref<256x32xf32, #tpu.memory_space<vmem>>
      tpu.enqueue_dma source(%dma_start3A_169 : memref<256x32xf32, #tpu.memory_space<vmem>>) target(%dma_start3A_165 : memref<256x32xf32, #tpu.memory_space<hbm>>) target_semaphore(%run_scoped3A_157 : memref<!tpu.dma_semaphore, #tpu.memory_space<semaphore_mem>>)
      %dma_wait3A_170 = arith.constant 0 : i32
      %dma_wait3A_171 = arith.constant 0 : i32
      %dma_wait3A_172 = tpu.memref_slice %arg6[%run_scoped3A_156, %dma_wait3A_170, %dma_wait3A_171] : memref<3x256x32xf32, #tpu.memory_space<vmem>> -> memref<1x256x32xf32, #tpu.memory_space<vmem>>
      %dma_wait3A_173 = tpu.memref_squeeze %dma_wait3A_172 : memref<1x256x32xf32, #tpu.memory_space<vmem>> -> memref<256x32xf32, #tpu.memory_space<vmem>>
      %dma_wait3A_174 = arith.constant 0 : i32
      %dma_wait3A_175 = tpu.memref_slice %arg4[%add3A_155, %dma_wait3A_174] : memref<24576x32xf32, #tpu.memory_space<hbm>> -> memref<256x32xf32, #tpu.memory_space<hbm>>
      %dma_wait3A_176 = arith.constant 0 : i32
      %dma_wait3A_177 = tpu.memref_slice %arg4[%add3A_155, %dma_wait3A_176] : memref<24576x32xf32, #tpu.memory_space<hbm>> -> memref<256x32xf32, #tpu.memory_space<hbm>>
      %dma_wait3A_178 = arith.constant 0 : i32
      %dma_wait3A_179 = arith.constant 0 : i32
      %dma_wait3A_180 = tpu.memref_slice %arg6[%run_scoped3A_156, %dma_wait3A_178, %dma_wait3A_179] : memref<3x256x32xf32, #tpu.memory_space<vmem>> -> memref<1x256x32xf32, #tpu.memory_space<vmem>>
      %dma_wait3A_181 = tpu.memref_squeeze %dma_wait3A_180 : memref<1x256x32xf32, #tpu.memory_space<vmem>> -> memref<256x32xf32, #tpu.memory_space<vmem>>
      tpu.wait_dma2 semaphore(%run_scoped3A_157 : memref<!tpu.dma_semaphore, #tpu.memory_space<semaphore_mem>>) src(%dma_wait3A_181 : memref<256x32xf32, #tpu.memory_space<vmem>>) dst(%dma_wait3A_177 : memref<256x32xf32, #tpu.memory_space<hbm>>)
      tpu.yield
    }) : () -> ()
    return
  }
}

module attributes {stable_mosaic.version = 14 : i64} {
  func.func @_mlp_body(%arg0: i32, %arg1: memref<4x1024x128xf32, #tpu.memory_space<vmem>>, %arg2: memref<3x1024x128xf32, #tpu.memory_space<vmem>>, %arg3: memref<1024x16xf32, #tpu.memory_space<vmem>>, %arg4: memref<1x16xf32, #tpu.memory_space<vmem>>, %arg5: memref<1x16xf32, #tpu.memory_space<vmem>>, %arg6: memref<1x16xf32, #tpu.memory_space<vmem>>, %arg7: memref<1x16xf32, #tpu.memory_space<vmem>>, %arg8: memref<7x128x1024xf32, #tpu.memory_space<vmem>>, %arg9: memref<16x1024xf32, #tpu.memory_space<vmem>>, %arg10: memref<1x1024xf32, #tpu.memory_space<vmem>>, %arg11: memref<1x1024xf32, #tpu.memory_space<vmem>>, %arg12: memref<1x1024xf32, #tpu.memory_space<vmem>>, %arg13: memref<1x1024xf32, #tpu.memory_space<vmem>>, %arg14: memref<1x1024xf32, #tpu.memory_space<vmem>>, %arg15: memref<1024x512xf32, #tpu.memory_space<vmem>>, %arg16: memref<1x512xf32, #tpu.memory_space<vmem>>, %arg17: memref<1x512xf32, #tpu.memory_space<vmem>>, %arg18: memref<1x512xf32, #tpu.memory_space<vmem>>, %arg19: memref<1x512xf32, #tpu.memory_space<vmem>>, %arg20: memref<1x512xf32, #tpu.memory_space<vmem>>, %arg21: memref<512x256xf32, #tpu.memory_space<vmem>>, %arg22: memref<1x256xf32, #tpu.memory_space<vmem>>, %arg23: memref<1x256xf32, #tpu.memory_space<vmem>>, %arg24: memref<1x256xf32, #tpu.memory_space<vmem>>, %arg25: memref<1x256xf32, #tpu.memory_space<vmem>>, %arg26: memref<1x256xf32, #tpu.memory_space<vmem>>, %arg27: memref<256x1xf32, #tpu.memory_space<vmem>>, %arg28: memref<1x1xf32, #tpu.memory_space<vmem>>, %arg29: memref<1024x1xf32, #tpu.memory_space<vmem>>, %arg30: memref<7x128x1024xbf16, #tpu.memory_space<vmem>>, %arg31: memref<16x1024xbf16, #tpu.memory_space<vmem>>, %arg32: memref<1024x512xbf16, #tpu.memory_space<vmem>>, %arg33: memref<512x256xbf16, #tpu.memory_space<vmem>>, %arg34: memref<256x1xbf16, #tpu.memory_space<vmem>>, %arg35: memref<1x1024xf32, #tpu.memory_space<vmem>>, %arg36: memref<1x512xf32, #tpu.memory_space<vmem>>, %arg37: memref<1x256xf32, #tpu.memory_space<vmem>>, %arg38: memref<1x1xf32, #tpu.memory_space<vmem>>) attributes {dimension_semantics = [#tpu.dimension_semantics<arbitrary>], iteration_bounds = array<i64: 2>, scalar_prefetch = 0 : i64, scratch_operands = 9 : i64, tpu.core_type = #tpu.core_type<tc>, window_params = [{transform_indices = @transform_0, window_bounds = array<i64: 4, 1024, 128>}, {transform_indices = @transform_1, window_bounds = array<i64: 3, 1024, 128>}, {transform_indices = @transform_2, window_bounds = array<i64: 1024, 16>}, {pipeline_mode = #tpu.pipeline_mode<synchronous>, transform_indices = @transform_3, window_bounds = array<i64: 1, 16>}, {pipeline_mode = #tpu.pipeline_mode<synchronous>, transform_indices = @transform_4, window_bounds = array<i64: 1, 16>}, {pipeline_mode = #tpu.pipeline_mode<synchronous>, transform_indices = @transform_5, window_bounds = array<i64: 1, 16>}, {pipeline_mode = #tpu.pipeline_mode<synchronous>, transform_indices = @transform_6, window_bounds = array<i64: 1, 16>}, {pipeline_mode = #tpu.pipeline_mode<synchronous>, transform_indices = @transform_7, window_bounds = array<i64: 7, 128, 1024>}, {pipeline_mode = #tpu.pipeline_mode<synchronous>, transform_indices = @transform_8, window_bounds = array<i64: 16, 1024>}, {pipeline_mode = #tpu.pipeline_mode<synchronous>, transform_indices = @transform_9, window_bounds = array<i64: 1, 1024>}, {pipeline_mode = #tpu.pipeline_mode<synchronous>, transform_indices = @transform_10, window_bounds = array<i64: 1, 1024>}, {pipeline_mode = #tpu.pipeline_mode<synchronous>, transform_indices = @transform_11, window_bounds = array<i64: 1, 1024>}, {pipeline_mode = #tpu.pipeline_mode<synchronous>, transform_indices = @transform_12, window_bounds = array<i64: 1, 1024>}, {pipeline_mode = #tpu.pipeline_mode<synchronous>, transform_indices = @transform_13, window_bounds = array<i64: 1, 1024>}, {pipeline_mode = #tpu.pipeline_mode<synchronous>, transform_indices = @transform_14, window_bounds = array<i64: 1024, 512>}, {pipeline_mode = #tpu.pipeline_mode<synchronous>, transform_indices = @transform_15, window_bounds = array<i64: 1, 512>}, {pipeline_mode = #tpu.pipeline_mode<synchronous>, transform_indices = @transform_16, window_bounds = array<i64: 1, 512>}, {pipeline_mode = #tpu.pipeline_mode<synchronous>, transform_indices = @transform_17, window_bounds = array<i64: 1, 512>}, {pipeline_mode = #tpu.pipeline_mode<synchronous>, transform_indices = @transform_18, window_bounds = array<i64: 1, 512>}, {pipeline_mode = #tpu.pipeline_mode<synchronous>, transform_indices = @transform_19, window_bounds = array<i64: 1, 512>}, {pipeline_mode = #tpu.pipeline_mode<synchronous>, transform_indices = @transform_20, window_bounds = array<i64: 512, 256>}, {pipeline_mode = #tpu.pipeline_mode<synchronous>, transform_indices = @transform_21, window_bounds = array<i64: 1, 256>}, {pipeline_mode = #tpu.pipeline_mode<synchronous>, transform_indices = @transform_22, window_bounds = array<i64: 1, 256>}, {pipeline_mode = #tpu.pipeline_mode<synchronous>, transform_indices = @transform_23, window_bounds = array<i64: 1, 256>}, {pipeline_mode = #tpu.pipeline_mode<synchronous>, transform_indices = @transform_24, window_bounds = array<i64: 1, 256>}, {pipeline_mode = #tpu.pipeline_mode<synchronous>, transform_indices = @transform_25, window_bounds = array<i64: 1, 256>}, {pipeline_mode = #tpu.pipeline_mode<synchronous>, transform_indices = @transform_26, window_bounds = array<i64: 256, 1>}, {pipeline_mode = #tpu.pipeline_mode<synchronous>, transform_indices = @transform_27, window_bounds = array<i64: 1, 1>}, {transform_indices = @transform_28, window_bounds = array<i64: 1024, 1>}]} {
    %eq3A = arith.constant 0 : i32
    %eq3A_0 = arith.cmpi eq, %arg0, %eq3A : i32
    %convert_element_type3A = arith.extui %eq3A_0 : i1 to i32
    %cond3A = arith.constant 0 : i32
    %cond3A_1 = arith.cmpi ne, %convert_element_type3A, %cond3A : i32
    scf.if %cond3A_1 {
      %get3A_141 = arith.constant 0 : index
      %get3A_142 = arith.constant 0 : index
      %get3A_143 = vector.load %arg4[%get3A_141, %get3A_142] : memref<1x16xf32, #tpu.memory_space<vmem>>, vector<1x16xf32>
      %get3A_144 = arith.constant 0 : index
      %get3A_145 = arith.constant 0 : index
      %get3A_146 = vector.load %arg7[%get3A_144, %get3A_145] : memref<1x16xf32, #tpu.memory_space<vmem>>, vector<1x16xf32>
      %add3A_147 = arith.constant 9.99999974E-6 : f32
      %add3A_148 = vector.broadcast %add3A_147 : f32 to vector<1x16xf32>
      %add3A_149 = arith.addf %get3A_146, %add3A_148 : vector<1x16xf32>
      %rsqrt3A = math.rsqrt %add3A_149 : vector<1x16xf32>
      %mul3A = arith.mulf %get3A_143, %rsqrt3A : vector<1x16xf32>
      %get3A_150 = arith.constant 0 : index
      %get3A_151 = arith.constant 0 : index
      %get3A_152 = vector.load %arg5[%get3A_150, %get3A_151] : memref<1x16xf32, #tpu.memory_space<vmem>>, vector<1x16xf32>
      %get3A_153 = arith.constant 0 : index
      %get3A_154 = arith.constant 0 : index
      %get3A_155 = vector.load %arg6[%get3A_153, %get3A_154] : memref<1x16xf32, #tpu.memory_space<vmem>>, vector<1x16xf32>
      %mul3A_156 = arith.mulf %get3A_155, %mul3A : vector<1x16xf32>
      %sub3A = arith.subf %get3A_152, %mul3A_156 : vector<1x16xf32>
      %get3A_157 = arith.constant 0 : index
      %get3A_158 = arith.constant 0 : index
      %get3A_159 = vector.load %arg11[%get3A_157, %get3A_158] : memref<1x1024xf32, #tpu.memory_space<vmem>>, vector<1x1024xf32>
      %get3A_160 = arith.constant 0 : index
      %get3A_161 = arith.constant 0 : index
      %get3A_162 = vector.load %arg14[%get3A_160, %get3A_161] : memref<1x1024xf32, #tpu.memory_space<vmem>>, vector<1x1024xf32>
      %add3A_163 = arith.constant 9.99999974E-6 : f32
      %add3A_164 = vector.broadcast %add3A_163 : f32 to vector<1x1024xf32>
      %add3A_165 = arith.addf %get3A_162, %add3A_164 : vector<1x1024xf32>
      %rsqrt3A_166 = math.rsqrt %add3A_165 : vector<1x1024xf32>
      %mul3A_167 = arith.mulf %get3A_159, %rsqrt3A_166 : vector<1x1024xf32>
      %get3A_168 = arith.constant 0 : index
      %get3A_169 = arith.constant 0 : index
      %get3A_170 = vector.load %arg12[%get3A_168, %get3A_169] : memref<1x1024xf32, #tpu.memory_space<vmem>>, vector<1x1024xf32>
      %get3A_171 = arith.constant 0 : index
      %get3A_172 = arith.constant 0 : index
      %get3A_173 = vector.load %arg13[%get3A_171, %get3A_172] : memref<1x1024xf32, #tpu.memory_space<vmem>>, vector<1x1024xf32>
      %mul3A_174 = arith.mulf %get3A_173, %mul3A_167 : vector<1x1024xf32>
      %sub3A_175 = arith.subf %get3A_170, %mul3A_174 : vector<1x1024xf32>
      %get3A_176 = arith.constant 0 : index
      %get3A_177 = arith.constant 0 : index
      %get3A_178 = vector.load %arg17[%get3A_176, %get3A_177] : memref<1x512xf32, #tpu.memory_space<vmem>>, vector<1x512xf32>
      %get3A_179 = arith.constant 0 : index
      %get3A_180 = arith.constant 0 : index
      %get3A_181 = vector.load %arg20[%get3A_179, %get3A_180] : memref<1x512xf32, #tpu.memory_space<vmem>>, vector<1x512xf32>
      %add3A_182 = arith.constant 9.99999974E-6 : f32
      %add3A_183 = vector.broadcast %add3A_182 : f32 to vector<1x512xf32>
      %add3A_184 = arith.addf %get3A_181, %add3A_183 : vector<1x512xf32>
      %rsqrt3A_185 = math.rsqrt %add3A_184 : vector<1x512xf32>
      %mul3A_186 = arith.mulf %get3A_178, %rsqrt3A_185 : vector<1x512xf32>
      %get3A_187 = arith.constant 0 : index
      %get3A_188 = arith.constant 0 : index
      %get3A_189 = vector.load %arg18[%get3A_187, %get3A_188] : memref<1x512xf32, #tpu.memory_space<vmem>>, vector<1x512xf32>
      %get3A_190 = arith.constant 0 : index
      %get3A_191 = arith.constant 0 : index
      %get3A_192 = vector.load %arg19[%get3A_190, %get3A_191] : memref<1x512xf32, #tpu.memory_space<vmem>>, vector<1x512xf32>
      %mul3A_193 = arith.mulf %get3A_192, %mul3A_186 : vector<1x512xf32>
      %sub3A_194 = arith.subf %get3A_189, %mul3A_193 : vector<1x512xf32>
      %get3A_195 = arith.constant 0 : index
      %get3A_196 = arith.constant 0 : index
      %get3A_197 = vector.load %arg23[%get3A_195, %get3A_196] : memref<1x256xf32, #tpu.memory_space<vmem>>, vector<1x256xf32>
      %get3A_198 = arith.constant 0 : index
      %get3A_199 = arith.constant 0 : index
      %get3A_200 = vector.load %arg26[%get3A_198, %get3A_199] : memref<1x256xf32, #tpu.memory_space<vmem>>, vector<1x256xf32>
      %add3A_201 = arith.constant 9.99999974E-6 : f32
      %add3A_202 = vector.broadcast %add3A_201 : f32 to vector<1x256xf32>
      %add3A_203 = arith.addf %get3A_200, %add3A_202 : vector<1x256xf32>
      %rsqrt3A_204 = math.rsqrt %add3A_203 : vector<1x256xf32>
      %mul3A_205 = arith.mulf %get3A_197, %rsqrt3A_204 : vector<1x256xf32>
      %get3A_206 = arith.constant 0 : index
      %get3A_207 = arith.constant 0 : index
      %get3A_208 = vector.load %arg24[%get3A_206, %get3A_207] : memref<1x256xf32, #tpu.memory_space<vmem>>, vector<1x256xf32>
      %get3A_209 = arith.constant 0 : index
      %get3A_210 = arith.constant 0 : index
      %get3A_211 = vector.load %arg25[%get3A_209, %get3A_210] : memref<1x256xf32, #tpu.memory_space<vmem>>, vector<1x256xf32>
      %mul3A_212 = arith.mulf %get3A_211, %mul3A_205 : vector<1x256xf32>
      %sub3A_213 = arith.subf %get3A_208, %mul3A_212 : vector<1x256xf32>
      %get3A_214 = arith.constant 0 : index
      %get3A_215 = arith.constant 0 : index
      %get3A_216 = arith.constant 0 : index
      %get3A_217 = vector.load %arg8[%get3A_214, %get3A_215, %get3A_216] : memref<7x128x1024xf32, #tpu.memory_space<vmem>>, vector<7x128x1024xf32>
      %convert_element_type3A_218 = arith.truncf %get3A_217 : vector<7x128x1024xf32> to vector<7x128x1024xbf16>
      %swap3A_219 = arith.constant 0 : index
      %swap3A_220 = arith.constant 0 : index
      %swap3A_221 = arith.constant 0 : index
      %swap3A_222 = vector.load %arg30[%swap3A_219, %swap3A_220, %swap3A_221] : memref<7x128x1024xbf16, #tpu.memory_space<vmem>>, vector<7x128x1024xbf16>
      tpu.vector_store %arg30[%swap3A_219, %swap3A_220, %swap3A_221], %convert_element_type3A_218 {strides = array<i32>} : memref<7x128x1024xbf16, #tpu.memory_space<vmem>>, vector<7x128x1024xbf16>,
      %reshape3A = vector.shape_cast %mul3A : vector<1x16xf32> to vector<16x1xf32>
      %get3A_223 = arith.constant 0 : index
      %get3A_224 = arith.constant 0 : index
      %get3A_225 = vector.load %arg9[%get3A_223, %get3A_224] : memref<16x1024xf32, #tpu.memory_space<vmem>>, vector<16x1024xf32>
      %mul3A_226 = vector.broadcast %reshape3A : vector<16x1xf32> to vector<16x1024xf32>
      %mul3A_227 = arith.mulf %mul3A_226, %get3A_225 : vector<16x1024xf32>
      %convert_element_type3A_228 = arith.truncf %mul3A_227 : vector<16x1024xf32> to vector<16x1024xbf16>
      %swap3A_229 = arith.constant 0 : index
      %swap3A_230 = arith.constant 0 : index
      %swap3A_231 = vector.load %arg31[%swap3A_229, %swap3A_230] : memref<16x1024xbf16, #tpu.memory_space<vmem>>, vector<16x1024xbf16>
      tpu.vector_store %arg31[%swap3A_229, %swap3A_230], %convert_element_type3A_228 {strides = array<i32>} : memref<16x1024xbf16, #tpu.memory_space<vmem>>, vector<16x1024xbf16>,
      %reshape3A_232 = vector.shape_cast %mul3A_167 : vector<1x1024xf32> to vector<1024x1xf32>
      %get3A_233 = arith.constant 0 : index
      %get3A_234 = arith.constant 0 : index
      %get3A_235 = vector.load %arg15[%get3A_233, %get3A_234] : memref<1024x512xf32, #tpu.memory_space<vmem>>, vector<1024x512xf32>
      %mul3A_236 = vector.broadcast %reshape3A_232 : vector<1024x1xf32> to vector<1024x512xf32>
      %mul3A_237 = arith.mulf %mul3A_236, %get3A_235 : vector<1024x512xf32>
      %convert_element_type3A_238 = arith.truncf %mul3A_237 : vector<1024x512xf32> to vector<1024x512xbf16>
      %swap3A_239 = arith.constant 0 : index
      %swap3A_240 = arith.constant 0 : index
      %swap3A_241 = vector.load %arg32[%swap3A_239, %swap3A_240] : memref<1024x512xbf16, #tpu.memory_space<vmem>>, vector<1024x512xbf16>
      tpu.vector_store %arg32[%swap3A_239, %swap3A_240], %convert_element_type3A_238 {strides = array<i32>} : memref<1024x512xbf16, #tpu.memory_space<vmem>>, vector<1024x512xbf16>,
      %reshape3A_242 = vector.shape_cast %mul3A_186 : vector<1x512xf32> to vector<512x1xf32>
      %get3A_243 = arith.constant 0 : index
      %get3A_244 = arith.constant 0 : index
      %get3A_245 = vector.load %arg21[%get3A_243, %get3A_244] : memref<512x256xf32, #tpu.memory_space<vmem>>, vector<512x256xf32>
      %mul3A_246 = vector.broadcast %reshape3A_242 : vector<512x1xf32> to vector<512x256xf32>
      %mul3A_247 = arith.mulf %mul3A_246, %get3A_245 : vector<512x256xf32>
      %convert_element_type3A_248 = arith.truncf %mul3A_247 : vector<512x256xf32> to vector<512x256xbf16>
      %swap3A_249 = arith.constant 0 : index
      %swap3A_250 = arith.constant 0 : index
      %swap3A_251 = vector.load %arg33[%swap3A_249, %swap3A_250] : memref<512x256xbf16, #tpu.memory_space<vmem>>, vector<512x256xbf16>
      tpu.vector_store %arg33[%swap3A_249, %swap3A_250], %convert_element_type3A_248 {strides = array<i32>} : memref<512x256xbf16, #tpu.memory_space<vmem>>, vector<512x256xbf16>,
      %reshape3A_252 = vector.shape_cast %mul3A_205 : vector<1x256xf32> to vector<256x1xf32>
      %get3A_253 = arith.constant 0 : index
      %get3A_254 = arith.constant 0 : index
      %get3A_255 = vector.load %arg27[%get3A_253, %get3A_254] : memref<256x1xf32, #tpu.memory_space<vmem>>, vector<256x1xf32>
      %mul3A_256 = arith.mulf %reshape3A_252, %get3A_255 : vector<256x1xf32>
      %convert_element_type3A_257 = arith.truncf %mul3A_256 : vector<256x1xf32> to vector<256x1xbf16>
      %swap3A_258 = arith.constant 0 : index
      %swap3A_259 = arith.constant 0 : index
      %swap3A_260 = vector.load %arg34[%swap3A_258, %swap3A_259] : memref<256x1xbf16, #tpu.memory_space<vmem>>, vector<256x1xbf16>
      tpu.vector_store %arg34[%swap3A_258, %swap3A_259], %convert_element_type3A_257 {strides = array<i32>} : memref<256x1xbf16, #tpu.memory_space<vmem>>, vector<256x1xbf16>,
      %get3A_261 = arith.constant 0 : index
      %get3A_262 = arith.constant 0 : index
      %get3A_263 = vector.load %arg10[%get3A_261, %get3A_262] : memref<1x1024xf32, #tpu.memory_space<vmem>>, vector<1x1024xf32>
      %get3A_264 = arith.constant 0 : index
      %get3A_265 = arith.constant 0 : index
      %get3A_266 = vector.load %arg9[%get3A_264, %get3A_265] : memref<16x1024xf32, #tpu.memory_space<vmem>>, vector<16x1024xf32>
      %dot_general3A_267 = arith.constant dense<0.000000e+00> : vector<1x1024xf32>
      %dot_general3A_268 = tpu.matmul %sub3A, %get3A_266, %dot_general3A_267 {dimension_numbers = #tpu.dot_dimension_numbers<[1], [0], [0], [1], [0, 0, 1, 1], [], []>, transpose_lhs_hint = false} : vector<1x16xf32>, vector<16x1024xf32>, vector<1x1024xf32> -> vector<1x1024xf32>
      %add3A_269 = arith.addf %get3A_263, %dot_general3A_268 : vector<1x1024xf32>
      %swap3A_270 = arith.constant 0 : index
      %swap3A_271 = arith.constant 0 : index
      %swap3A_272 = vector.load %arg35[%swap3A_270, %swap3A_271] : memref<1x1024xf32, #tpu.memory_space<vmem>>, vector<1x1024xf32>
      tpu.vector_store %arg35[%swap3A_270, %swap3A_271], %add3A_269 {strides = array<i32>} : memref<1x1024xf32, #tpu.memory_space<vmem>>, vector<1x1024xf32>,
      %get3A_273 = arith.constant 0 : index
      %get3A_274 = arith.constant 0 : index
      %get3A_275 = vector.load %arg16[%get3A_273, %get3A_274] : memref<1x512xf32, #tpu.memory_space<vmem>>, vector<1x512xf32>
      %get3A_276 = arith.constant 0 : index
      %get3A_277 = arith.constant 0 : index
      %get3A_278 = vector.load %arg15[%get3A_276, %get3A_277] : memref<1024x512xf32, #tpu.memory_space<vmem>>, vector<1024x512xf32>
      %dot_general3A_279 = arith.constant dense<0.000000e+00> : vector<1x512xf32>
      %dot_general3A_280 = tpu.matmul %sub3A_175, %get3A_278, %dot_general3A_279 {dimension_numbers = #tpu.dot_dimension_numbers<[1], [0], [0], [1], [0, 0, 1, 1], [], []>, transpose_lhs_hint = false} : vector<1x1024xf32>, vector<1024x512xf32>, vector<1x512xf32> -> vector<1x512xf32>
      %add3A_281 = arith.addf %get3A_275, %dot_general3A_280 : vector<1x512xf32>
      %swap3A_282 = arith.constant 0 : index
      %swap3A_283 = arith.constant 0 : index
      %swap3A_284 = vector.load %arg36[%swap3A_282, %swap3A_283] : memref<1x512xf32, #tpu.memory_space<vmem>>, vector<1x512xf32>
      tpu.vector_store %arg36[%swap3A_282, %swap3A_283], %add3A_281 {strides = array<i32>} : memref<1x512xf32, #tpu.memory_space<vmem>>, vector<1x512xf32>,
      %get3A_285 = arith.constant 0 : index
      %get3A_286 = arith.constant 0 : index
      %get3A_287 = vector.load %arg22[%get3A_285, %get3A_286] : memref<1x256xf32, #tpu.memory_space<vmem>>, vector<1x256xf32>
      %get3A_288 = arith.constant 0 : index
      %get3A_289 = arith.constant 0 : index
      %get3A_290 = vector.load %arg21[%get3A_288, %get3A_289] : memref<512x256xf32, #tpu.memory_space<vmem>>, vector<512x256xf32>
      %dot_general3A_291 = arith.constant dense<0.000000e+00> : vector<1x256xf32>
      %dot_general3A_292 = tpu.matmul %sub3A_194, %get3A_290, %dot_general3A_291 {dimension_numbers = #tpu.dot_dimension_numbers<[1], [0], [0], [1], [0, 0, 1, 1], [], []>, transpose_lhs_hint = false} : vector<1x512xf32>, vector<512x256xf32>, vector<1x256xf32> -> vector<1x256xf32>
      %add3A_293 = arith.addf %get3A_287, %dot_general3A_292 : vector<1x256xf32>
      %swap3A_294 = arith.constant 0 : index
      %swap3A_295 = arith.constant 0 : index
      %swap3A_296 = vector.load %arg37[%swap3A_294, %swap3A_295] : memref<1x256xf32, #tpu.memory_space<vmem>>, vector<1x256xf32>
      tpu.vector_store %arg37[%swap3A_294, %swap3A_295], %add3A_293 {strides = array<i32>} : memref<1x256xf32, #tpu.memory_space<vmem>>, vector<1x256xf32>,
      %get3A_297 = arith.constant 0 : index
      %get3A_298 = arith.constant 0 : index
      %get3A_299 = vector.load %arg28[%get3A_297, %get3A_298] : memref<1x1xf32, #tpu.memory_space<vmem>>, vector<1x1xf32>
      %get3A_300 = arith.constant 0 : index
      %get3A_301 = arith.constant 0 : index
      %get3A_302 = vector.load %arg27[%get3A_300, %get3A_301] : memref<256x1xf32, #tpu.memory_space<vmem>>, vector<256x1xf32>
      %dot_general3A_303 = arith.constant dense<0.000000e+00> : vector<1x1xf32>
      %dot_general3A_304 = tpu.matmul %sub3A_213, %get3A_302, %dot_general3A_303 {dimension_numbers = #tpu.dot_dimension_numbers<[1], [0], [0], [1], [0, 0, 1, 1], [], []>, transpose_lhs_hint = false} : vector<1x256xf32>, vector<256x1xf32>, vector<1x1xf32> -> vector<1x1xf32>
      %add3A_305 = arith.addf %get3A_299, %dot_general3A_304 : vector<1x1xf32>
      %swap3A_306 = arith.constant 0 : index
      %swap3A_307 = arith.constant 0 : index
      %swap3A_308 = vector.load %arg38[%swap3A_306, %swap3A_307] : memref<1x1xf32, #tpu.memory_space<vmem>>, vector<1x1xf32>
      tpu.vector_store %arg38[%swap3A_306, %swap3A_307], %add3A_305 {strides = array<i32>} : memref<1x1xf32, #tpu.memory_space<vmem>>, vector<1x1xf32>,
    } else {
    }
    %get3A = arith.constant 0 : index
    %get3A_2 = arith.constant 0 : index
    %get3A_3 = vector.load %arg3[%get3A, %get3A_2] : memref<1024x16xf32, #tpu.memory_space<vmem>>, vector<1024x16xf32>
    %convert_element_type3A_4 = arith.truncf %get3A_3 : vector<1024x16xf32> to vector<1024x16xbf16>
    %get3A_5 = arith.constant 0 : index
    %get3A_6 = arith.constant 0 : index
    %get3A_7 = vector.load %arg31[%get3A_5, %get3A_6] : memref<16x1024xbf16, #tpu.memory_space<vmem>>, vector<16x1024xbf16>
    %dot_general3A = arith.constant dense<0.000000e+00> : vector<1024x1024xf32>
    %dot_general3A_8 = tpu.matmul %convert_element_type3A_4, %get3A_7, %dot_general3A {dimension_numbers = #tpu.dot_dimension_numbers<[1], [0], [0], [1], [0, 0, 1, 1], [], []>, transpose_lhs_hint = false} : vector<1024x16xbf16>, vector<16x1024xbf16>, vector<1024x1024xf32> -> vector<1024x1024xf32>
    %get3A_9 = arith.constant 0 : index
    %get3A_10 = arith.constant 0 : index
    %get3A_11 = arith.constant 0 : index
    %get3A_12 = vector.load %arg1[%get3A_9, %get3A_10, %get3A_11] : memref<4x1024x128xf32, #tpu.memory_space<vmem>>, vector<1x1024x128xf32>
    %get3A_13 = vector.shape_cast %get3A_12 : vector<1x1024x128xf32> to vector<1024x128xf32>
    %get3A_14 = arith.constant 1 : index
    %get3A_15 = arith.constant 0 : index
    %get3A_16 = arith.constant 0 : index
    %get3A_17 = vector.load %arg1[%get3A_14, %get3A_15, %get3A_16] : memref<4x1024x128xf32, #tpu.memory_space<vmem>>, vector<1x1024x128xf32>
    %get3A_18 = vector.shape_cast %get3A_17 : vector<1x1024x128xf32> to vector<1024x128xf32>
    %get3A_19 = arith.constant 2 : index
    %get3A_20 = arith.constant 0 : index
    %get3A_21 = arith.constant 0 : index
    %get3A_22 = vector.load %arg1[%get3A_19, %get3A_20, %get3A_21] : memref<4x1024x128xf32, #tpu.memory_space<vmem>>, vector<1x1024x128xf32>
    %get3A_23 = vector.shape_cast %get3A_22 : vector<1x1024x128xf32> to vector<1024x128xf32>
    %get3A_24 = arith.constant 3 : index
    %get3A_25 = arith.constant 0 : index
    %get3A_26 = arith.constant 0 : index
    %get3A_27 = vector.load %arg1[%get3A_24, %get3A_25, %get3A_26] : memref<4x1024x128xf32, #tpu.memory_space<vmem>>, vector<1x1024x128xf32>
    %get3A_28 = vector.shape_cast %get3A_27 : vector<1x1024x128xf32> to vector<1024x128xf32>
    %concatenate3A = tpu.concatenate %get3A_13, %get3A_18, %get3A_23, %get3A_28 in 1 : vector<1024x128xf32>, vector<1024x128xf32>, vector<1024x128xf32>, vector<1024x128xf32> -> vector<1024x512xf32>
    %get3A_29 = arith.constant 0 : index
    %get3A_30 = arith.constant 0 : index
    %get3A_31 = arith.constant 0 : index
    %get3A_32 = vector.load %arg30[%get3A_29, %get3A_30, %get3A_31] : memref<7x128x1024xbf16, #tpu.memory_space<vmem>>, vector<1x128x1024xbf16>
    %get3A_33 = vector.shape_cast %get3A_32 : vector<1x128x1024xbf16> to vector<128x1024xbf16>
    %get3A_34 = arith.constant 1 : index
    %get3A_35 = arith.constant 0 : index
    %get3A_36 = arith.constant 0 : index
    %get3A_37 = vector.load %arg30[%get3A_34, %get3A_35, %get3A_36] : memref<7x128x1024xbf16, #tpu.memory_space<vmem>>, vector<1x128x1024xbf16>
    %get3A_38 = vector.shape_cast %get3A_37 : vector<1x128x1024xbf16> to vector<128x1024xbf16>
    %get3A_39 = arith.constant 2 : index
    %get3A_40 = arith.constant 0 : index
    %get3A_41 = arith.constant 0 : index
    %get3A_42 = vector.load %arg30[%get3A_39, %get3A_40, %get3A_41] : memref<7x128x1024xbf16, #tpu.memory_space<vmem>>, vector<1x128x1024xbf16>
    %get3A_43 = vector.shape_cast %get3A_42 : vector<1x128x1024xbf16> to vector<128x1024xbf16>
    %get3A_44 = arith.constant 3 : index
    %get3A_45 = arith.constant 0 : index
    %get3A_46 = arith.constant 0 : index
    %get3A_47 = vector.load %arg30[%get3A_44, %get3A_45, %get3A_46] : memref<7x128x1024xbf16, #tpu.memory_space<vmem>>, vector<1x128x1024xbf16>
    %get3A_48 = vector.shape_cast %get3A_47 : vector<1x128x1024xbf16> to vector<128x1024xbf16>
    %concatenate3A_49 = tpu.concatenate %get3A_33, %get3A_38, %get3A_43, %get3A_48 in 0 : vector<128x1024xbf16>, vector<128x1024xbf16>, vector<128x1024xbf16>, vector<128x1024xbf16> -> vector<512x1024xbf16>
    %get3A_50 = arith.constant 0 : index
    %get3A_51 = arith.constant 0 : index
    %get3A_52 = arith.constant 0 : index
    %get3A_53 = vector.load %arg2[%get3A_50, %get3A_51, %get3A_52] : memref<3x1024x128xf32, #tpu.memory_space<vmem>>, vector<1x1024x128xf32>
    %get3A_54 = vector.shape_cast %get3A_53 : vector<1x1024x128xf32> to vector<1024x128xf32>
    %get3A_55 = arith.constant 1 : index
    %get3A_56 = arith.constant 0 : index
    %get3A_57 = arith.constant 0 : index
    %get3A_58 = vector.load %arg2[%get3A_55, %get3A_56, %get3A_57] : memref<3x1024x128xf32, #tpu.memory_space<vmem>>, vector<1x1024x128xf32>
    %get3A_59 = vector.shape_cast %get3A_58 : vector<1x1024x128xf32> to vector<1024x128xf32>
    %concatenate3A_60 = tpu.concatenate %get3A_54, %get3A_59 in 1 : vector<1024x128xf32>, vector<1024x128xf32> -> vector<1024x256xf32>
    %get3A_61 = arith.constant 4 : index
    %get3A_62 = arith.constant 0 : index
    %get3A_63 = arith.constant 0 : index
    %get3A_64 = vector.load %arg30[%get3A_61, %get3A_62, %get3A_63] : memref<7x128x1024xbf16, #tpu.memory_space<vmem>>, vector<1x128x1024xbf16>
    %get3A_65 = vector.shape_cast %get3A_64 : vector<1x128x1024xbf16> to vector<128x1024xbf16>
    %get3A_66 = arith.constant 5 : index
    %get3A_67 = arith.constant 0 : index
    %get3A_68 = arith.constant 0 : index
    %get3A_69 = vector.load %arg30[%get3A_66, %get3A_67, %get3A_68] : memref<7x128x1024xbf16, #tpu.memory_space<vmem>>, vector<1x128x1024xbf16>
    %get3A_70 = vector.shape_cast %get3A_69 : vector<1x128x1024xbf16> to vector<128x1024xbf16>
    %concatenate3A_71 = tpu.concatenate %get3A_65, %get3A_70 in 0 : vector<128x1024xbf16>, vector<128x1024xbf16> -> vector<256x1024xbf16>
    %get3A_72 = arith.constant 2 : index
    %get3A_73 = arith.constant 0 : index
    %get3A_74 = arith.constant 0 : index
    %get3A_75 = vector.load %arg2[%get3A_72, %get3A_73, %get3A_74] : memref<3x1024x128xf32, #tpu.memory_space<vmem>>, vector<1x1024x128xf32>
    %get3A_76 = vector.shape_cast %get3A_75 : vector<1x1024x128xf32> to vector<1024x128xf32>
    %get3A_77 = arith.constant 6 : index
    %get3A_78 = arith.constant 0 : index
    %get3A_79 = arith.constant 0 : index
    %get3A_80 = vector.load %arg30[%get3A_77, %get3A_78, %get3A_79] : memref<7x128x1024xbf16, #tpu.memory_space<vmem>>, vector<1x128x1024xbf16>
    %get3A_81 = vector.shape_cast %get3A_80 : vector<1x128x1024xbf16> to vector<128x1024xbf16>
    %convert_element_type3A_82 = arith.truncf %concatenate3A : vector<1024x512xf32> to vector<1024x512xbf16>
    %dot_general3A_83 = arith.constant dense<0.000000e+00> : vector<1024x1024xf32>
    %dot_general3A_84 = tpu.matmul %convert_element_type3A_82, %concatenate3A_49, %dot_general3A_83 {dimension_numbers = #tpu.dot_dimension_numbers<[1], [0], [0], [1], [0, 0, 1, 1], [], []>, transpose_lhs_hint = false} : vector<1024x512xbf16>, vector<512x1024xbf16>, vector<1024x1024xf32> -> vector<1024x1024xf32>
    %add3A = arith.addf %dot_general3A_8, %dot_general3A_84 : vector<1024x1024xf32>
    %convert_element_type3A_85 = arith.truncf %concatenate3A_60 : vector<1024x256xf32> to vector<1024x256xbf16>
    %dot_general3A_86 = arith.constant dense<0.000000e+00> : vector<1024x1024xf32>
    %dot_general3A_87 = tpu.matmul %convert_element_type3A_85, %concatenate3A_71, %dot_general3A_86 {dimension_numbers = #tpu.dot_dimension_numbers<[1], [0], [0], [1], [0, 0, 1, 1], [], []>, transpose_lhs_hint = false} : vector<1024x256xbf16>, vector<256x1024xbf16>, vector<1024x1024xf32> -> vector<1024x1024xf32>
    %add3A_88 = arith.addf %add3A, %dot_general3A_87 : vector<1024x1024xf32>
    %convert_element_type3A_89 = arith.truncf %get3A_76 : vector<1024x128xf32> to vector<1024x128xbf16>
    %dot_general3A_90 = arith.constant dense<0.000000e+00> : vector<1024x1024xf32>
    %dot_general3A_91 = tpu.matmul %convert_element_type3A_89, %get3A_81, %dot_general3A_90 {dimension_numbers = #tpu.dot_dimension_numbers<[1], [0], [0], [1], [0, 0, 1, 1], [], []>, transpose_lhs_hint = false} : vector<1024x128xbf16>, vector<128x1024xbf16>, vector<1024x1024xf32> -> vector<1024x1024xf32>
    %add3A_92 = arith.addf %add3A_88, %dot_general3A_91 : vector<1024x1024xf32>
    %get3A_93 = arith.constant 0 : index
    %get3A_94 = arith.constant 0 : index
    %get3A_95 = vector.load %arg35[%get3A_93, %get3A_94] : memref<1x1024xf32, #tpu.memory_space<vmem>>, vector<1x1024xf32>
    %add3A_96 = vector.broadcast %get3A_95 : vector<1x1024xf32> to vector<1024x1024xf32>
    %add3A_97 = arith.addf %add3A_92, %add3A_96 : vector<1024x1024xf32>
    %max3A = arith.constant 0.000000e+00 : f32
    %max3A_98 = vector.broadcast %max3A : f32 to vector<1024x1024xf32>
    %max3A_99 = arith.maximumf %add3A_97, %max3A_98 : vector<1024x1024xf32>
    %convert_element_type3A_100 = arith.truncf %max3A_99 : vector<1024x1024xf32> to vector<1024x1024xbf16>
    %get3A_101 = arith.constant 0 : index
    %get3A_102 = arith.constant 0 : index
    %get3A_103 = vector.load %arg32[%get3A_101, %get3A_102] : memref<1024x512xbf16, #tpu.memory_space<vmem>>, vector<1024x512xbf16>
    %dot_general3A_104 = arith.constant dense<0.000000e+00> : vector<1024x512xf32>
    %dot_general3A_105 = tpu.matmul %convert_element_type3A_100, %get3A_103, %dot_general3A_104 {dimension_numbers = #tpu.dot_dimension_numbers<[1], [0], [0], [1], [0, 0, 1, 1], [], []>, transpose_lhs_hint = false} : vector<1024x1024xbf16>, vector<1024x512xbf16>, vector<1024x512xf32> -> vector<1024x512xf32>
    %get3A_106 = arith.constant 0 : index
    %get3A_107 = arith.constant 0 : index
    %get3A_108 = vector.load %arg36[%get3A_106, %get3A_107] : memref<1x512xf32, #tpu.memory_space<vmem>>, vector<1x512xf32>
    %add3A_109 = vector.broadcast %get3A_108 : vector<1x512xf32> to vector<1024x512xf32>
    %add3A_110 = arith.addf %dot_general3A_105, %add3A_109 : vector<1024x512xf32>
    %max3A_111 = arith.constant 0.000000e+00 : f32
    %max3A_112 = vector.broadcast %max3A_111 : f32 to vector<1024x512xf32>
    %max3A_113 = arith.maximumf %add3A_110, %max3A_112 : vector<1024x512xf32>
    %convert_element_type3A_114 = arith.truncf %max3A_113 : vector<1024x512xf32> to vector<1024x512xbf16>
    %get3A_115 = arith.constant 0 : index
    %get3A_116 = arith.constant 0 : index
    %get3A_117 = vector.load %arg33[%get3A_115, %get3A_116] : memref<512x256xbf16, #tpu.memory_space<vmem>>, vector<512x256xbf16>
    %dot_general3A_118 = arith.constant dense<0.000000e+00> : vector<1024x256xf32>
    %dot_general3A_119 = tpu.matmul %convert_element_type3A_114, %get3A_117, %dot_general3A_118 {dimension_numbers = #tpu.dot_dimension_numbers<[1], [0], [0], [1], [0, 0, 1, 1], [], []>, transpose_lhs_hint = false} : vector<1024x512xbf16>, vector<512x256xbf16>, vector<1024x256xf32> -> vector<1024x256xf32>
    %get3A_120 = arith.constant 0 : index
    %get3A_121 = arith.constant 0 : index
    %get3A_122 = vector.load %arg37[%get3A_120, %get3A_121] : memref<1x256xf32, #tpu.memory_space<vmem>>, vector<1x256xf32>
    %add3A_123 = vector.broadcast %get3A_122 : vector<1x256xf32> to vector<1024x256xf32>
    %add3A_124 = arith.addf %dot_general3A_119, %add3A_123 : vector<1024x256xf32>
    %max3A_125 = arith.constant 0.000000e+00 : f32
    %max3A_126 = vector.broadcast %max3A_125 : f32 to vector<1024x256xf32>
    %max3A_127 = arith.maximumf %add3A_124, %max3A_126 : vector<1024x256xf32>
    %convert_element_type3A_128 = arith.truncf %max3A_127 : vector<1024x256xf32> to vector<1024x256xbf16>
    %get3A_129 = arith.constant 0 : index
    %get3A_130 = arith.constant 0 : index
    %get3A_131 = vector.load %arg34[%get3A_129, %get3A_130] : memref<256x1xbf16, #tpu.memory_space<vmem>>, vector<256x1xbf16>
    %dot_general3A_132 = arith.constant dense<0.000000e+00> : vector<1024x1xf32>
    %dot_general3A_133 = tpu.matmul %convert_element_type3A_128, %get3A_131, %dot_general3A_132 {dimension_numbers = #tpu.dot_dimension_numbers<[1], [0], [0], [1], [0, 0, 1, 1], [], []>, transpose_lhs_hint = false} : vector<1024x256xbf16>, vector<256x1xbf16>, vector<1024x1xf32> -> vector<1024x1xf32>
    %get3A_134 = arith.constant 0 : index
    %get3A_135 = arith.constant 0 : index
    %get3A_136 = vector.load %arg38[%get3A_134, %get3A_135] : memref<1x1xf32, #tpu.memory_space<vmem>>, vector<1x1xf32>
    %add3A_137 = vector.broadcast %get3A_136 : vector<1x1xf32> to vector<1024x1xf32>
    %add3A_138 = arith.addf %dot_general3A_133, %add3A_137 : vector<1024x1xf32>
    %swap3A = arith.constant 0 : index
    %swap3A_139 = arith.constant 0 : index
    %swap3A_140 = vector.load %arg29[%swap3A, %swap3A_139] : memref<1024x1xf32, #tpu.memory_space<vmem>>, vector<1024x1xf32>
    tpu.vector_store %arg29[%swap3A, %swap3A_139], %add3A_138 {strides = array<i32>} : memref<1024x1xf32, #tpu.memory_space<vmem>>, vector<1024x1xf32>,
    return
  }
  func.func @transform_0(%arg0: i32) -> (i32, i32, i32) {
    %c0_i32 = arith.constant 0 : i32
    %c0_i32_0 = arith.constant 0 : i32
    %c0_i32_1 = arith.constant 0 : i32
    return %c0_i32, %arg0, %c0_i32_0 : i32, i32, i32
  }
  func.func @transform_1(%arg0: i32) -> (i32, i32, i32) {
    %c0_i32 = arith.constant 0 : i32
    %c0_i32_0 = arith.constant 0 : i32
    %c0_i32_1 = arith.constant 0 : i32
    return %c0_i32, %arg0, %c0_i32_0 : i32, i32, i32
  }
  func.func @transform_2(%arg0: i32) -> (i32, i32) {
    %add3A = arith.constant 0 : i32
    %add3A_0 = arith.addi %arg0, %add3A : i32
    %c0_i32 = arith.constant 0 : i32
    %c0_i32_1 = arith.constant 0 : i32
    return %add3A_0, %c0_i32 : i32, i32
  }
  func.func @transform_3(%arg0: i32) -> (i32, i32) {
    %c0_i32 = arith.constant 0 : i32
    %c0_i32_0 = arith.constant 0 : i32
    %c0_i32_1 = arith.constant 0 : i32
    return %c0_i32, %c0_i32_0 : i32, i32
  }
  func.func @transform_4(%arg0: i32) -> (i32, i32) {
    %c0_i32 = arith.constant 0 : i32
    %c0_i32_0 = arith.constant 0 : i32
    %c0_i32_1 = arith.constant 0 : i32
    return %c0_i32, %c0_i32_0 : i32, i32
  }
  func.func @transform_5(%arg0: i32) -> (i32, i32) {
    %c0_i32 = arith.constant 0 : i32
    %c0_i32_0 = arith.constant 0 : i32
    %c0_i32_1 = arith.constant 0 : i32
    return %c0_i32, %c0_i32_0 : i32, i32
  }
  func.func @transform_6(%arg0: i32) -> (i32, i32) {
    %c0_i32 = arith.constant 0 : i32
    %c0_i32_0 = arith.constant 0 : i32
    %c0_i32_1 = arith.constant 0 : i32
    return %c0_i32, %c0_i32_0 : i32, i32
  }
  func.func @transform_7(%arg0: i32) -> (i32, i32, i32) {
    %c0_i32 = arith.constant 0 : i32
    %c0_i32_0 = arith.constant 0 : i32
    %c0_i32_1 = arith.constant 0 : i32
    %c0_i32_2 = arith.constant 0 : i32
    return %c0_i32, %c0_i32_0, %c0_i32_1 : i32, i32, i32
  }
  func.func @transform_8(%arg0: i32) -> (i32, i32) {
    %c0_i32 = arith.constant 0 : i32
    %c0_i32_0 = arith.constant 0 : i32
    %c0_i32_1 = arith.constant 0 : i32
    return %c0_i32, %c0_i32_0 : i32, i32
  }
  func.func @transform_9(%arg0: i32) -> (i32, i32) {
    %c0_i32 = arith.constant 0 : i32
    %c0_i32_0 = arith.constant 0 : i32
    %c0_i32_1 = arith.constant 0 : i32
    return %c0_i32, %c0_i32_0 : i32, i32
  }
  func.func @transform_10(%arg0: i32) -> (i32, i32) {
    %c0_i32 = arith.constant 0 : i32
    %c0_i32_0 = arith.constant 0 : i32
    %c0_i32_1 = arith.constant 0 : i32
    return %c0_i32, %c0_i32_0 : i32, i32
  }
  func.func @transform_11(%arg0: i32) -> (i32, i32) {
    %c0_i32 = arith.constant 0 : i32
    %c0_i32_0 = arith.constant 0 : i32
    %c0_i32_1 = arith.constant 0 : i32
    return %c0_i32, %c0_i32_0 : i32, i32
  }
  func.func @transform_12(%arg0: i32) -> (i32, i32) {
    %c0_i32 = arith.constant 0 : i32
    %c0_i32_0 = arith.constant 0 : i32
    %c0_i32_1 = arith.constant 0 : i32
    return %c0_i32, %c0_i32_0 : i32, i32
  }
  func.func @transform_13(%arg0: i32) -> (i32, i32) {
    %c0_i32 = arith.constant 0 : i32
    %c0_i32_0 = arith.constant 0 : i32
    %c0_i32_1 = arith.constant 0 : i32
    return %c0_i32, %c0_i32_0 : i32, i32
  }
  func.func @transform_14(%arg0: i32) -> (i32, i32) {
    %c0_i32 = arith.constant 0 : i32
    %c0_i32_0 = arith.constant 0 : i32
    %c0_i32_1 = arith.constant 0 : i32
    return %c0_i32, %c0_i32_0 : i32, i32
  }
  func.func @transform_15(%arg0: i32) -> (i32, i32) {
    %c0_i32 = arith.constant 0 : i32
    %c0_i32_0 = arith.constant 0 : i32
    %c0_i32_1 = arith.constant 0 : i32
    return %c0_i32, %c0_i32_0 : i32, i32
  }
  func.func @transform_16(%arg0: i32) -> (i32, i32) {
    %c0_i32 = arith.constant 0 : i32
    %c0_i32_0 = arith.constant 0 : i32
    %c0_i32_1 = arith.constant 0 : i32
    return %c0_i32, %c0_i32_0 : i32, i32
  }
  func.func @transform_17(%arg0: i32) -> (i32, i32) {
    %c0_i32 = arith.constant 0 : i32
    %c0_i32_0 = arith.constant 0 : i32
    %c0_i32_1 = arith.constant 0 : i32
    return %c0_i32, %c0_i32_0 : i32, i32
  }
  func.func @transform_18(%arg0: i32) -> (i32, i32) {
    %c0_i32 = arith.constant 0 : i32
    %c0_i32_0 = arith.constant 0 : i32
    %c0_i32_1 = arith.constant 0 : i32
    return %c0_i32, %c0_i32_0 : i32, i32
  }
  func.func @transform_19(%arg0: i32) -> (i32, i32) {
    %c0_i32 = arith.constant 0 : i32
    %c0_i32_0 = arith.constant 0 : i32
    %c0_i32_1 = arith.constant 0 : i32
    return %c0_i32, %c0_i32_0 : i32, i32
  }
  func.func @transform_20(%arg0: i32) -> (i32, i32) {
    %c0_i32 = arith.constant 0 : i32
    %c0_i32_0 = arith.constant 0 : i32
    %c0_i32_1 = arith.constant 0 : i32
    return %c0_i32, %c0_i32_0 : i32, i32
  }
  func.func @transform_21(%arg0: i32) -> (i32, i32) {
    %c0_i32 = arith.constant 0 : i32
    %c0_i32_0 = arith.constant 0 : i32
    %c0_i32_1 = arith.constant 0 : i32
    return %c0_i32, %c0_i32_0 : i32, i32
  }
  func.func @transform_22(%arg0: i32) -> (i32, i32) {
    %c0_i32 = arith.constant 0 : i32
    %c0_i32_0 = arith.constant 0 : i32
    %c0_i32_1 = arith.constant 0 : i32
    return %c0_i32, %c0_i32_0 : i32, i32
  }
  func.func @transform_23(%arg0: i32) -> (i32, i32) {
    %c0_i32 = arith.constant 0 : i32
    %c0_i32_0 = arith.constant 0 : i32
    %c0_i32_1 = arith.constant 0 : i32
    return %c0_i32, %c0_i32_0 : i32, i32
  }
  func.func @transform_24(%arg0: i32) -> (i32, i32) {
    %c0_i32 = arith.constant 0 : i32
    %c0_i32_0 = arith.constant 0 : i32
    %c0_i32_1 = arith.constant 0 : i32
    return %c0_i32, %c0_i32_0 : i32, i32
  }
  func.func @transform_25(%arg0: i32) -> (i32, i32) {
    %c0_i32 = arith.constant 0 : i32
    %c0_i32_0 = arith.constant 0 : i32
    %c0_i32_1 = arith.constant 0 : i32
    return %c0_i32, %c0_i32_0 : i32, i32
  }
  func.func @transform_26(%arg0: i32) -> (i32, i32) {
    %c0_i32 = arith.constant 0 : i32
    %c0_i32_0 = arith.constant 0 : i32
    %c0_i32_1 = arith.constant 0 : i32
    return %c0_i32, %c0_i32_0 : i32, i32
  }
  func.func @transform_27(%arg0: i32) -> (i32, i32) {
    %c0_i32 = arith.constant 0 : i32
    %c0_i32_0 = arith.constant 0 : i32
    %c0_i32_1 = arith.constant 0 : i32
    return %c0_i32, %c0_i32_0 : i32, i32
  }
  func.func @transform_28(%arg0: i32) -> (i32, i32) {
    %c0_i32 = arith.constant 0 : i32
    %c0_i32_0 = arith.constant 0 : i32
    return %arg0, %c0_i32 : i32, i32
  }
}

module attributes {stable_mosaic.version = 14 : i64} {
  func.func @_mlp_body(%arg0: i32, %arg1: memref<4x1024x128xf32, #tpu.memory_space<vmem>>, %arg2: memref<3x1024x128xf32, #tpu.memory_space<vmem>>, %arg3: memref<1024x16xf32, #tpu.memory_space<vmem>>, %arg4: memref<1x16xf32, #tpu.memory_space<vmem>>, %arg5: memref<1x16xf32, #tpu.memory_space<vmem>>, %arg6: memref<1x16xf32, #tpu.memory_space<vmem>>, %arg7: memref<1x16xf32, #tpu.memory_space<vmem>>, %arg8: memref<7x128x1024xf32, #tpu.memory_space<vmem>>, %arg9: memref<16x1024xf32, #tpu.memory_space<vmem>>, %arg10: memref<1x1024xf32, #tpu.memory_space<vmem>>, %arg11: memref<1x1024xf32, #tpu.memory_space<vmem>>, %arg12: memref<1x1024xf32, #tpu.memory_space<vmem>>, %arg13: memref<1x1024xf32, #tpu.memory_space<vmem>>, %arg14: memref<1x1024xf32, #tpu.memory_space<vmem>>, %arg15: memref<1024x512xf32, #tpu.memory_space<vmem>>, %arg16: memref<1x512xf32, #tpu.memory_space<vmem>>, %arg17: memref<1x512xf32, #tpu.memory_space<vmem>>, %arg18: memref<1x512xf32, #tpu.memory_space<vmem>>, %arg19: memref<1x512xf32, #tpu.memory_space<vmem>>, %arg20: memref<1x512xf32, #tpu.memory_space<vmem>>, %arg21: memref<512x256xf32, #tpu.memory_space<vmem>>, %arg22: memref<1x256xf32, #tpu.memory_space<vmem>>, %arg23: memref<1x256xf32, #tpu.memory_space<vmem>>, %arg24: memref<1x256xf32, #tpu.memory_space<vmem>>, %arg25: memref<1x256xf32, #tpu.memory_space<vmem>>, %arg26: memref<1x256xf32, #tpu.memory_space<vmem>>, %arg27: memref<256x1xf32, #tpu.memory_space<vmem>>, %arg28: memref<1x1xf32, #tpu.memory_space<vmem>>, %arg29: memref<1024x1xf32, #tpu.memory_space<vmem>>, %arg30: memref<7x128x1024xbf16, #tpu.memory_space<vmem>>, %arg31: memref<16x1024xbf16, #tpu.memory_space<vmem>>, %arg32: memref<1024x512xbf16, #tpu.memory_space<vmem>>, %arg33: memref<512x256xbf16, #tpu.memory_space<vmem>>, %arg34: memref<256x1xbf16, #tpu.memory_space<vmem>>, %arg35: memref<1x1024xf32, #tpu.memory_space<vmem>>, %arg36: memref<1x512xf32, #tpu.memory_space<vmem>>, %arg37: memref<1x256xf32, #tpu.memory_space<vmem>>, %arg38: memref<1x1xf32, #tpu.memory_space<vmem>>) attributes {dimension_semantics = [#tpu.dimension_semantics<arbitrary>], iteration_bounds = array<i64: 2>, scalar_prefetch = 0 : i64, scratch_operands = 9 : i64, tpu.core_type = #tpu.core_type<tc>, window_params = [{transform_indices = @transform_0, window_bounds = array<i64: 4, 1024, 128>}, {transform_indices = @transform_1, window_bounds = array<i64: 3, 1024, 128>}, {transform_indices = @transform_2, window_bounds = array<i64: 1024, 16>}, {pipeline_mode = #tpu.pipeline_mode<synchronous>, transform_indices = @transform_3, window_bounds = array<i64: 1, 16>}, {pipeline_mode = #tpu.pipeline_mode<synchronous>, transform_indices = @transform_4, window_bounds = array<i64: 1, 16>}, {pipeline_mode = #tpu.pipeline_mode<synchronous>, transform_indices = @transform_5, window_bounds = array<i64: 1, 16>}, {pipeline_mode = #tpu.pipeline_mode<synchronous>, transform_indices = @transform_6, window_bounds = array<i64: 1, 16>}, {pipeline_mode = #tpu.pipeline_mode<synchronous>, transform_indices = @transform_7, window_bounds = array<i64: 7, 128, 1024>}, {pipeline_mode = #tpu.pipeline_mode<synchronous>, transform_indices = @transform_8, window_bounds = array<i64: 16, 1024>}, {pipeline_mode = #tpu.pipeline_mode<synchronous>, transform_indices = @transform_9, window_bounds = array<i64: 1, 1024>}, {pipeline_mode = #tpu.pipeline_mode<synchronous>, transform_indices = @transform_10, window_bounds = array<i64: 1, 1024>}, {pipeline_mode = #tpu.pipeline_mode<synchronous>, transform_indices = @transform_11, window_bounds = array<i64: 1, 1024>}, {pipeline_mode = #tpu.pipeline_mode<synchronous>, transform_indices = @transform_12, window_bounds = array<i64: 1, 1024>}, {pipeline_mode = #tpu.pipeline_mode<synchronous>, transform_indices = @transform_13, window_bounds = array<i64: 1, 1024>}, {pipeline_mode = #tpu.pipeline_mode<synchronous>, transform_indices = @transform_14, window_bounds = array<i64: 1024, 512>}, {pipeline_mode = #tpu.pipeline_mode<synchronous>, transform_indices = @transform_15, window_bounds = array<i64: 1, 512>}, {pipeline_mode = #tpu.pipeline_mode<synchronous>, transform_indices = @transform_16, window_bounds = array<i64: 1, 512>}, {pipeline_mode = #tpu.pipeline_mode<synchronous>, transform_indices = @transform_17, window_bounds = array<i64: 1, 512>}, {pipeline_mode = #tpu.pipeline_mode<synchronous>, transform_indices = @transform_18, window_bounds = array<i64: 1, 512>}, {pipeline_mode = #tpu.pipeline_mode<synchronous>, transform_indices = @transform_19, window_bounds = array<i64: 1, 512>}, {pipeline_mode = #tpu.pipeline_mode<synchronous>, transform_indices = @transform_20, window_bounds = array<i64: 512, 256>}, {pipeline_mode = #tpu.pipeline_mode<synchronous>, transform_indices = @transform_21, window_bounds = array<i64: 1, 256>}, {pipeline_mode = #tpu.pipeline_mode<synchronous>, transform_indices = @transform_22, window_bounds = array<i64: 1, 256>}, {pipeline_mode = #tpu.pipeline_mode<synchronous>, transform_indices = @transform_23, window_bounds = array<i64: 1, 256>}, {pipeline_mode = #tpu.pipeline_mode<synchronous>, transform_indices = @transform_24, window_bounds = array<i64: 1, 256>}, {pipeline_mode = #tpu.pipeline_mode<synchronous>, transform_indices = @transform_25, window_bounds = array<i64: 1, 256>}, {pipeline_mode = #tpu.pipeline_mode<synchronous>, transform_indices = @transform_26, window_bounds = array<i64: 256, 1>}, {pipeline_mode = #tpu.pipeline_mode<synchronous>, transform_indices = @transform_27, window_bounds = array<i64: 1, 1>}, {transform_indices = @transform_28, window_bounds = array<i64: 1024, 1>}]} {
    %eq3A = arith.constant 0 : i32
    %eq3A_0 = arith.cmpi eq, %arg0, %eq3A : i32
    %convert_element_type3A = arith.extui %eq3A_0 : i1 to i32
    %cond3A = arith.constant 0 : i32
    %cond3A_1 = arith.cmpi ne, %convert_element_type3A, %cond3A : i32
    scf.if %cond3A_1 {
      %get3A_141 = arith.constant 0 : index
      %get3A_142 = arith.constant 0 : index
      %get3A_143 = vector.load %arg4[%get3A_141, %get3A_142] : memref<1x16xf32, #tpu.memory_space<vmem>>, vector<1x16xf32>
      %get3A_144 = arith.constant 0 : index
      %get3A_145 = arith.constant 0 : index
      %get3A_146 = vector.load %arg7[%get3A_144, %get3A_145] : memref<1x16xf32, #tpu.memory_space<vmem>>, vector<1x16xf32>
      %add3A_147 = arith.constant 9.99999974E-6 : f32
      %add3A_148 = vector.broadcast %add3A_147 : f32 to vector<1x16xf32>
      %add3A_149 = arith.addf %get3A_146, %add3A_148 : vector<1x16xf32>
      %rsqrt3A = math.rsqrt %add3A_149 : vector<1x16xf32>
      %mul3A = arith.mulf %get3A_143, %rsqrt3A : vector<1x16xf32>
      %get3A_150 = arith.constant 0 : index
      %get3A_151 = arith.constant 0 : index
      %get3A_152 = vector.load %arg5[%get3A_150, %get3A_151] : memref<1x16xf32, #tpu.memory_space<vmem>>, vector<1x16xf32>
      %get3A_153 = arith.constant 0 : index
      %get3A_154 = arith.constant 0 : index
      %get3A_155 = vector.load %arg6[%get3A_153, %get3A_154] : memref<1x16xf32, #tpu.memory_space<vmem>>, vector<1x16xf32>
      %mul3A_156 = arith.mulf %get3A_155, %mul3A : vector<1x16xf32>
      %sub3A = arith.subf %get3A_152, %mul3A_156 : vector<1x16xf32>
      %get3A_157 = arith.constant 0 : index
      %get3A_158 = arith.constant 0 : index
      %get3A_159 = vector.load %arg11[%get3A_157, %get3A_158] : memref<1x1024xf32, #tpu.memory_space<vmem>>, vector<1x1024xf32>
      %get3A_160 = arith.constant 0 : index
      %get3A_161 = arith.constant 0 : index
      %get3A_162 = vector.load %arg14[%get3A_160, %get3A_161] : memref<1x1024xf32, #tpu.memory_space<vmem>>, vector<1x1024xf32>
      %add3A_163 = arith.constant 9.99999974E-6 : f32
      %add3A_164 = vector.broadcast %add3A_163 : f32 to vector<1x1024xf32>
      %add3A_165 = arith.addf %get3A_162, %add3A_164 : vector<1x1024xf32>
      %rsqrt3A_166 = math.rsqrt %add3A_165 : vector<1x1024xf32>
      %mul3A_167 = arith.mulf %get3A_159, %rsqrt3A_166 : vector<1x1024xf32>
      %get3A_168 = arith.constant 0 : index
      %get3A_169 = arith.constant 0 : index
      %get3A_170 = vector.load %arg12[%get3A_168, %get3A_169] : memref<1x1024xf32, #tpu.memory_space<vmem>>, vector<1x1024xf32>
      %get3A_171 = arith.constant 0 : index
      %get3A_172 = arith.constant 0 : index
      %get3A_173 = vector.load %arg13[%get3A_171, %get3A_172] : memref<1x1024xf32, #tpu.memory_space<vmem>>, vector<1x1024xf32>
      %mul3A_174 = arith.mulf %get3A_173, %mul3A_167 : vector<1x1024xf32>
      %sub3A_175 = arith.subf %get3A_170, %mul3A_174 : vector<1x1024xf32>
      %get3A_176 = arith.constant 0 : index
      %get3A_177 = arith.constant 0 : index
      %get3A_178 = vector.load %arg17[%get3A_176, %get3A_177] : memref<1x512xf32, #tpu.memory_space<vmem>>, vector<1x512xf32>
      %get3A_179 = arith.constant 0 : index
      %get3A_180 = arith.constant 0 : index
      %get3A_181 = vector.load %arg20[%get3A_179, %get3A_180] : memref<1x512xf32, #tpu.memory_space<vmem>>, vector<1x512xf32>
      %add3A_182 = arith.constant 9.99999974E-6 : f32
      %add3A_183 = vector.broadcast %add3A_182 : f32 to vector<1x512xf32>
      %add3A_184 = arith.addf %get3A_181, %add3A_183 : vector<1x512xf32>
      %rsqrt3A_185 = math.rsqrt %add3A_184 : vector<1x512xf32>
      %mul3A_186 = arith.mulf %get3A_178, %rsqrt3A_185 : vector<1x512xf32>
      %get3A_187 = arith.constant 0 : index
      %get3A_188 = arith.constant 0 : index
      %get3A_189 = vector.load %arg18[%get3A_187, %get3A_188] : memref<1x512xf32, #tpu.memory_space<vmem>>, vector<1x512xf32>
      %get3A_190 = arith.constant 0 : index
      %get3A_191 = arith.constant 0 : index
      %get3A_192 = vector.load %arg19[%get3A_190, %get3A_191] : memref<1x512xf32, #tpu.memory_space<vmem>>, vector<1x512xf32>
      %mul3A_193 = arith.mulf %get3A_192, %mul3A_186 : vector<1x512xf32>
      %sub3A_194 = arith.subf %get3A_189, %mul3A_193 : vector<1x512xf32>
      %get3A_195 = arith.constant 0 : index
      %get3A_196 = arith.constant 0 : index
      %get3A_197 = vector.load %arg23[%get3A_195, %get3A_196] : memref<1x256xf32, #tpu.memory_space<vmem>>, vector<1x256xf32>
      %get3A_198 = arith.constant 0 : index
      %get3A_199 = arith.constant 0 : index
      %get3A_200 = vector.load %arg26[%get3A_198, %get3A_199] : memref<1x256xf32, #tpu.memory_space<vmem>>, vector<1x256xf32>
      %add3A_201 = arith.constant 9.99999974E-6 : f32
      %add3A_202 = vector.broadcast %add3A_201 : f32 to vector<1x256xf32>
      %add3A_203 = arith.addf %get3A_200, %add3A_202 : vector<1x256xf32>
      %rsqrt3A_204 = math.rsqrt %add3A_203 : vector<1x256xf32>
      %mul3A_205 = arith.mulf %get3A_197, %rsqrt3A_204 : vector<1x256xf32>
      %get3A_206 = arith.constant 0 : index
      %get3A_207 = arith.constant 0 : index
      %get3A_208 = vector.load %arg24[%get3A_206, %get3A_207] : memref<1x256xf32, #tpu.memory_space<vmem>>, vector<1x256xf32>
      %get3A_209 = arith.constant 0 : index
      %get3A_210 = arith.constant 0 : index
      %get3A_211 = vector.load %arg25[%get3A_209, %get3A_210] : memref<1x256xf32, #tpu.memory_space<vmem>>, vector<1x256xf32>
      %mul3A_212 = arith.mulf %get3A_211, %mul3A_205 : vector<1x256xf32>
      %sub3A_213 = arith.subf %get3A_208, %mul3A_212 : vector<1x256xf32>
      %get3A_214 = arith.constant 0 : index
      %get3A_215 = arith.constant 0 : index
      %get3A_216 = arith.constant 0 : index
      %get3A_217 = vector.load %arg8[%get3A_214, %get3A_215, %get3A_216] : memref<7x128x1024xf32, #tpu.memory_space<vmem>>, vector<7x128x1024xf32>
      %convert_element_type3A_218 = arith.truncf %get3A_217 : vector<7x128x1024xf32> to vector<7x128x1024xbf16>
      %swap3A_219 = arith.constant 0 : index
      %swap3A_220 = arith.constant 0 : index
      %swap3A_221 = arith.constant 0 : index
      %swap3A_222 = vector.load %arg30[%swap3A_219, %swap3A_220, %swap3A_221] : memref<7x128x1024xbf16, #tpu.memory_space<vmem>>, vector<7x128x1024xbf16>
      tpu.vector_store %arg30[%swap3A_219, %swap3A_220, %swap3A_221], %convert_element_type3A_218 {strides = array<i32>} : memref<7x128x1024xbf16, #tpu.memory_space<vmem>>, vector<7x128x1024xbf16>,
      %reshape3A = vector.shape_cast %mul3A : vector<1x16xf32> to vector<16x1xf32>
      %get3A_223 = arith.constant 0 : index
      %get3A_224 = arith.constant 0 : index
      %get3A_225 = vector.load %arg9[%get3A_223, %get3A_224] : memref<16x1024xf32, #tpu.memory_space<vmem>>, vector<16x1024xf32>
      %mul3A_226 = vector.broadcast %reshape3A : vector<16x1xf32> to vector<16x1024xf32>
      %mul3A_227 = arith.mulf %mul3A_226, %get3A_225 : vector<16x1024xf32>
      %convert_element_type3A_228 = arith.truncf %mul3A_227 : vector<16x1024xf32> to vector<16x1024xbf16>
      %swap3A_229 = arith.constant 0 : index
      %swap3A_230 = arith.constant 0 : index
      %swap3A_231 = vector.load %arg31[%swap3A_229, %swap3A_230] : memref<16x1024xbf16, #tpu.memory_space<vmem>>, vector<16x1024xbf16>
      tpu.vector_store %arg31[%swap3A_229, %swap3A_230], %convert_element_type3A_228 {strides = array<i32>} : memref<16x1024xbf16, #tpu.memory_space<vmem>>, vector<16x1024xbf16>,
      %reshape3A_232 = vector.shape_cast %mul3A_167 : vector<1x1024xf32> to vector<1024x1xf32>
      %get3A_233 = arith.constant 0 : index
      %get3A_234 = arith.constant 0 : index
      %get3A_235 = vector.load %arg15[%get3A_233, %get3A_234] : memref<1024x512xf32, #tpu.memory_space<vmem>>, vector<1024x512xf32>
      %mul3A_236 = vector.broadcast %reshape3A_232 : vector<1024x1xf32> to vector<1024x512xf32>
      %mul3A_237 = arith.mulf %mul3A_236, %get3A_235 : vector<1024x512xf32>
      %convert_element_type3A_238 = arith.truncf %mul3A_237 : vector<1024x512xf32> to vector<1024x512xbf16>
      %swap3A_239 = arith.constant 0 : index
      %swap3A_240 = arith.constant 0 : index
      %swap3A_241 = vector.load %arg32[%swap3A_239, %swap3A_240] : memref<1024x512xbf16, #tpu.memory_space<vmem>>, vector<1024x512xbf16>
      tpu.vector_store %arg32[%swap3A_239, %swap3A_240], %convert_element_type3A_238 {strides = array<i32>} : memref<1024x512xbf16, #tpu.memory_space<vmem>>, vector<1024x512xbf16>,
      %reshape3A_242 = vector.shape_cast %mul3A_186 : vector<1x512xf32> to vector<512x1xf32>
      %get3A_243 = arith.constant 0 : index
      %get3A_244 = arith.constant 0 : index
      %get3A_245 = vector.load %arg21[%get3A_243, %get3A_244] : memref<512x256xf32, #tpu.memory_space<vmem>>, vector<512x256xf32>
      %mul3A_246 = vector.broadcast %reshape3A_242 : vector<512x1xf32> to vector<512x256xf32>
      %mul3A_247 = arith.mulf %mul3A_246, %get3A_245 : vector<512x256xf32>
      %convert_element_type3A_248 = arith.truncf %mul3A_247 : vector<512x256xf32> to vector<512x256xbf16>
      %swap3A_249 = arith.constant 0 : index
      %swap3A_250 = arith.constant 0 : index
      %swap3A_251 = vector.load %arg33[%swap3A_249, %swap3A_250] : memref<512x256xbf16, #tpu.memory_space<vmem>>, vector<512x256xbf16>
      tpu.vector_store %arg33[%swap3A_249, %swap3A_250], %convert_element_type3A_248 {strides = array<i32>} : memref<512x256xbf16, #tpu.memory_space<vmem>>, vector<512x256xbf16>,
      %reshape3A_252 = vector.shape_cast %mul3A_205 : vector<1x256xf32> to vector<256x1xf32>
      %get3A_253 = arith.constant 0 : index
      %get3A_254 = arith.constant 0 : index
      %get3A_255 = vector.load %arg27[%get3A_253, %get3A_254] : memref<256x1xf32, #tpu.memory_space<vmem>>, vector<256x1xf32>
      %mul3A_256 = arith.mulf %reshape3A_252, %get3A_255 : vector<256x1xf32>
      %convert_element_type3A_257 = arith.truncf %mul3A_256 : vector<256x1xf32> to vector<256x1xbf16>
      %swap3A_258 = arith.constant 0 : index
      %swap3A_259 = arith.constant 0 : index
      %swap3A_260 = vector.load %arg34[%swap3A_258, %swap3A_259] : memref<256x1xbf16, #tpu.memory_space<vmem>>, vector<256x1xbf16>
      tpu.vector_store %arg34[%swap3A_258, %swap3A_259], %convert_element_type3A_257 {strides = array<i32>} : memref<256x1xbf16, #tpu.memory_space<vmem>>, vector<256x1xbf16>,
      %get3A_261 = arith.constant 0 : index
      %get3A_262 = arith.constant 0 : index
      %get3A_263 = vector.load %arg10[%get3A_261, %get3A_262] : memref<1x1024xf32, #tpu.memory_space<vmem>>, vector<1x1024xf32>
      %get3A_264 = arith.constant 0 : index
      %get3A_265 = arith.constant 0 : index
      %get3A_266 = vector.load %arg9[%get3A_264, %get3A_265] : memref<16x1024xf32, #tpu.memory_space<vmem>>, vector<16x1024xf32>
      %dot_general3A_267 = arith.constant dense<0.000000e+00> : vector<1x1024xf32>
      %dot_general3A_268 = tpu.matmul %sub3A, %get3A_266, %dot_general3A_267 {dimension_numbers = #tpu.dot_dimension_numbers<[1], [0], [0], [1], [0, 0, 1, 1], [], []>, transpose_lhs_hint = false} : vector<1x16xf32>, vector<16x1024xf32>, vector<1x1024xf32> -> vector<1x1024xf32>
      %add3A_269 = arith.addf %get3A_263, %dot_general3A_268 : vector<1x1024xf32>
      %swap3A_270 = arith.constant 0 : index
      %swap3A_271 = arith.constant 0 : index
      %swap3A_272 = vector.load %arg35[%swap3A_270, %swap3A_271] : memref<1x1024xf32, #tpu.memory_space<vmem>>, vector<1x1024xf32>
      tpu.vector_store %arg35[%swap3A_270, %swap3A_271], %add3A_269 {strides = array<i32>} : memref<1x1024xf32, #tpu.memory_space<vmem>>, vector<1x1024xf32>,
      %get3A_273 = arith.constant 0 : index
      %get3A_274 = arith.constant 0 : index
      %get3A_275 = vector.load %arg16[%get3A_273, %get3A_274] : memref<1x512xf32, #tpu.memory_space<vmem>>, vector<1x512xf32>
      %get3A_276 = arith.constant 0 : index
      %get3A_277 = arith.constant 0 : index
      %get3A_278 = vector.load %arg15[%get3A_276, %get3A_277] : memref<1024x512xf32, #tpu.memory_space<vmem>>, vector<1024x512xf32>
      %dot_general3A_279 = arith.constant dense<0.000000e+00> : vector<1x512xf32>
      %dot_general3A_280 = tpu.matmul %sub3A_175, %get3A_278, %dot_general3A_279 {dimension_numbers = #tpu.dot_dimension_numbers<[1], [0], [0], [1], [0, 0, 1, 1], [], []>, transpose_lhs_hint = false} : vector<1x1024xf32>, vector<1024x512xf32>, vector<1x512xf32> -> vector<1x512xf32>
      %add3A_281 = arith.addf %get3A_275, %dot_general3A_280 : vector<1x512xf32>
      %swap3A_282 = arith.constant 0 : index
      %swap3A_283 = arith.constant 0 : index
      %swap3A_284 = vector.load %arg36[%swap3A_282, %swap3A_283] : memref<1x512xf32, #tpu.memory_space<vmem>>, vector<1x512xf32>
      tpu.vector_store %arg36[%swap3A_282, %swap3A_283], %add3A_281 {strides = array<i32>} : memref<1x512xf32, #tpu.memory_space<vmem>>, vector<1x512xf32>,
      %get3A_285 = arith.constant 0 : index
      %get3A_286 = arith.constant 0 : index
      %get3A_287 = vector.load %arg22[%get3A_285, %get3A_286] : memref<1x256xf32, #tpu.memory_space<vmem>>, vector<1x256xf32>
      %get3A_288 = arith.constant 0 : index
      %get3A_289 = arith.constant 0 : index
      %get3A_290 = vector.load %arg21[%get3A_288, %get3A_289] : memref<512x256xf32, #tpu.memory_space<vmem>>, vector<512x256xf32>
      %dot_general3A_291 = arith.constant dense<0.000000e+00> : vector<1x256xf32>
      %dot_general3A_292 = tpu.matmul %sub3A_194, %get3A_290, %dot_general3A_291 {dimension_numbers = #tpu.dot_dimension_numbers<[1], [0], [0], [1], [0, 0, 1, 1], [], []>, transpose_lhs_hint = false} : vector<1x512xf32>, vector<512x256xf32>, vector<1x256xf32> -> vector<1x256xf32>
      %add3A_293 = arith.addf %get3A_287, %dot_general3A_292 : vector<1x256xf32>
      %swap3A_294 = arith.constant 0 : index
      %swap3A_295 = arith.constant 0 : index
      %swap3A_296 = vector.load %arg37[%swap3A_294, %swap3A_295] : memref<1x256xf32, #tpu.memory_space<vmem>>, vector<1x256xf32>
      tpu.vector_store %arg37[%swap3A_294, %swap3A_295], %add3A_293 {strides = array<i32>} : memref<1x256xf32, #tpu.memory_space<vmem>>, vector<1x256xf32>,
      %get3A_297 = arith.constant 0 : index
      %get3A_298 = arith.constant 0 : index
      %get3A_299 = vector.load %arg28[%get3A_297, %get3A_298] : memref<1x1xf32, #tpu.memory_space<vmem>>, vector<1x1xf32>
      %get3A_300 = arith.constant 0 : index
      %get3A_301 = arith.constant 0 : index
      %get3A_302 = vector.load %arg27[%get3A_300, %get3A_301] : memref<256x1xf32, #tpu.memory_space<vmem>>, vector<256x1xf32>
      %dot_general3A_303 = arith.constant dense<0.000000e+00> : vector<1x1xf32>
      %dot_general3A_304 = tpu.matmul %sub3A_213, %get3A_302, %dot_general3A_303 {dimension_numbers = #tpu.dot_dimension_numbers<[1], [0], [0], [1], [0, 0, 1, 1], [], []>, transpose_lhs_hint = false} : vector<1x256xf32>, vector<256x1xf32>, vector<1x1xf32> -> vector<1x1xf32>
      %add3A_305 = arith.addf %get3A_299, %dot_general3A_304 : vector<1x1xf32>
      %swap3A_306 = arith.constant 0 : index
      %swap3A_307 = arith.constant 0 : index
      %swap3A_308 = vector.load %arg38[%swap3A_306, %swap3A_307] : memref<1x1xf32, #tpu.memory_space<vmem>>, vector<1x1xf32>
      tpu.vector_store %arg38[%swap3A_306, %swap3A_307], %add3A_305 {strides = array<i32>} : memref<1x1xf32, #tpu.memory_space<vmem>>, vector<1x1xf32>,
    } else {
    }
    %get3A = arith.constant 0 : index
    %get3A_2 = arith.constant 0 : index
    %get3A_3 = vector.load %arg3[%get3A, %get3A_2] : memref<1024x16xf32, #tpu.memory_space<vmem>>, vector<1024x16xf32>
    %convert_element_type3A_4 = arith.truncf %get3A_3 : vector<1024x16xf32> to vector<1024x16xbf16>
    %get3A_5 = arith.constant 0 : index
    %get3A_6 = arith.constant 0 : index
    %get3A_7 = vector.load %arg31[%get3A_5, %get3A_6] : memref<16x1024xbf16, #tpu.memory_space<vmem>>, vector<16x1024xbf16>
    %dot_general3A = arith.constant dense<0.000000e+00> : vector<1024x1024xf32>
    %dot_general3A_8 = tpu.matmul %convert_element_type3A_4, %get3A_7, %dot_general3A {dimension_numbers = #tpu.dot_dimension_numbers<[1], [0], [0], [1], [0, 0, 1, 1], [], []>, transpose_lhs_hint = false} : vector<1024x16xbf16>, vector<16x1024xbf16>, vector<1024x1024xf32> -> vector<1024x1024xf32>
    %get3A_9 = arith.constant 0 : index
    %get3A_10 = arith.constant 0 : index
    %get3A_11 = arith.constant 0 : index
    %get3A_12 = vector.load %arg1[%get3A_9, %get3A_10, %get3A_11] : memref<4x1024x128xf32, #tpu.memory_space<vmem>>, vector<1x1024x128xf32>
    %get3A_13 = vector.shape_cast %get3A_12 : vector<1x1024x128xf32> to vector<1024x128xf32>
    %get3A_14 = arith.constant 1 : index
    %get3A_15 = arith.constant 0 : index
    %get3A_16 = arith.constant 0 : index
    %get3A_17 = vector.load %arg1[%get3A_14, %get3A_15, %get3A_16] : memref<4x1024x128xf32, #tpu.memory_space<vmem>>, vector<1x1024x128xf32>
    %get3A_18 = vector.shape_cast %get3A_17 : vector<1x1024x128xf32> to vector<1024x128xf32>
    %get3A_19 = arith.constant 2 : index
    %get3A_20 = arith.constant 0 : index
    %get3A_21 = arith.constant 0 : index
    %get3A_22 = vector.load %arg1[%get3A_19, %get3A_20, %get3A_21] : memref<4x1024x128xf32, #tpu.memory_space<vmem>>, vector<1x1024x128xf32>
    %get3A_23 = vector.shape_cast %get3A_22 : vector<1x1024x128xf32> to vector<1024x128xf32>
    %get3A_24 = arith.constant 3 : index
    %get3A_25 = arith.constant 0 : index
    %get3A_26 = arith.constant 0 : index
    %get3A_27 = vector.load %arg1[%get3A_24, %get3A_25, %get3A_26] : memref<4x1024x128xf32, #tpu.memory_space<vmem>>, vector<1x1024x128xf32>
    %get3A_28 = vector.shape_cast %get3A_27 : vector<1x1024x128xf32> to vector<1024x128xf32>
    %concatenate3A = tpu.concatenate %get3A_13, %get3A_18, %get3A_23, %get3A_28 in 1 : vector<1024x128xf32>, vector<1024x128xf32>, vector<1024x128xf32>, vector<1024x128xf32> -> vector<1024x512xf32>
    %get3A_29 = arith.constant 0 : index
    %get3A_30 = arith.constant 0 : index
    %get3A_31 = arith.constant 0 : index
    %get3A_32 = vector.load %arg30[%get3A_29, %get3A_30, %get3A_31] : memref<7x128x1024xbf16, #tpu.memory_space<vmem>>, vector<1x128x1024xbf16>
    %get3A_33 = vector.shape_cast %get3A_32 : vector<1x128x1024xbf16> to vector<128x1024xbf16>
    %get3A_34 = arith.constant 1 : index
    %get3A_35 = arith.constant 0 : index
    %get3A_36 = arith.constant 0 : index
    %get3A_37 = vector.load %arg30[%get3A_34, %get3A_35, %get3A_36] : memref<7x128x1024xbf16, #tpu.memory_space<vmem>>, vector<1x128x1024xbf16>
    %get3A_38 = vector.shape_cast %get3A_37 : vector<1x128x1024xbf16> to vector<128x1024xbf16>
    %get3A_39 = arith.constant 2 : index
    %get3A_40 = arith.constant 0 : index
    %get3A_41 = arith.constant 0 : index
    %get3A_42 = vector.load %arg30[%get3A_39, %get3A_40, %get3A_41] : memref<7x128x1024xbf16, #tpu.memory_space<vmem>>, vector<1x128x1024xbf16>
    %get3A_43 = vector.shape_cast %get3A_42 : vector<1x128x1024xbf16> to vector<128x1024xbf16>
    %get3A_44 = arith.constant 3 : index
    %get3A_45 = arith.constant 0 : index
    %get3A_46 = arith.constant 0 : index
    %get3A_47 = vector.load %arg30[%get3A_44, %get3A_45, %get3A_46] : memref<7x128x1024xbf16, #tpu.memory_space<vmem>>, vector<1x128x1024xbf16>
    %get3A_48 = vector.shape_cast %get3A_47 : vector<1x128x1024xbf16> to vector<128x1024xbf16>
    %concatenate3A_49 = tpu.concatenate %get3A_33, %get3A_38, %get3A_43, %get3A_48 in 0 : vector<128x1024xbf16>, vector<128x1024xbf16>, vector<128x1024xbf16>, vector<128x1024xbf16> -> vector<512x1024xbf16>
    %get3A_50 = arith.constant 0 : index
    %get3A_51 = arith.constant 0 : index
    %get3A_52 = arith.constant 0 : index
    %get3A_53 = vector.load %arg2[%get3A_50, %get3A_51, %get3A_52] : memref<3x1024x128xf32, #tpu.memory_space<vmem>>, vector<1x1024x128xf32>
    %get3A_54 = vector.shape_cast %get3A_53 : vector<1x1024x128xf32> to vector<1024x128xf32>
    %get3A_55 = arith.constant 1 : index
    %get3A_56 = arith.constant 0 : index
    %get3A_57 = arith.constant 0 : index
    %get3A_58 = vector.load %arg2[%get3A_55, %get3A_56, %get3A_57] : memref<3x1024x128xf32, #tpu.memory_space<vmem>>, vector<1x1024x128xf32>
    %get3A_59 = vector.shape_cast %get3A_58 : vector<1x1024x128xf32> to vector<1024x128xf32>
    %concatenate3A_60 = tpu.concatenate %get3A_54, %get3A_59 in 1 : vector<1024x128xf32>, vector<1024x128xf32> -> vector<1024x256xf32>
    %get3A_61 = arith.constant 4 : index
    %get3A_62 = arith.constant 0 : index
    %get3A_63 = arith.constant 0 : index
    %get3A_64 = vector.load %arg30[%get3A_61, %get3A_62, %get3A_63] : memref<7x128x1024xbf16, #tpu.memory_space<vmem>>, vector<1x128x1024xbf16>
    %get3A_65 = vector.shape_cast %get3A_64 : vector<1x128x1024xbf16> to vector<128x1024xbf16>
    %get3A_66 = arith.constant 5 : index
    %get3A_67 = arith.constant 0 : index
    %get3A_68 = arith.constant 0 : index
    %get3A_69 = vector.load %arg30[%get3A_66, %get3A_67, %get3A_68] : memref<7x128x1024xbf16, #tpu.memory_space<vmem>>, vector<1x128x1024xbf16>
    %get3A_70 = vector.shape_cast %get3A_69 : vector<1x128x1024xbf16> to vector<128x1024xbf16>
    %concatenate3A_71 = tpu.concatenate %get3A_65, %get3A_70 in 0 : vector<128x1024xbf16>, vector<128x1024xbf16> -> vector<256x1024xbf16>
    %get3A_72 = arith.constant 2 : index
    %get3A_73 = arith.constant 0 : index
    %get3A_74 = arith.constant 0 : index
    %get3A_75 = vector.load %arg2[%get3A_72, %get3A_73, %get3A_74] : memref<3x1024x128xf32, #tpu.memory_space<vmem>>, vector<1x1024x128xf32>
    %get3A_76 = vector.shape_cast %get3A_75 : vector<1x1024x128xf32> to vector<1024x128xf32>
    %get3A_77 = arith.constant 6 : index
    %get3A_78 = arith.constant 0 : index
    %get3A_79 = arith.constant 0 : index
    %get3A_80 = vector.load %arg30[%get3A_77, %get3A_78, %get3A_79] : memref<7x128x1024xbf16, #tpu.memory_space<vmem>>, vector<1x128x1024xbf16>
    %get3A_81 = vector.shape_cast %get3A_80 : vector<1x128x1024xbf16> to vector<128x1024xbf16>
    %convert_element_type3A_82 = arith.truncf %concatenate3A : vector<1024x512xf32> to vector<1024x512xbf16>
    %dot_general3A_83 = arith.constant dense<0.000000e+00> : vector<1024x1024xf32>
    %dot_general3A_84 = tpu.matmul %convert_element_type3A_82, %concatenate3A_49, %dot_general3A_83 {dimension_numbers = #tpu.dot_dimension_numbers<[1], [0], [0], [1], [0, 0, 1, 1], [], []>, transpose_lhs_hint = false} : vector<1024x512xbf16>, vector<512x1024xbf16>, vector<1024x1024xf32> -> vector<1024x1024xf32>
    %add3A = arith.addf %dot_general3A_8, %dot_general3A_84 : vector<1024x1024xf32>
    %convert_element_type3A_85 = arith.truncf %concatenate3A_60 : vector<1024x256xf32> to vector<1024x256xbf16>
    %dot_general3A_86 = arith.constant dense<0.000000e+00> : vector<1024x1024xf32>
    %dot_general3A_87 = tpu.matmul %convert_element_type3A_85, %concatenate3A_71, %dot_general3A_86 {dimension_numbers = #tpu.dot_dimension_numbers<[1], [0], [0], [1], [0, 0, 1, 1], [], []>, transpose_lhs_hint = false} : vector<1024x256xbf16>, vector<256x1024xbf16>, vector<1024x1024xf32> -> vector<1024x1024xf32>
    %add3A_88 = arith.addf %add3A, %dot_general3A_87 : vector<1024x1024xf32>
    %convert_element_type3A_89 = arith.truncf %get3A_76 : vector<1024x128xf32> to vector<1024x128xbf16>
    %dot_general3A_90 = arith.constant dense<0.000000e+00> : vector<1024x1024xf32>
    %dot_general3A_91 = tpu.matmul %convert_element_type3A_89, %get3A_81, %dot_general3A_90 {dimension_numbers = #tpu.dot_dimension_numbers<[1], [0], [0], [1], [0, 0, 1, 1], [], []>, transpose_lhs_hint = false} : vector<1024x128xbf16>, vector<128x1024xbf16>, vector<1024x1024xf32> -> vector<1024x1024xf32>
    %add3A_92 = arith.addf %add3A_88, %dot_general3A_91 : vector<1024x1024xf32>
    %get3A_93 = arith.constant 0 : index
    %get3A_94 = arith.constant 0 : index
    %get3A_95 = vector.load %arg35[%get3A_93, %get3A_94] : memref<1x1024xf32, #tpu.memory_space<vmem>>, vector<1x1024xf32>
    %add3A_96 = vector.broadcast %get3A_95 : vector<1x1024xf32> to vector<1024x1024xf32>
    %add3A_97 = arith.addf %add3A_92, %add3A_96 : vector<1024x1024xf32>
    %max3A = arith.constant 0.000000e+00 : f32
    %max3A_98 = vector.broadcast %max3A : f32 to vector<1024x1024xf32>
    %max3A_99 = arith.maximumf %add3A_97, %max3A_98 : vector<1024x1024xf32>
    %convert_element_type3A_100 = arith.truncf %max3A_99 : vector<1024x1024xf32> to vector<1024x1024xbf16>
    %get3A_101 = arith.constant 0 : index
    %get3A_102 = arith.constant 0 : index
    %get3A_103 = vector.load %arg32[%get3A_101, %get3A_102] : memref<1024x512xbf16, #tpu.memory_space<vmem>>, vector<1024x512xbf16>
    %dot_general3A_104 = arith.constant dense<0.000000e+00> : vector<1024x512xf32>
    %dot_general3A_105 = tpu.matmul %convert_element_type3A_100, %get3A_103, %dot_general3A_104 {dimension_numbers = #tpu.dot_dimension_numbers<[1], [0], [0], [1], [0, 0, 1, 1], [], []>, transpose_lhs_hint = false} : vector<1024x1024xbf16>, vector<1024x512xbf16>, vector<1024x512xf32> -> vector<1024x512xf32>
    %get3A_106 = arith.constant 0 : index
    %get3A_107 = arith.constant 0 : index
    %get3A_108 = vector.load %arg36[%get3A_106, %get3A_107] : memref<1x512xf32, #tpu.memory_space<vmem>>, vector<1x512xf32>
    %add3A_109 = vector.broadcast %get3A_108 : vector<1x512xf32> to vector<1024x512xf32>
    %add3A_110 = arith.addf %dot_general3A_105, %add3A_109 : vector<1024x512xf32>
    %max3A_111 = arith.constant 0.000000e+00 : f32
    %max3A_112 = vector.broadcast %max3A_111 : f32 to vector<1024x512xf32>
    %max3A_113 = arith.maximumf %add3A_110, %max3A_112 : vector<1024x512xf32>
    %convert_element_type3A_114 = arith.truncf %max3A_113 : vector<1024x512xf32> to vector<1024x512xbf16>
    %get3A_115 = arith.constant 0 : index
    %get3A_116 = arith.constant 0 : index
    %get3A_117 = vector.load %arg33[%get3A_115, %get3A_116] : memref<512x256xbf16, #tpu.memory_space<vmem>>, vector<512x256xbf16>
    %dot_general3A_118 = arith.constant dense<0.000000e+00> : vector<1024x256xf32>
    %dot_general3A_119 = tpu.matmul %convert_element_type3A_114, %get3A_117, %dot_general3A_118 {dimension_numbers = #tpu.dot_dimension_numbers<[1], [0], [0], [1], [0, 0, 1, 1], [], []>, transpose_lhs_hint = false} : vector<1024x512xbf16>, vector<512x256xbf16>, vector<1024x256xf32> -> vector<1024x256xf32>
    %get3A_120 = arith.constant 0 : index
    %get3A_121 = arith.constant 0 : index
    %get3A_122 = vector.load %arg37[%get3A_120, %get3A_121] : memref<1x256xf32, #tpu.memory_space<vmem>>, vector<1x256xf32>
    %add3A_123 = vector.broadcast %get3A_122 : vector<1x256xf32> to vector<1024x256xf32>
    %add3A_124 = arith.addf %dot_general3A_119, %add3A_123 : vector<1024x256xf32>
    %max3A_125 = arith.constant 0.000000e+00 : f32
    %max3A_126 = vector.broadcast %max3A_125 : f32 to vector<1024x256xf32>
    %max3A_127 = arith.maximumf %add3A_124, %max3A_126 : vector<1024x256xf32>
    %convert_element_type3A_128 = arith.truncf %max3A_127 : vector<1024x256xf32> to vector<1024x256xbf16>
    %get3A_129 = arith.constant 0 : index
    %get3A_130 = arith.constant 0 : index
    %get3A_131 = vector.load %arg34[%get3A_129, %get3A_130] : memref<256x1xbf16, #tpu.memory_space<vmem>>, vector<256x1xbf16>
    %dot_general3A_132 = arith.constant dense<0.000000e+00> : vector<1024x1xf32>
    %dot_general3A_133 = tpu.matmul %convert_element_type3A_128, %get3A_131, %dot_general3A_132 {dimension_numbers = #tpu.dot_dimension_numbers<[1], [0], [0], [1], [0, 0, 1, 1], [], []>, transpose_lhs_hint = false} : vector<1024x256xbf16>, vector<256x1xbf16>, vector<1024x1xf32> -> vector<1024x1xf32>
    %get3A_134 = arith.constant 0 : index
    %get3A_135 = arith.constant 0 : index
    %get3A_136 = vector.load %arg38[%get3A_134, %get3A_135] : memref<1x1xf32, #tpu.memory_space<vmem>>, vector<1x1xf32>
    %add3A_137 = vector.broadcast %get3A_136 : vector<1x1xf32> to vector<1024x1xf32>
    %add3A_138 = arith.addf %dot_general3A_133, %add3A_137 : vector<1024x1xf32>
    %swap3A = arith.constant 0 : index
    %swap3A_139 = arith.constant 0 : index
    %swap3A_140 = vector.load %arg29[%swap3A, %swap3A_139] : memref<1024x1xf32, #tpu.memory_space<vmem>>, vector<1024x1xf32>
    tpu.vector_store %arg29[%swap3A, %swap3A_139], %add3A_138 {strides = array<i32>} : memref<1024x1xf32, #tpu.memory_space<vmem>>, vector<1024x1xf32>,
    return
  }
  func.func @transform_0(%arg0: i32) -> (i32, i32, i32) {
    %c0_i32 = arith.constant 0 : i32
    %c0_i32_0 = arith.constant 0 : i32
    %c0_i32_1 = arith.constant 0 : i32
    return %c0_i32, %arg0, %c0_i32_0 : i32, i32, i32
  }
  func.func @transform_1(%arg0: i32) -> (i32, i32, i32) {
    %c0_i32 = arith.constant 0 : i32
    %c0_i32_0 = arith.constant 0 : i32
    %c0_i32_1 = arith.constant 0 : i32
    return %c0_i32, %arg0, %c0_i32_0 : i32, i32, i32
  }
  func.func @transform_2(%arg0: i32) -> (i32, i32) {
    %add3A = arith.constant 2 : i32
    %add3A_0 = arith.addi %arg0, %add3A : i32
    %c0_i32 = arith.constant 0 : i32
    %c0_i32_1 = arith.constant 0 : i32
    return %add3A_0, %c0_i32 : i32, i32
  }
  func.func @transform_3(%arg0: i32) -> (i32, i32) {
    %c0_i32 = arith.constant 0 : i32
    %c0_i32_0 = arith.constant 0 : i32
    %c0_i32_1 = arith.constant 0 : i32
    return %c0_i32, %c0_i32_0 : i32, i32
  }
  func.func @transform_4(%arg0: i32) -> (i32, i32) {
    %c0_i32 = arith.constant 0 : i32
    %c0_i32_0 = arith.constant 0 : i32
    %c0_i32_1 = arith.constant 0 : i32
    return %c0_i32, %c0_i32_0 : i32, i32
  }
  func.func @transform_5(%arg0: i32) -> (i32, i32) {
    %c0_i32 = arith.constant 0 : i32
    %c0_i32_0 = arith.constant 0 : i32
    %c0_i32_1 = arith.constant 0 : i32
    return %c0_i32, %c0_i32_0 : i32, i32
  }
  func.func @transform_6(%arg0: i32) -> (i32, i32) {
    %c0_i32 = arith.constant 0 : i32
    %c0_i32_0 = arith.constant 0 : i32
    %c0_i32_1 = arith.constant 0 : i32
    return %c0_i32, %c0_i32_0 : i32, i32
  }
  func.func @transform_7(%arg0: i32) -> (i32, i32, i32) {
    %c0_i32 = arith.constant 0 : i32
    %c0_i32_0 = arith.constant 0 : i32
    %c0_i32_1 = arith.constant 0 : i32
    %c0_i32_2 = arith.constant 0 : i32
    return %c0_i32, %c0_i32_0, %c0_i32_1 : i32, i32, i32
  }
  func.func @transform_8(%arg0: i32) -> (i32, i32) {
    %c0_i32 = arith.constant 0 : i32
    %c0_i32_0 = arith.constant 0 : i32
    %c0_i32_1 = arith.constant 0 : i32
    return %c0_i32, %c0_i32_0 : i32, i32
  }
  func.func @transform_9(%arg0: i32) -> (i32, i32) {
    %c0_i32 = arith.constant 0 : i32
    %c0_i32_0 = arith.constant 0 : i32
    %c0_i32_1 = arith.constant 0 : i32
    return %c0_i32, %c0_i32_0 : i32, i32
  }
  func.func @transform_10(%arg0: i32) -> (i32, i32) {
    %c0_i32 = arith.constant 0 : i32
    %c0_i32_0 = arith.constant 0 : i32
    %c0_i32_1 = arith.constant 0 : i32
    return %c0_i32, %c0_i32_0 : i32, i32
  }
  func.func @transform_11(%arg0: i32) -> (i32, i32) {
    %c0_i32 = arith.constant 0 : i32
    %c0_i32_0 = arith.constant 0 : i32
    %c0_i32_1 = arith.constant 0 : i32
    return %c0_i32, %c0_i32_0 : i32, i32
  }
  func.func @transform_12(%arg0: i32) -> (i32, i32) {
    %c0_i32 = arith.constant 0 : i32
    %c0_i32_0 = arith.constant 0 : i32
    %c0_i32_1 = arith.constant 0 : i32
    return %c0_i32, %c0_i32_0 : i32, i32
  }
  func.func @transform_13(%arg0: i32) -> (i32, i32) {
    %c0_i32 = arith.constant 0 : i32
    %c0_i32_0 = arith.constant 0 : i32
    %c0_i32_1 = arith.constant 0 : i32
    return %c0_i32, %c0_i32_0 : i32, i32
  }
  func.func @transform_14(%arg0: i32) -> (i32, i32) {
    %c0_i32 = arith.constant 0 : i32
    %c0_i32_0 = arith.constant 0 : i32
    %c0_i32_1 = arith.constant 0 : i32
    return %c0_i32, %c0_i32_0 : i32, i32
  }
  func.func @transform_15(%arg0: i32) -> (i32, i32) {
    %c0_i32 = arith.constant 0 : i32
    %c0_i32_0 = arith.constant 0 : i32
    %c0_i32_1 = arith.constant 0 : i32
    return %c0_i32, %c0_i32_0 : i32, i32
  }
  func.func @transform_16(%arg0: i32) -> (i32, i32) {
    %c0_i32 = arith.constant 0 : i32
    %c0_i32_0 = arith.constant 0 : i32
    %c0_i32_1 = arith.constant 0 : i32
    return %c0_i32, %c0_i32_0 : i32, i32
  }
  func.func @transform_17(%arg0: i32) -> (i32, i32) {
    %c0_i32 = arith.constant 0 : i32
    %c0_i32_0 = arith.constant 0 : i32
    %c0_i32_1 = arith.constant 0 : i32
    return %c0_i32, %c0_i32_0 : i32, i32
  }
  func.func @transform_18(%arg0: i32) -> (i32, i32) {
    %c0_i32 = arith.constant 0 : i32
    %c0_i32_0 = arith.constant 0 : i32
    %c0_i32_1 = arith.constant 0 : i32
    return %c0_i32, %c0_i32_0 : i32, i32
  }
  func.func @transform_19(%arg0: i32) -> (i32, i32) {
    %c0_i32 = arith.constant 0 : i32
    %c0_i32_0 = arith.constant 0 : i32
    %c0_i32_1 = arith.constant 0 : i32
    return %c0_i32, %c0_i32_0 : i32, i32
  }
  func.func @transform_20(%arg0: i32) -> (i32, i32) {
    %c0_i32 = arith.constant 0 : i32
    %c0_i32_0 = arith.constant 0 : i32
    %c0_i32_1 = arith.constant 0 : i32
    return %c0_i32, %c0_i32_0 : i32, i32
  }
  func.func @transform_21(%arg0: i32) -> (i32, i32) {
    %c0_i32 = arith.constant 0 : i32
    %c0_i32_0 = arith.constant 0 : i32
    %c0_i32_1 = arith.constant 0 : i32
    return %c0_i32, %c0_i32_0 : i32, i32
  }
  func.func @transform_22(%arg0: i32) -> (i32, i32) {
    %c0_i32 = arith.constant 0 : i32
    %c0_i32_0 = arith.constant 0 : i32
    %c0_i32_1 = arith.constant 0 : i32
    return %c0_i32, %c0_i32_0 : i32, i32
  }
  func.func @transform_23(%arg0: i32) -> (i32, i32) {
    %c0_i32 = arith.constant 0 : i32
    %c0_i32_0 = arith.constant 0 : i32
    %c0_i32_1 = arith.constant 0 : i32
    return %c0_i32, %c0_i32_0 : i32, i32
  }
  func.func @transform_24(%arg0: i32) -> (i32, i32) {
    %c0_i32 = arith.constant 0 : i32
    %c0_i32_0 = arith.constant 0 : i32
    %c0_i32_1 = arith.constant 0 : i32
    return %c0_i32, %c0_i32_0 : i32, i32
  }
  func.func @transform_25(%arg0: i32) -> (i32, i32) {
    %c0_i32 = arith.constant 0 : i32
    %c0_i32_0 = arith.constant 0 : i32
    %c0_i32_1 = arith.constant 0 : i32
    return %c0_i32, %c0_i32_0 : i32, i32
  }
  func.func @transform_26(%arg0: i32) -> (i32, i32) {
    %c0_i32 = arith.constant 0 : i32
    %c0_i32_0 = arith.constant 0 : i32
    %c0_i32_1 = arith.constant 0 : i32
    return %c0_i32, %c0_i32_0 : i32, i32
  }
  func.func @transform_27(%arg0: i32) -> (i32, i32) {
    %c0_i32 = arith.constant 0 : i32
    %c0_i32_0 = arith.constant 0 : i32
    %c0_i32_1 = arith.constant 0 : i32
    return %c0_i32, %c0_i32_0 : i32, i32
  }
  func.func @transform_28(%arg0: i32) -> (i32, i32) {
    %c0_i32 = arith.constant 0 : i32
    %c0_i32_0 = arith.constant 0 : i32
    return %arg0, %c0_i32 : i32, i32
  }
}

</mosaic_0001>

<sc_bundles>
// kernel: kernel.11.cloned.1.call-start
scs
__scs_entry_jumppad:
0x0: {  	(pc) =	sbr.rel $0x88, $3  }
0x1: {  	(tag) =	ssettag $0x0;
	lr =	simm.s32 $0x1  }
0x2: {  	[smem:$0x3F86] =	sst lr;
	_ =	strace $0xD0000000  }
0x3: {  	_ = 	snop  }
0x4: {  	_ = 	snop  }
0x5: {  	_ = 	snop  }
0x6: {  	_ = 	snop  }
0x7: {  	_ = 	snop  }
__scs_overlays_trampoline_lowered:
0x8: {  	[smem:$0x3F95] =	sst s0  }
0x9: {  	[smem:$0x3F96] =	sst s1  }
0xa: {  	[smem:$0x3F97] =	sst s2  }
0xb: {  	[smem:$0x3F98] =	sst s3  }
0xc: {  	[smem:$0x3F99] =	sst s4  }
0xd: {  	[smem:$0x3F9A] =	sst s5  }
0xe: {  	[smem:$0x3F9B] =	sst s6  }
0xf: {  	[smem:$0x3F9C] =	sst s7  }
0x10: {  	[smem:$0x3F9D] =	sst s8  }
0x11: {  	[smem:$0x3F9E] =	sst s9;
	s0 =	simm.s32 @!p0 $0x0  }
0x12: {  	s1 =	sld [smem:$0x3F84];
	s0 =	simm.s32 @p0 $0x1  }
0x13: {  	[smem:$0x3F9F] =	sst s0;
	s0 =	simm.s32 @!p1 $0x0  }
0x14: {  	s2 =	sld [smem:$0x3F83];
	s0 =	simm.s32 @p1 $0x1  }
0x15: {  	[smem:$0x3FA0] =	sst s0;
	s0 =	simm.s32 @!p2 $0x0  }
0x16: {  	s3 =	sld [smem:$0x3FDB];
	s0 =	simm.s32 @p2 $0x1  }
0x17: {  	s4 =	simm.s32 $0x1BF5;
	[smem:$0x3FA2] =	sst s0  }
0x18: {  	s0 =	sld [smem:$0x3F85];
	_ =	swait.ge [sflag:s4], $0x0  }
0x19: {  	s7 =	sld [smem:$0x3F86]  }
0x1a: {  	s8 =	sadd.s32 $0xFFFFE003, lr  }
0x1b: {  	s9 =	sadd.s32 $0xFFFFFEF7, lr;
	s5 =	simm.s32 $0xFFFFFFFF;
	p2 =	slt.u32 s8, $0xFFFFF086  }
0x1c: {  	p1 =	slt.u32 s9, $0xF7A;
	s5 =	simm.s32 @!p2 $0x0  }
0x1d: {  	s5 =	simm.s32 @p1 $0x1;
	p0 =	seq.s32 s7, s2  }
0x1e: {  	s7 =	smul.u32 @!p0 $0xF7A, s2;
	p2 =	seq.s32 @!p0 s5, $0x0  }
0x1f: {  	s9 =	smul.u32 $0xF7A, s1;
	s8 =	simm.s32 @!p0 $0x1BF5;
	p2 =	por !p2, p0  }
0x20: {  	[sflag:s8] =	ssyncset.s32 @!p0 $0xFFFFF086;
	s6 =	sadd.s32 @!p0 s3, s7;
	s7 =	simm.s32 @!p0 $0x108  }
0x21: {  	s3 =	sadd.s32 s3, s9;
	s6 =	sadd.s32 @!p0 $0x88, s6;
	s7 =	simm.s32 @p2 $0x1082  }
0x22: {  	[simem:s7], [sflag:s8] =	dma.local @!p0 [hbm:s6], $0xF7A  }
0x23: {  	s9 =	sor.u32 $0xD0000000, s2;
	s6 =	simm.s32 $0x108;
	_ =	swait.ge @!p0 [sflag:s8], $0x0  }
0x24: {  	s3 =	sadd.s32 $0x88, s3;
	s6 =	simm.s32 @!p1 $0x1082;
	[sflag:s4] =	ssyncset.s32 $0xFFFFF086  }
0x25: {  	[simem:s6], [sflag:s4] =	dma.local [hbm:s3], $0xF7A  }
0x26: {  	[smem:$0x3F86] =	sst s1;
	(tag) =	ssettag s2;
	_ =	strace s9  }
0x27: {  	s1 =	sld [smem:$0x3F96]  }
0x28: {  	s2 =	sld [smem:$0x3F97]  }
0x29: {  	s4 =	sld [smem:$0x3F99]  }
0x2a: {  	p0 =	seq.s32 s5, $0x0;
	s5 =	sld [smem:$0x3F9A]  }
0x2b: {  	s6 =	sld [smem:$0x3F9B]  }
0x2c: {  	s7 =	sld [smem:$0x3F9C]  }
0x2d: {  	s3 =	simm.s32 $0x108;
	s8 =	sld [smem:$0x3F9D]  }
0x2e: {  	s3 =	simm.s32 @!p0 $0x1082;
	s9 =	sld [smem:$0x3F9E]  }
0x2f: {  	lr =	sadd.s32 s0, s3;
	s0 =	sld [smem:$0x3F95]  }
0x30: {  	s3 =	sld [smem:$0x3F98]  }
0x31: {  	[smem:$0x3FA1] =	sst s10  }
0x32: {  	s10 =	sld [smem:$0x3F9F];
	_ =	sdelay $0x3  }
0x33: {  	p0 =	seq.s32 s10, $0x1;
	s10 =	sld [smem:$0x3FA1];
	_ =	sdelay $0x3  }
0x34: {  	[smem:$0x3FA1] =	sst s10  }
0x35: {  	s10 =	sld [smem:$0x3FA0];
	_ =	sdelay $0x3  }
0x36: {  	p1 =	seq.s32 s10, $0x1;
	s10 =	sld [smem:$0x3FA1];
	_ =	sdelay $0x3  }
0x37: {  	[smem:$0x3FA1] =	sst s10  }
0x38: {  	s10 =	sld [smem:$0x3FA2]  }
0x39: {  	_ = 	snop;
	(pc) =	sbr.ind lr, $3  }
0x3a: {  	_ = 	snop  }
0x3b: {  	_ = 	snop  }
0x3c: {  	p2 =	seq.s32 s10, $0x1;
	s10 =	sld [smem:$0x3FA1]  }
0x3d: {  	_ =	shalt  }
0x3e: {  	_ =	shalt  }
0x3f: {  	_ =	shalt  }
0x40: {  	_ =	shalt  }
0x41: {  	_ =	shalt  }
0x42: {  	_ =	shalt  }
0x43: {  	_ =	shalt  }
0x44: {  	_ =	shalt  }
0x45: {  	_ =	shalt  }
0x46: {  	_ =	shalt  }
0x47: {  	_ =	shalt  }
0x48: {  	_ =	shalt  }
0x49: {  	_ =	shalt  }
0x4a: {  	_ =	shalt  }
0x4b: {  	_ =	shalt  }
0x4c: {  	_ =	shalt  }
0x4d: {  	_ =	shalt  }
0x4e: {  	_ =	shalt  }
0x4f: {  	_ =	shalt  }
0x50: {  	_ =	shalt  }
0x51: {  	_ =	shalt  }
0x52: {  	_ =	shalt  }
0x53: {  	_ =	shalt  }
0x54: {  	_ =	shalt  }
0x55: {  	_ =	shalt  }
0x56: {  	_ =	shalt  }
0x57: {  	_ =	shalt  }
0x58: {  	_ =	shalt  }
0x59: {  	_ =	shalt  }
0x5a: {  	_ =	shalt  }
0x5b: {  	_ =	shalt  }
0x5c: {  	_ =	shalt  }
0x5d: {  	_ =	shalt  }
0x5e: {  	_ =	shalt  }
0x5f: {  	_ =	shalt  }
0x60: {  	_ =	shalt  }
0x61: {  	_ =	shalt  }
0x62: {  	_ =	shalt  }
0x63: {  	_ =	shalt  }
0x64: {  	_ =	shalt  }
0x65: {  	_ =	shalt  }
0x66: {  	_ =	shalt  }
0x67: {  	_ =	shalt  }
0x68: {  	_ =	shalt  }
0x69: {  	_ =	shalt  }
0x6a: {  	_ =	shalt  }
0x6b: {  	_ =	shalt  }
0x6c: {  	_ =	shalt  }
0x6d: {  	_ =	shalt  }
0x6e: {  	_ =	shalt  }
0x6f: {  	_ =	shalt  }
0x70: {  	_ =	shalt  }
0x71: {  	_ =	shalt  }
0x72: {  	_ =	shalt  }
0x73: {  	_ =	shalt  }
0x74: {  	_ =	shalt  }
0x75: {  	_ =	shalt  }
0x76: {  	_ =	shalt  }
0x77: {  	_ =	shalt  }
0x78: {  	_ =	shalt  }
0x79: {  	_ =	shalt  }
0x7a: {  	_ =	shalt  }
0x7b: {  	_ =	shalt  }
0x7c: {  	_ =	shalt  }
0x7d: {  	_ =	shalt  }
0x7e: {  	_ =	shalt  }
0x7f: {  	_ =	shalt  }
0x80: {  	_ =	shalt  }
0x81: {  	_ =	shalt  }
0x82: {  	_ =	shalt  }
0x83: {  	_ =	shalt  }
0x84: {  	_ =	shalt  }
0x85: {  	_ =	shalt  }
0x86: {  	_ =	shalt  }
0x87: {  	_ =	shalt  }
.Lfunc_end0:
.L_simem_size_0:
called_computation.1_lowered:
.L_overlay_start_0:
0x88: {  	s2 =	sld [smem:$0x3FD9]  }
0x89: {  	s3 =	sld [smem:$0x3FFE];
	_ =	sdelay $0x1  }
0x8a: {  	s1 =	srdreg.scid  }
0x8b: {  	s0 =	sand.u32 $0x1, s1  }
0x8c: {  	s17 =	sshll.u32 s0, $0xA;
	s2 =	sadd.s32 s3, s2  }
0x8d: {  	s2 =	sadd.s32 s2, s17  }
0x8e: {  	[smem:$0x3FAD] =	sst s2  }
0x8f: {  	_ = 	snop  }
0x90: {  	(tm) =	ssettm $0x1  }
0x91: {  	s18 =	sld [smem:$0x3FFB];
	_ =	sdelay $0x3  }
0x92: {  	_ =	strace s18  }
0x93: {  	s2 =	sld [smem:$0x3FFC];
	_ =	sdelay $0x3  }
0x94: {  	_ =	strace s2  }
0x95: {  	s2 =	sld [smem:$0x3FFD];
	_ =	sdelay $0x3  }
0x96: {  	_ =	strace s2  }
0x97: {  	_ =	strace $0x8FFFFFFF  }
0x98: {  	s19 =	sld [smem:$0x3FDB];
	_ =	sdelay $0x1  }
0x99: {  	s20 =	simm.s32 $_scs_section_size  }
0x9a: {  	s4 =	simm.s32 $_size__tile_overlayer_lowered;
	s5 =	simm.s32 $_tile_overlayer_lowered  }
0x9b: {  	s6 =	simm.s32 $0x1BFF;
	s21 =	sshll.u32 s5, $0x1;
	s3 =	sadd.s32 s20, s19  }
0x9c: {  	s22 =	simm.s32 $0x0;
	s4 =	sshll.u32 s4, $0x1;
	s5 =	sadd.s32 s21, s3  }
0x9d: {  	[timem:s22], [sflag:s6] =	dma.local [hbm:s5], s4  }
0x9e: {  	_ =	swait.ge [sflag:s6], s4  }
0x9f: {  	s4 =	ssub.s32 $0x0, s4;
	[sflag:s6] =	ssyncset.done $0x0  }
0xa0: {  	[sflag:s6] =	ssyncadd.s32 s4;
	_ =	sdelay $0x1  }
0xa1: {  	s23 =	simm.s32 $0x1B8B  }
0xa2: {  	_ =	swait.ge [sflag:s23], $0x1  }
0xa3: {  	[sflag:s23] =	ssyncset.done $0x0  }
0xa4: {  	[sflag:s23] =	ssyncadd.s32 $0xFFFFFFFF  }
0xa5: {  	s4 =	sld [smem:$0x0]  }
0xa6: {  	s5 =	sand.u32 $0xFFFFFFFE, s1  }
0xa7: {  	p0 =	sne.s32 s1, s5  }
0xa8: {  	s5 =	sshll.u32 @p0 s5, $0xE  }
0xa9: {  	s5 =	sadd.s32 @p0 $0x11B8D, s5;
	s6 =	sshll.u32 @p0 s4, $0x11  }
0xaa: {  	s5 =	sor.u32 @p0 s6, s5  }
0xab: {  	[sflag:s5] =	ssyncadd.remote.s32 @p0 $0x1;
	_ =	sdelay $0x1  }
0xac: {  	s5 =	simm.s32 @p0 $0x1B8D  }
0xad: {  	_ =	swait.eq @p0 [sflag:s5], $0x1  }
0xae: {  	[sflag:s5] =	ssyncadd.s32 @p0 $0xFFFFFFFF  }
0xaf: {  	s6 =	sshll.u32 @!p0 s1, $0xE  }
0xb0: {  	s6 =	sor.u32 @!p0 $0x4000, s6;
	s5 =	simm.s32 @!p0 $0x1B8D  }
0xb1: {  	s4 =	sshll.u32 @!p0 s4, $0x11;
	s6 =	sadd.s32 @!p0 $0x11B8D, s6;
	_ =	swait.eq @!p0 [sflag:s5], $0x1  }
0xb2: {  	s4 =	sor.u32 @!p0 s4, s6;
	[sflag:s5] =	ssyncadd.s32 @!p0 $0xFFFFFFFF  }
0xb3: {  	s25 =	simm.s32 $0x1B8E;
	s24 =	sld [smem:$0x3FFE];
	[sflag:s4] =	ssyncadd.remote.s32 @!p0 $0x1  }
0xb4: {  	s26 =	simm.s32 $execute0_lowered;
	[smem:$0x3FD2] =	sst s25  }
0xb5: {  	s5 =	sshll.u32 s26, $0x1;
	_ =	strace $0x80000049;
	[dreg:$0x1] =	wrdreg $0xFFFFFFFF  }
0xb6: {  	s28 =	simm.s32 $_size_execute0_lowered;
	s3 =	sadd.s32 s3, s5;
	[dreg:$0x0] =	wrdreg $0x0  }
0xb7: {  	s5 =	sshll.u32 s28, $0x1;
	[dreg:$0x2] =	wrdreg s3  }
0xb8: {  	[dreg:$0x3] =	wrdreg s5  }
0xb9: {  	[dreg:$0x4] =	wrdreg $0xC0  }
0xba: {  	_ =	task [dreg:s22], $0x5FFFF  }
0xbb: {  	[dreg:$0x1] =	wrdreg $0xFFFFFFFF  }
0xbc: {  	[dreg:$0x0] =	wrdreg $0x60  }
0xbd: {  	[dreg:$0x2] =	wrdreg s24  }
0xbe: {  	[dreg:$0x3] =	wrdreg $0xA  }
0xbf: {  	_ =	task.clear_ibuf [dreg:s22], $0x4FFFF;
	_ =	strace $0x90000049  }
0xc0: {  	s29 =	simm.s32 $0xA;
	_ =	strace $0x8000004B  }
0xc1: {  	_ =	swait.ge [sflag:s29], $0x1  }
0xc2: {  	[sflag:s29] =	ssyncadd.s32 $0xFFFFFFFF  }
0xc3: {  	_ =	strace $0x9000004B  }
0xc4: {  	_ =	sfence  }
0xc5: {  	s30 =	sld [smem:$0x0];
	_ =	sdelay $0x2  }
0xc6: {  	s31 =	sshll.u32 s1, $0xD;
	s1 =	sshrl.u32 s1, $0x2  }
0xc7: {  	s4 =	sand.u32 $0x4000, s31;
	s1 =	sadd.s32 s1, s30  }
0xc8: {  	s0 =	sor.u32 s4, s0;
	s1 =	sshll.u32 s1, $0x11  }
0xc9: {  	s0 =	sor.u32 s1, s0  }
0xca: {  	s0 =	sadd.s32 $0x8F2B, s0  }
0xcb: {  	[sflag:s0] =	ssyncadd.remote.s32 $0x1  }
0xcc: {  	_ =	sfence.sel $0xFFFF  }
0xcd: {  	[dreg:$0x0] =	wrdreg $0xFFFFFFFF;
	(pc) =	sbr.abs _section_cstart, $3  }
0xce: {  	[dreg:$0x1] =	wrdreg $0xFFFFFFFF  }
0xcf: {  	_ =	task.clear_ibuf [dreg:s22], $0x2FFFF;
	_ =	strace $0x9FFFFFFF  }
0xd0: {  	(tm) =	ssettm $0x7FFFFFFF  }
0xd1: {  	_ =	shalt  }
tec
execute0_lowered:
.L_overlay_start_1:
0x0: {  	(tag) =	ssettag $0x1  }
0x1: {  	s1 =	srdreg.scid;
	s0 =	stileid.u32  }
0x2: {  	s19 =	sand.u32 $0x1, s1;
	s31 =	sshll.u32 s0, $0x1  }
0x3: {  	s18 =	sor.u32 s19, s31  }
0x4: {  	s20 =	rddreg [dreg:$0x0];
	s3 =	smul.u32 $0x60, s18  }
0x5: {  	s2 =	simm.s32 $0x0;
	s1 =	rddreg [dreg:$0x1]  }
0x6: {  	[smem:$0x7FF] =	sst s2;
	s3 =	sadd.s32 s3, s20  }
0x7: {  	_ =	strace $0x8000004A;
	s4 =	sadd.s32 $0x40E00, s3;
	s3 =	simm.s32 $0x2  }
0x8: {  	[tilespmem:s2], [sflag:$0x2] =	stream.linear.gather [hbm4b:s4+s2], $0x300, $0x38;
	[tilespmem:$0x6300] =	vst v63  }
0x9: {  	_ =	swait.ge [sflag:s3], $0x300  }
0xa: {  	s6 =	simm.s32 $0x80;
	[sflag:s3] =	ssyncset.done $0x0  }
0xb: {  	s7 =	simm.s32 $0x300;
	s5 =	sadd.s32 $0x37000, s20;
	[sflag:s3] =	ssyncadd.s32 $0xFFFFFD00  }
0xc: {  	[tilespmem:s7], [sflag:$0x1] =	stream.indirect.gather [hbm4b:s5+s6], $0x20, s2, s6, $0xb8;
	[tilespmem:$0x6300] =	vst v63  }
0xd: {  	s8 =	simm.s32 $0x1300  }
0xe: {  	[tilespmem:s8], [sflag:$0x1] =	stream.indirect.gather [hbm4b:s5+s6], $0x20, s6, s6, $0xb8;
	[tilespmem:$0x6300] =	vst v63  }
0xf: {  	s9 =	simm.s32 $0x100;
	s10 =	simm.s32 $0x2300  }
0x10: {  	[tilespmem:s10], [sflag:$0x1] =	stream.indirect.gather [hbm4b:s5+s6], $0x20, s9, s6, $0xb8;
	[tilespmem:$0x6300] =	vst v63  }
0x11: {  	s11 =	simm.s32 $0x180;
	s12 =	simm.s32 $0x3300  }
0x12: {  	[tilespmem:s12], [sflag:$0x1] =	stream.indirect.gather [hbm4b:s5+s6], $0x20, s11, s6, $0xb8;
	[tilespmem:$0x6300] =	vst v63  }
0x13: {  	s13 =	simm.s32 $0x200;
	s14 =	simm.s32 $0x4300  }
0x14: {  	[tilespmem:s14], [sflag:$0x1] =	stream.indirect.gather [hbm4b:s5+s6], $0x20, s13, s6, $0xb8;
	[tilespmem:$0x6300] =	vst v63  }
0x15: {  	s15 =	simm.s32 $0x280;
	s16 =	simm.s32 $0x5300;
	s17 =	simm.s32 $0x1  }
0x16: {  	[tilespmem:s16], [sflag:$0x1] =	stream.indirect.gather [hbm4b:s5+s6], $0x20, s15, s6, $0xb8;
	[tilespmem:$0x6300] =	vst v63  }
0x17: {  	_ =	swait.ge [sflag:s17], $0x1000  }
0x18: {  	[sflag:s17] =	ssyncset.done $0x0  }
0x19: {  	[sflag:s17] =	ssyncadd.s32 $0xFFFFF000  }
0x1a: {  	_ =	swait.ge [sflag:s17], $0x1000  }
0x1b: {  	[sflag:s17] =	ssyncset.done $0x0  }
0x1c: {  	[sflag:s17] =	ssyncadd.s32 $0xFFFFF000  }
0x1d: {  	_ =	swait.ge [sflag:s17], $0x1000  }
0x1e: {  	[sflag:s17] =	ssyncset.done $0x0  }
0x1f: {  	[sflag:s17] =	ssyncadd.s32 $0xFFFFF000  }
0x20: {  	_ =	swait.ge [sflag:s17], $0x1000  }
0x21: {  	[sflag:s17] =	ssyncset.done $0x0  }
0x22: {  	[sflag:s17] =	ssyncadd.s32 $0xFFFFF000  }
0x23: {  	_ =	swait.ge [sflag:s17], $0x1000  }
0x24: {  	[sflag:s17] =	ssyncset.done $0x0  }
0x25: {  	[sflag:s17] =	ssyncadd.s32 $0xFFFFF000  }
0x26: {  	s18 =	sshll.u32 s18, $0xA;
	_ =	swait.ge [sflag:s17], $0x1000  }
0x27: {  	s20 =	sadd.s32 s18, s20;
	[sflag:s17] =	ssyncset.done $0x0  }
0x28: {  	s21 =	ssub.s32 $0x2, s19;
	s18 =	sadd.s32 $0x41A00, s20;
	[sflag:s17] =	ssyncadd.s32 $0xFFFFF000  }
0x29: {  	[hbm4b:s18+s2] =	stream.linear.scatter [tilespmem:s7], [sflag:$0x2], $0x2000, $0x38;
	[tilespmem:$0x6300] =	vst v63  }
0x2a: {  	s22 =	sshrl.u32 s21, $0x1;
	_ =	swait.ge [sflag:s3], $0x2000  }
0x2b: {  	s21 =	ssub.s32 s21, s22;
	[sflag:s3] =	ssyncset.done $0x0  }
0x2c: {  	s21 =	smax.u32 s21, $0x1;
	s19 =	sadd.s32 $0x49A00, s20;
	[sflag:s3] =	ssyncadd.s32 $0xFFFFE000  }
0x2d: {  	[hbm4b:s19+s2] =	stream.linear.scatter [tilespmem:s10], [sflag:$0x2], $0x2000, $0x38;
	[tilespmem:$0x6300] =	vst v63  }
0x2e: {  	p0 =	sne.s32 s21, $0x1;
	_ =	swait.ge [sflag:s3], $0x2000  }
.Ltmp0:
0x2f: {  	[sflag:s3] =	ssyncset.done $0x0;
	(pc) =	sbr.rel @!p0 .LBB2_2-.Ltmp0, $4  }
0x30: {  	s20 =	sadd.s32 $0x51A00, s20;
	[sflag:s3] =	ssyncadd.s32 $0xFFFFE000  }
0x31: {  	[hbm4b:s20+s2] =	stream.linear.scatter [tilespmem:s14], [sflag:$0x2], $0x2000, $0x38;
	[tilespmem:$0x6300] =	vst v63  }
0x32: {  	_ =	swait.ge [sflag:s3], $0x2000  }
0x33: {  	s21 =	sadd.s32 $0xFFFFFFFF, s21;
	[sflag:s3] =	ssyncset.done $0x0  }
.LBB2_1:
0x34: {  	p0 =	sne.s32 s21, $0x1;
	s21 =	sadd.s32 $0xFFFFFFFF, s21;
	[sflag:s3] =	ssyncadd.s32 $0xFFFFE000  }
0x35: {  	[tilespmem:s2], [sflag:$0x2] =	stream.linear.gather [hbm4b:s4+s2], $0x300, $0x38;
	[tilespmem:$0x6300] =	vst v63  }
0x36: {  	_ =	swait.ge [sflag:s3], $0x300  }
0x37: {  	[sflag:s3] =	ssyncset.done $0x0  }
0x38: {  	[sflag:s3] =	ssyncadd.s32 $0xFFFFFD00  }
0x39: {  	[tilespmem:s7], [sflag:$0x1] =	stream.indirect.gather [hbm4b:s5+s6], $0x20, s2, s6, $0xb8;
	[tilespmem:$0x6300] =	vst v63  }
0x3a: {  	_ = 	snop  }
0x3b: {  	[tilespmem:s8], [sflag:$0x1] =	stream.indirect.gather [hbm4b:s5+s6], $0x20, s6, s6, $0xb8;
	[tilespmem:$0x6300] =	vst v63  }
0x3c: {  	_ = 	snop  }
0x3d: {  	[tilespmem:s10], [sflag:$0x1] =	stream.indirect.gather [hbm4b:s5+s6], $0x20, s9, s6, $0xb8;
	[tilespmem:$0x6300] =	vst v63  }
0x3e: {  	_ = 	snop  }
0x3f: {  	[tilespmem:s12], [sflag:$0x1] =	stream.indirect.gather [hbm4b:s5+s6], $0x20, s11, s6, $0xb8;
	[tilespmem:$0x6300] =	vst v63  }
0x40: {  	_ = 	snop  }
0x41: {  	[tilespmem:s14], [sflag:$0x1] =	stream.indirect.gather [hbm4b:s5+s6], $0x20, s13, s6, $0xb8;
	[tilespmem:$0x6300] =	vst v63  }
0x42: {  	_ = 	snop  }
0x43: {  	[tilespmem:s16], [sflag:$0x1] =	stream.indirect.gather [hbm4b:s5+s6], $0x20, s15, s6, $0xb8;
	[tilespmem:$0x6300] =	vst v63  }
0x44: {  	_ =	swait.ge [sflag:s17], $0x1000  }
0x45: {  	[sflag:s17] =	ssyncset.done $0x0  }
0x46: {  	[sflag:s17] =	ssyncadd.s32 $0xFFFFF000  }
0x47: {  	_ =	swait.ge [sflag:s17], $0x1000  }
0x48: {  	[sflag:s17] =	ssyncset.done $0x0  }
0x49: {  	[sflag:s17] =	ssyncadd.s32 $0xFFFFF000  }
0x4a: {  	_ =	swait.ge [sflag:s17], $0x1000  }
0x4b: {  	[sflag:s17] =	ssyncset.done $0x0  }
0x4c: {  	[sflag:s17] =	ssyncadd.s32 $0xFFFFF000  }
0x4d: {  	_ =	swait.ge [sflag:s17], $0x1000  }
0x4e: {  	[sflag:s17] =	ssyncset.done $0x0  }
0x4f: {  	[sflag:s17] =	ssyncadd.s32 $0xFFFFF000  }
0x50: {  	_ =	swait.ge [sflag:s17], $0x1000  }
0x51: {  	[sflag:s17] =	ssyncset.done $0x0  }
0x52: {  	[sflag:s17] =	ssyncadd.s32 $0xFFFFF000  }
0x53: {  	_ =	swait.ge [sflag:s17], $0x1000  }
0x54: {  	[sflag:s17] =	ssyncset.done $0x0  }
0x55: {  	[sflag:s17] =	ssyncadd.s32 $0xFFFFF000  }
0x56: {  	[hbm4b:s18+s2] =	stream.linear.scatter [tilespmem:s7], [sflag:$0x2], $0x2000, $0x38;
	[tilespmem:$0x6300] =	vst v63  }
0x57: {  	_ =	swait.ge [sflag:s3], $0x2000  }
0x58: {  	[sflag:s3] =	ssyncset.done $0x0  }
0x59: {  	[sflag:s3] =	ssyncadd.s32 $0xFFFFE000  }
0x5a: {  	[hbm4b:s19+s2] =	stream.linear.scatter [tilespmem:s10], [sflag:$0x2], $0x2000, $0x38;
	[tilespmem:$0x6300] =	vst v63  }
0x5b: {  	_ =	swait.ge [sflag:s3], $0x2000  }
.Ltmp1:
0x5c: {  	[sflag:s3] =	ssyncset.done $0x0;
	(pc) =	sbr.rel @p0 .LBB2_1-.Ltmp1, $4  }
0x5d: {  	[sflag:s3] =	ssyncadd.s32 $0xFFFFE000  }
0x5e: {  	[hbm4b:s20+s2] =	stream.linear.scatter [tilespmem:s14], [sflag:$0x2], $0x2000, $0x38;
	[tilespmem:$0x6300] =	vst v63  }
0x5f: {  	_ =	swait.ge [sflag:s3], $0x2000  }
0x60: {  	[sflag:s3] =	ssyncset.done $0x0  }
.LBB2_2:
0x61: {  	[sflag:s3] =	ssyncadd.s32 $0xFFFFE000  }
0x62: {  	_ =	sfence.sel $0x180000  }
0x63: {  	[bflag:$0x0] =	sbarrier.arrive $0xFFFF  }
0x64: {  	p0 =	sne.s32 s0, $0x0;
	_ =	strace $0x9000004A  }
0x65: {  	s0 =	sadd.s32 @!p0 $0x100000, s1;
	[bflag:$0x2] =	sbarrier.arrive $0xFFFF  }
0x66: {  	[sflag:s0] =	ssyncadd.tile.s32 @!p0 $0x1;
	_ =	shalt  }
.Lfunc_end2:
_tile_overlayer_lowered:
.L_overlay_start_2:
0x67: {  	(tag) =	ssettag $0x2  }
0x68: {  	s0 =	rddreg [dreg:$0x0];
	s2 =	stileid.u32  }
0x69: {  	s1 =	rddreg [dreg:$0x1];
	p0 =	sne.s32 s2, $0x0  }
0x6a: {  	s3 =	rddreg [dreg:$0x2];
	[bflag:$0x3] =	sbarrier.arrive $0xFFFF;
	s2 =	simm.s32 @!p0 $0x1C02  }
0x6b: {  	[timem:s3], [sflag:s2] =	dma.local @!p0 [hbm:s0], s1  }
0x6c: {  	s0 =	simm.s32 @!p0 $0x2  }
0x6d: {  	_ =	swait.ge @!p0 [sflag:s0], s1  }
0x6e: {  	s1 =	ssub.s32 @!p0 $0x0, s1;
	[sflag:s0] =	ssyncset.done @!p0 $0x0  }
0x6f: {  	[sflag:s0] =	ssyncadd.s32 @!p0 s1  }
0x70: {  	[bflag:$0x3] =	sbarrier.arrive $0xFFFF  }
0x71: {  	_ =	shalt  }

// kernel: kernel.14.cloned.1.call-start
scs
__scs_entry_jumppad:
0x0: {  	(pc) =	sbr.rel $0x88, $3  }
0x1: {  	(tag) =	ssettag $0x0;
	lr =	simm.s32 $0x1  }
0x2: {  	[smem:$0x3F86] =	sst lr;
	_ =	strace $0xD0000000  }
0x3: {  	_ = 	snop  }
0x4: {  	_ = 	snop  }
0x5: {  	_ = 	snop  }
0x6: {  	_ = 	snop  }
0x7: {  	_ = 	snop  }
__scs_overlays_trampoline_lowered:
0x8: {  	[smem:$0x3F95] =	sst s0  }
0x9: {  	[smem:$0x3F96] =	sst s1  }
0xa: {  	[smem:$0x3F97] =	sst s2  }
0xb: {  	[smem:$0x3F98] =	sst s3  }
0xc: {  	[smem:$0x3F99] =	sst s4  }
0xd: {  	[smem:$0x3F9A] =	sst s5  }
0xe: {  	[smem:$0x3F9B] =	sst s6  }
0xf: {  	[smem:$0x3F9C] =	sst s7  }
0x10: {  	[smem:$0x3F9D] =	sst s8  }
0x11: {  	[smem:$0x3F9E] =	sst s9;
	s0 =	simm.s32 @!p0 $0x0  }
0x12: {  	s1 =	sld [smem:$0x3F84];
	s0 =	simm.s32 @p0 $0x1  }
0x13: {  	[smem:$0x3F9F] =	sst s0;
	s0 =	simm.s32 @!p1 $0x0  }
0x14: {  	s2 =	sld [smem:$0x3F83];
	s0 =	simm.s32 @p1 $0x1  }
0x15: {  	[smem:$0x3FA0] =	sst s0;
	s0 =	simm.s32 @!p2 $0x0  }
0x16: {  	s3 =	sld [smem:$0x3FDB];
	s0 =	simm.s32 @p2 $0x1  }
0x17: {  	s4 =	simm.s32 $0x1BF5;
	[smem:$0x3FA2] =	sst s0  }
0x18: {  	s0 =	sld [smem:$0x3F85];
	_ =	swait.ge [sflag:s4], $0x0  }
0x19: {  	s7 =	sld [smem:$0x3F86]  }
0x1a: {  	s8 =	sadd.s32 $0xFFFFE003, lr  }
0x1b: {  	s9 =	sadd.s32 $0xFFFFFEF7, lr;
	s5 =	simm.s32 $0xFFFFFFFF;
	p2 =	slt.u32 s8, $0xFFFFF086  }
0x1c: {  	p1 =	slt.u32 s9, $0xF7A;
	s5 =	simm.s32 @!p2 $0x0  }
0x1d: {  	s5 =	simm.s32 @p1 $0x1;
	p0 =	seq.s32 s7, s2  }
0x1e: {  	s7 =	smul.u32 @!p0 $0xF7A, s2;
	p2 =	seq.s32 @!p0 s5, $0x0  }
0x1f: {  	s9 =	smul.u32 $0xF7A, s1;
	s8 =	simm.s32 @!p0 $0x1BF5;
	p2 =	por !p2, p0  }
0x20: {  	[sflag:s8] =	ssyncset.s32 @!p0 $0xFFFFF086;
	s6 =	sadd.s32 @!p0 s3, s7;
	s7 =	simm.s32 @!p0 $0x108  }
0x21: {  	s3 =	sadd.s32 s3, s9;
	s6 =	sadd.s32 @!p0 $0x88, s6;
	s7 =	simm.s32 @p2 $0x1082  }
0x22: {  	[simem:s7], [sflag:s8] =	dma.local @!p0 [hbm:s6], $0xF7A  }
0x23: {  	s9 =	sor.u32 $0xD0000000, s2;
	s6 =	simm.s32 $0x108;
	_ =	swait.ge @!p0 [sflag:s8], $0x0  }
0x24: {  	s3 =	sadd.s32 $0x88, s3;
	s6 =	simm.s32 @!p1 $0x1082;
	[sflag:s4] =	ssyncset.s32 $0xFFFFF086  }
0x25: {  	[simem:s6], [sflag:s4] =	dma.local [hbm:s3], $0xF7A  }
0x26: {  	[smem:$0x3F86] =	sst s1;
	(tag) =	ssettag s2;
	_ =	strace s9  }
0x27: {  	s1 =	sld [smem:$0x3F96]  }
0x28: {  	s2 =	sld [smem:$0x3F97]  }
0x29: {  	s4 =	sld [smem:$0x3F99]  }
0x2a: {  	p0 =	seq.s32 s5, $0x0;
	s5 =	sld [smem:$0x3F9A]  }
0x2b: {  	s6 =	sld [smem:$0x3F9B]  }
0x2c: {  	s7 =	sld [smem:$0x3F9C]  }
0x2d: {  	s3 =	simm.s32 $0x108;
	s8 =	sld [smem:$0x3F9D]  }
0x2e: {  	s3 =	simm.s32 @!p0 $0x1082;
	s9 =	sld [smem:$0x3F9E]  }
0x2f: {  	lr =	sadd.s32 s0, s3;
	s0 =	sld [smem:$0x3F95]  }
0x30: {  	s3 =	sld [smem:$0x3F98]  }
0x31: {  	[smem:$0x3FA1] =	sst s10  }
0x32: {  	s10 =	sld [smem:$0x3F9F];
	_ =	sdelay $0x3  }
0x33: {  	p0 =	seq.s32 s10, $0x1;
	s10 =	sld [smem:$0x3FA1];
	_ =	sdelay $0x3  }
0x34: {  	[smem:$0x3FA1] =	sst s10  }
0x35: {  	s10 =	sld [smem:$0x3FA0];
	_ =	sdelay $0x3  }
0x36: {  	p1 =	seq.s32 s10, $0x1;
	s10 =	sld [smem:$0x3FA1];
	_ =	sdelay $0x3  }
0x37: {  	[smem:$0x3FA1] =	sst s10  }
0x38: {  	s10 =	sld [smem:$0x3FA2]  }
0x39: {  	_ = 	snop;
	(pc) =	sbr.ind lr, $3  }
0x3a: {  	_ = 	snop  }
0x3b: {  	_ = 	snop  }
0x3c: {  	p2 =	seq.s32 s10, $0x1;
	s10 =	sld [smem:$0x3FA1]  }
0x3d: {  	_ =	shalt  }
0x3e: {  	_ =	shalt  }
0x3f: {  	_ =	shalt  }
0x40: {  	_ =	shalt  }
0x41: {  	_ =	shalt  }
0x42: {  	_ =	shalt  }
0x43: {  	_ =	shalt  }
0x44: {  	_ =	shalt  }
0x45: {  	_ =	shalt  }
0x46: {  	_ =	shalt  }
0x47: {  	_ =	shalt  }
0x48: {  	_ =	shalt  }
0x49: {  	_ =	shalt  }
0x4a: {  	_ =	shalt  }
0x4b: {  	_ =	shalt  }
0x4c: {  	_ =	shalt  }
0x4d: {  	_ =	shalt  }
0x4e: {  	_ =	shalt  }
0x4f: {  	_ =	shalt  }
0x50: {  	_ =	shalt  }
0x51: {  	_ =	shalt  }
0x52: {  	_ =	shalt  }
0x53: {  	_ =	shalt  }
0x54: {  	_ =	shalt  }
0x55: {  	_ =	shalt  }
0x56: {  	_ =	shalt  }
0x57: {  	_ =	shalt  }
0x58: {  	_ =	shalt  }
0x59: {  	_ =	shalt  }
0x5a: {  	_ =	shalt  }
0x5b: {  	_ =	shalt  }
0x5c: {  	_ =	shalt  }
0x5d: {  	_ =	shalt  }
0x5e: {  	_ =	shalt  }
0x5f: {  	_ =	shalt  }
0x60: {  	_ =	shalt  }
0x61: {  	_ =	shalt  }
0x62: {  	_ =	shalt  }
0x63: {  	_ =	shalt  }
0x64: {  	_ =	shalt  }
0x65: {  	_ =	shalt  }
0x66: {  	_ =	shalt  }
0x67: {  	_ =	shalt  }
0x68: {  	_ =	shalt  }
0x69: {  	_ =	shalt  }
0x6a: {  	_ =	shalt  }
0x6b: {  	_ =	shalt  }
0x6c: {  	_ =	shalt  }
0x6d: {  	_ =	shalt  }
0x6e: {  	_ =	shalt  }
0x6f: {  	_ =	shalt  }
0x70: {  	_ =	shalt  }
0x71: {  	_ =	shalt  }
0x72: {  	_ =	shalt  }
0x73: {  	_ =	shalt  }
0x74: {  	_ =	shalt  }
0x75: {  	_ =	shalt  }
0x76: {  	_ =	shalt  }
0x77: {  	_ =	shalt  }
0x78: {  	_ =	shalt  }
0x79: {  	_ =	shalt  }
0x7a: {  	_ =	shalt  }
0x7b: {  	_ =	shalt  }
0x7c: {  	_ =	shalt  }
0x7d: {  	_ =	shalt  }
0x7e: {  	_ =	shalt  }
0x7f: {  	_ =	shalt  }
0x80: {  	_ =	shalt  }
0x81: {  	_ =	shalt  }
0x82: {  	_ =	shalt  }
0x83: {  	_ =	shalt  }
0x84: {  	_ =	shalt  }
0x85: {  	_ =	shalt  }
0x86: {  	_ =	shalt  }
0x87: {  	_ =	shalt  }
.Lfunc_end0:
.L_simem_size_0:
called_computation.2_lowered:
.L_overlay_start_0:
0x88: {  	s2 =	sld [smem:$0x3FD9]  }
0x89: {  	s3 =	sld [smem:$0x3FFE];
	_ =	sdelay $0x1  }
0x8a: {  	s1 =	srdreg.scid  }
0x8b: {  	s0 =	sand.u32 $0x1, s1  }
0x8c: {  	s17 =	sshll.u32 s0, $0xA;
	s2 =	sadd.s32 s3, s2  }
0x8d: {  	s2 =	sadd.s32 s2, s17  }
0x8e: {  	[smem:$0x3FAD] =	sst s2  }
0x8f: {  	_ = 	snop  }
0x90: {  	(tm) =	ssettm $0x1  }
0x91: {  	s18 =	sld [smem:$0x3FFB];
	_ =	sdelay $0x3  }
0x92: {  	_ =	strace s18  }
0x93: {  	s2 =	sld [smem:$0x3FFC];
	_ =	sdelay $0x3  }
0x94: {  	_ =	strace s2  }
0x95: {  	s2 =	sld [smem:$0x3FFD];
	_ =	sdelay $0x3  }
0x96: {  	_ =	strace s2  }
0x97: {  	_ =	strace $0x8FFFFFFF  }
0x98: {  	s19 =	sld [smem:$0x3FDB];
	_ =	sdelay $0x1  }
0x99: {  	s20 =	simm.s32 $_scs_section_size  }
0x9a: {  	s4 =	simm.s32 $_size__tile_overlayer_lowered;
	s5 =	simm.s32 $_tile_overlayer_lowered  }
0x9b: {  	s6 =	simm.s32 $0x1BFF;
	s21 =	sshll.u32 s5, $0x1;
	s3 =	sadd.s32 s20, s19  }
0x9c: {  	s22 =	simm.s32 $0x0;
	s4 =	sshll.u32 s4, $0x1;
	s5 =	sadd.s32 s21, s3  }
0x9d: {  	[timem:s22], [sflag:s6] =	dma.local [hbm:s5], s4  }
0x9e: {  	_ =	swait.ge [sflag:s6], s4  }
0x9f: {  	s4 =	ssub.s32 $0x0, s4;
	[sflag:s6] =	ssyncset.done $0x0  }
0xa0: {  	[sflag:s6] =	ssyncadd.s32 s4;
	_ =	sdelay $0x1  }
0xa1: {  	s23 =	simm.s32 $0x1B8B  }
0xa2: {  	_ =	swait.ge [sflag:s23], $0x1  }
0xa3: {  	[sflag:s23] =	ssyncset.done $0x0  }
0xa4: {  	[sflag:s23] =	ssyncadd.s32 $0xFFFFFFFF  }
0xa5: {  	s4 =	sld [smem:$0x0]  }
0xa6: {  	s5 =	sand.u32 $0xFFFFFFFE, s1  }
0xa7: {  	p0 =	sne.s32 s1, s5  }
0xa8: {  	s5 =	sshll.u32 @p0 s5, $0xE  }
0xa9: {  	s5 =	sadd.s32 @p0 $0x11B8D, s5;
	s6 =	sshll.u32 @p0 s4, $0x11  }
0xaa: {  	s5 =	sor.u32 @p0 s6, s5  }
0xab: {  	[sflag:s5] =	ssyncadd.remote.s32 @p0 $0x1;
	_ =	sdelay $0x1  }
0xac: {  	s5 =	simm.s32 @p0 $0x1B8D  }
0xad: {  	_ =	swait.eq @p0 [sflag:s5], $0x1  }
0xae: {  	[sflag:s5] =	ssyncadd.s32 @p0 $0xFFFFFFFF  }
0xaf: {  	s6 =	sshll.u32 @!p0 s1, $0xE  }
0xb0: {  	s6 =	sor.u32 @!p0 $0x4000, s6;
	s5 =	simm.s32 @!p0 $0x1B8D  }
0xb1: {  	s4 =	sshll.u32 @!p0 s4, $0x11;
	s6 =	sadd.s32 @!p0 $0x11B8D, s6;
	_ =	swait.eq @!p0 [sflag:s5], $0x1  }
0xb2: {  	s4 =	sor.u32 @!p0 s4, s6;
	[sflag:s5] =	ssyncadd.s32 @!p0 $0xFFFFFFFF  }
0xb3: {  	s25 =	simm.s32 $0x1B8E;
	s24 =	sld [smem:$0x3FFE];
	[sflag:s4] =	ssyncadd.remote.s32 @!p0 $0x1  }
0xb4: {  	s26 =	simm.s32 $execute0_lowered;
	[smem:$0x3FD2] =	sst s25  }
0xb5: {  	s5 =	sshll.u32 s26, $0x1;
	_ =	strace $0x8000004C;
	[dreg:$0x1] =	wrdreg $0xFFFFFFFF  }
0xb6: {  	s28 =	simm.s32 $_size_execute0_lowered;
	s3 =	sadd.s32 s3, s5;
	[dreg:$0x0] =	wrdreg $0x0  }
0xb7: {  	s5 =	sshll.u32 s28, $0x1;
	[dreg:$0x2] =	wrdreg s3  }
0xb8: {  	[dreg:$0x3] =	wrdreg s5  }
0xb9: {  	[dreg:$0x4] =	wrdreg $0xC0  }
0xba: {  	_ =	task [dreg:s22], $0x5FFFF  }
0xbb: {  	[dreg:$0x1] =	wrdreg $0xFFFFFFFF  }
0xbc: {  	[dreg:$0x0] =	wrdreg $0x60  }
0xbd: {  	[dreg:$0x2] =	wrdreg s24  }
0xbe: {  	[dreg:$0x3] =	wrdreg $0xB  }
0xbf: {  	_ =	task.clear_ibuf [dreg:s22], $0x4FFFF;
	_ =	strace $0x9000004C  }
0xc0: {  	s29 =	simm.s32 $0xB;
	_ =	strace $0x8000004E  }
0xc1: {  	_ =	swait.ge [sflag:s29], $0x1  }
0xc2: {  	[sflag:s29] =	ssyncadd.s32 $0xFFFFFFFF  }
0xc3: {  	_ =	strace $0x9000004E  }
0xc4: {  	_ =	sfence  }
0xc5: {  	s30 =	sld [smem:$0x0];
	_ =	sdelay $0x2  }
0xc6: {  	s31 =	sshll.u32 s1, $0xD;
	s1 =	sshrl.u32 s1, $0x2  }
0xc7: {  	s4 =	sand.u32 $0x4000, s31;
	s1 =	sadd.s32 s1, s30  }
0xc8: {  	s0 =	sor.u32 s4, s0;
	s1 =	sshll.u32 s1, $0x11  }
0xc9: {  	s0 =	sor.u32 s1, s0  }
0xca: {  	s0 =	sadd.s32 $0x8F2B, s0  }
0xcb: {  	[sflag:s0] =	ssyncadd.remote.s32 $0x1  }
0xcc: {  	_ =	sfence.sel $0xFFFF  }
0xcd: {  	[dreg:$0x0] =	wrdreg $0xFFFFFFFF;
	(pc) =	sbr.abs _section_cstart, $3  }
0xce: {  	[dreg:$0x1] =	wrdreg $0xFFFFFFFF  }
0xcf: {  	_ =	task.clear_ibuf [dreg:s22], $0x2FFFF;
	_ =	strace $0x9FFFFFFF  }
0xd0: {  	(tm) =	ssettm $0x7FFFFFFF  }
0xd1: {  	_ =	shalt  }
tec
execute0_lowered:
.L_overlay_start_1:
0x0: {  	(tag) =	ssettag $0x1  }
0x1: {  	s1 =	srdreg.scid;
	s0 =	stileid.u32  }
0x2: {  	s24 =	sand.u32 $0x1, s1;
	s31 =	sshll.u32 s0, $0x1  }
0x3: {  	s22 =	rddreg [dreg:$0x0];
	s23 =	sor.u32 s24, s31  }
0x4: {  	s2 =	simm.s32 $0x0;
	s1 =	rddreg [dreg:$0x1];
	s3 =	sshll.u32 s23, $0x7  }
0x5: {  	[smem:$0x7FF] =	sst s2;
	s3 =	sadd.s32 s3, s22  }
0x6: {  	_ =	strace $0x8000004D;
	s4 =	sadd.s32 $0x59A00, s3;
	s3 =	simm.s32 $0x2  }
0x7: {  	[tilespmem:s2], [sflag:$0x2] =	stream.linear.gather [hbm4b:s4+s2], $0x400, $0x38;
	[tilespmem:$0x8400] =	vst v63  }
0x8: {  	_ =	swait.ge [sflag:s3], $0x400  }
0x9: {  	s6 =	simm.s32 $0x80;
	[sflag:s3] =	ssyncset.done $0x0  }
0xa: {  	s7 =	simm.s32 $0x400;
	s5 =	sadd.s32 $0x6600, s22;
	[sflag:s3] =	ssyncadd.s32 $0xFFFFFC00  }
0xb: {  	[tilespmem:s7], [sflag:$0x1] =	stream.indirect.gather [hbm4b:s5+s6], $0x20, s2, s6, $0xb8;
	[tilespmem:$0x8400] =	vst v63  }
0xc: {  	s8 =	simm.s32 $0x1400  }
0xd: {  	[tilespmem:s8], [sflag:$0x1] =	stream.indirect.gather [hbm4b:s5+s6], $0x20, s6, s6, $0xb8;
	[tilespmem:$0x8400] =	vst v63  }
0xe: {  	s9 =	simm.s32 $0x100;
	s10 =	simm.s32 $0x2400  }
0xf: {  	[tilespmem:s10], [sflag:$0x1] =	stream.indirect.gather [hbm4b:s5+s6], $0x20, s9, s6, $0xb8;
	[tilespmem:$0x8400] =	vst v63  }
0x10: {  	s11 =	simm.s32 $0x180;
	s12 =	simm.s32 $0x3400  }
0x11: {  	[tilespmem:s12], [sflag:$0x1] =	stream.indirect.gather [hbm4b:s5+s6], $0x20, s11, s6, $0xb8;
	[tilespmem:$0x8400] =	vst v63  }
0x12: {  	s13 =	simm.s32 $0x200;
	s14 =	simm.s32 $0x4400  }
0x13: {  	[tilespmem:s14], [sflag:$0x1] =	stream.indirect.gather [hbm4b:s5+s6], $0x20, s13, s6, $0xb8;
	[tilespmem:$0x8400] =	vst v63  }
0x14: {  	s15 =	simm.s32 $0x280;
	s16 =	simm.s32 $0x5400  }
0x15: {  	[tilespmem:s16], [sflag:$0x1] =	stream.indirect.gather [hbm4b:s5+s6], $0x20, s15, s6, $0xb8;
	[tilespmem:$0x8400] =	vst v63  }
0x16: {  	s17 =	simm.s32 $0x300;
	s18 =	simm.s32 $0x6400  }
0x17: {  	[tilespmem:s18], [sflag:$0x1] =	stream.indirect.gather [hbm4b:s5+s6], $0x20, s17, s6, $0xb8;
	[tilespmem:$0x8400] =	vst v63  }
0x18: {  	s19 =	simm.s32 $0x380;
	s20 =	simm.s32 $0x7400;
	s21 =	simm.s32 $0x1  }
0x19: {  	[tilespmem:s20], [sflag:$0x1] =	stream.indirect.gather [hbm4b:s5+s6], $0x20, s19, s6, $0xb8;
	[tilespmem:$0x8400] =	vst v63  }
0x1a: {  	_ =	swait.ge [sflag:s21], $0x1000  }
0x1b: {  	[sflag:s21] =	ssyncset.done $0x0  }
0x1c: {  	[sflag:s21] =	ssyncadd.s32 $0xFFFFF000  }
0x1d: {  	_ =	swait.ge [sflag:s21], $0x1000  }
0x1e: {  	[sflag:s21] =	ssyncset.done $0x0  }
0x1f: {  	[sflag:s21] =	ssyncadd.s32 $0xFFFFF000  }
0x20: {  	_ =	swait.ge [sflag:s21], $0x1000  }
0x21: {  	[sflag:s21] =	ssyncset.done $0x0  }
0x22: {  	[sflag:s21] =	ssyncadd.s32 $0xFFFFF000  }
0x23: {  	_ =	swait.ge [sflag:s21], $0x1000  }
0x24: {  	[sflag:s21] =	ssyncset.done $0x0  }
0x25: {  	[sflag:s21] =	ssyncadd.s32 $0xFFFFF000  }
0x26: {  	_ =	swait.ge [sflag:s21], $0x1000  }
0x27: {  	[sflag:s21] =	ssyncset.done $0x0  }
0x28: {  	[sflag:s21] =	ssyncadd.s32 $0xFFFFF000  }
0x29: {  	_ =	swait.ge [sflag:s21], $0x1000  }
0x2a: {  	[sflag:s21] =	ssyncset.done $0x0  }
0x2b: {  	[sflag:s21] =	ssyncadd.s32 $0xFFFFF000  }
0x2c: {  	_ =	swait.ge [sflag:s21], $0x1000  }
0x2d: {  	[sflag:s21] =	ssyncset.done $0x0  }
0x2e: {  	[sflag:s21] =	ssyncadd.s32 $0xFFFFF000  }
0x2f: {  	s23 =	sshll.u32 s23, $0xA;
	_ =	swait.ge [sflag:s21], $0x1000  }
0x30: {  	s25 =	sadd.s32 s23, s22;
	[sflag:s21] =	ssyncset.done $0x0  }
0x31: {  	s22 =	sadd.s32 $0x5AA00, s25;
	[sflag:s21] =	ssyncadd.s32 $0xFFFFF000  }
0x32: {  	[hbm4b:s22+s2] =	stream.linear.scatter [tilespmem:s7], [sflag:$0x2], $0x2000, $0x38;
	[tilespmem:$0x8400] =	vst v63  }
0x33: {  	_ =	swait.ge [sflag:s3], $0x2000  }
0x34: {  	[sflag:s3] =	ssyncset.done $0x0  }
0x35: {  	s26 =	ssub.s32 $0x2, s24;
	s23 =	sadd.s32 $0x62A00, s25;
	[sflag:s3] =	ssyncadd.s32 $0xFFFFE000  }
0x36: {  	[hbm4b:s23+s2] =	stream.linear.scatter [tilespmem:s10], [sflag:$0x2], $0x2000, $0x38;
	[tilespmem:$0x8400] =	vst v63  }
0x37: {  	s28 =	sshrl.u32 s26, $0x1;
	_ =	swait.ge [sflag:s3], $0x2000  }
0x38: {  	s26 =	ssub.s32 s26, s28;
	[sflag:s3] =	ssyncset.done $0x0  }
0x39: {  	s24 =	sadd.s32 $0x6AA00, s25;
	s26 =	smax.u32 s26, $0x1;
	[sflag:s3] =	ssyncadd.s32 $0xFFFFE000  }
0x3a: {  	[hbm4b:s24+s2] =	stream.linear.scatter [tilespmem:s14], [sflag:$0x2], $0x2000, $0x38;
	[tilespmem:$0x8400] =	vst v63  }
0x3b: {  	p0 =	sne.s32 s26, $0x1;
	_ =	swait.ge [sflag:s3], $0x2000  }
.Ltmp0:
0x3c: {  	[sflag:s3] =	ssyncset.done $0x0;
	(pc) =	sbr.rel @!p0 .LBB2_2-.Ltmp0, $4  }
0x3d: {  	s25 =	sadd.s32 $0x72A00, s25;
	[sflag:s3] =	ssyncadd.s32 $0xFFFFE000  }
0x3e: {  	[hbm4b:s25+s2] =	stream.linear.scatter [tilespmem:s18], [sflag:$0x2], $0x2000, $0x38;
	[tilespmem:$0x8400] =	vst v63  }
0x3f: {  	_ =	swait.ge [sflag:s3], $0x2000  }
0x40: {  	s26 =	sadd.s32 $0xFFFFFFFF, s26;
	[sflag:s3] =	ssyncset.done $0x0  }
.LBB2_1:
0x41: {  	p0 =	sne.s32 s26, $0x1;
	s26 =	sadd.s32 $0xFFFFFFFF, s26;
	[sflag:s3] =	ssyncadd.s32 $0xFFFFE000  }
0x42: {  	[tilespmem:s2], [sflag:$0x2] =	stream.linear.gather [hbm4b:s4+s2], $0x400, $0x38;
	[tilespmem:$0x8400] =	vst v63  }
0x43: {  	_ =	swait.ge [sflag:s3], $0x400  }
0x44: {  	[sflag:s3] =	ssyncset.done $0x0  }
0x45: {  	[sflag:s3] =	ssyncadd.s32 $0xFFFFFC00  }
0x46: {  	[tilespmem:s7], [sflag:$0x1] =	stream.indirect.gather [hbm4b:s5+s6], $0x20, s2, s6, $0xb8;
	[tilespmem:$0x8400] =	vst v63  }
0x47: {  	_ = 	snop  }
0x48: {  	[tilespmem:s8], [sflag:$0x1] =	stream.indirect.gather [hbm4b:s5+s6], $0x20, s6, s6, $0xb8;
	[tilespmem:$0x8400] =	vst v63  }
0x49: {  	_ = 	snop  }
0x4a: {  	[tilespmem:s10], [sflag:$0x1] =	stream.indirect.gather [hbm4b:s5+s6], $0x20, s9, s6, $0xb8;
	[tilespmem:$0x8400] =	vst v63  }
0x4b: {  	_ = 	snop  }
0x4c: {  	[tilespmem:s12], [sflag:$0x1] =	stream.indirect.gather [hbm4b:s5+s6], $0x20, s11, s6, $0xb8;
	[tilespmem:$0x8400] =	vst v63  }
0x4d: {  	_ = 	snop  }
0x4e: {  	[tilespmem:s14], [sflag:$0x1] =	stream.indirect.gather [hbm4b:s5+s6], $0x20, s13, s6, $0xb8;
	[tilespmem:$0x8400] =	vst v63  }
0x4f: {  	_ = 	snop  }
0x50: {  	[tilespmem:s16], [sflag:$0x1] =	stream.indirect.gather [hbm4b:s5+s6], $0x20, s15, s6, $0xb8;
	[tilespmem:$0x8400] =	vst v63  }
0x51: {  	_ = 	snop  }
0x52: {  	[tilespmem:s18], [sflag:$0x1] =	stream.indirect.gather [hbm4b:s5+s6], $0x20, s17, s6, $0xb8;
	[tilespmem:$0x8400] =	vst v63  }
0x53: {  	_ = 	snop  }
0x54: {  	[tilespmem:s20], [sflag:$0x1] =	stream.indirect.gather [hbm4b:s5+s6], $0x20, s19, s6, $0xb8;
	[tilespmem:$0x8400] =	vst v63  }
0x55: {  	_ =	swait.ge [sflag:s21], $0x1000  }
0x56: {  	[sflag:s21] =	ssyncset.done $0x0  }
0x57: {  	[sflag:s21] =	ssyncadd.s32 $0xFFFFF000  }
0x58: {  	_ =	swait.ge [sflag:s21], $0x1000  }
0x59: {  	[sflag:s21] =	ssyncset.done $0x0  }
0x5a: {  	[sflag:s21] =	ssyncadd.s32 $0xFFFFF000  }
0x5b: {  	_ =	swait.ge [sflag:s21], $0x1000  }
0x5c: {  	[sflag:s21] =	ssyncset.done $0x0  }
0x5d: {  	[sflag:s21] =	ssyncadd.s32 $0xFFFFF000  }
0x5e: {  	_ =	swait.ge [sflag:s21], $0x1000  }
0x5f: {  	[sflag:s21] =	ssyncset.done $0x0  }
0x60: {  	[sflag:s21] =	ssyncadd.s32 $0xFFFFF000  }
0x61: {  	_ =	swait.ge [sflag:s21], $0x1000  }
0x62: {  	[sflag:s21] =	ssyncset.done $0x0  }
0x63: {  	[sflag:s21] =	ssyncadd.s32 $0xFFFFF000  }
0x64: {  	_ =	swait.ge [sflag:s21], $0x1000  }
0x65: {  	[sflag:s21] =	ssyncset.done $0x0  }
0x66: {  	[sflag:s21] =	ssyncadd.s32 $0xFFFFF000  }
0x67: {  	_ =	swait.ge [sflag:s21], $0x1000  }
0x68: {  	[sflag:s21] =	ssyncset.done $0x0  }
0x69: {  	[sflag:s21] =	ssyncadd.s32 $0xFFFFF000  }
0x6a: {  	_ =	swait.ge [sflag:s21], $0x1000  }
0x6b: {  	[sflag:s21] =	ssyncset.done $0x0  }
0x6c: {  	[sflag:s21] =	ssyncadd.s32 $0xFFFFF000  }
0x6d: {  	[hbm4b:s22+s2] =	stream.linear.scatter [tilespmem:s7], [sflag:$0x2], $0x2000, $0x38;
	[tilespmem:$0x8400] =	vst v63  }
0x6e: {  	_ =	swait.ge [sflag:s3], $0x2000  }
0x6f: {  	[sflag:s3] =	ssyncset.done $0x0  }
0x70: {  	[sflag:s3] =	ssyncadd.s32 $0xFFFFE000  }
0x71: {  	[hbm4b:s23+s2] =	stream.linear.scatter [tilespmem:s10], [sflag:$0x2], $0x2000, $0x38;
	[tilespmem:$0x8400] =	vst v63  }
0x72: {  	_ =	swait.ge [sflag:s3], $0x2000  }
0x73: {  	[sflag:s3] =	ssyncset.done $0x0  }
0x74: {  	[sflag:s3] =	ssyncadd.s32 $0xFFFFE000  }
0x75: {  	[hbm4b:s24+s2] =	stream.linear.scatter [tilespmem:s14], [sflag:$0x2], $0x2000, $0x38;
	[tilespmem:$0x8400] =	vst v63  }
0x76: {  	_ =	swait.ge [sflag:s3], $0x2000  }
.Ltmp1:
0x77: {  	[sflag:s3] =	ssyncset.done $0x0;
	(pc) =	sbr.rel @p0 .LBB2_1-.Ltmp1, $4  }
0x78: {  	[sflag:s3] =	ssyncadd.s32 $0xFFFFE000  }
0x79: {  	[hbm4b:s25+s2] =	stream.linear.scatter [tilespmem:s18], [sflag:$0x2], $0x2000, $0x38;
	[tilespmem:$0x8400] =	vst v63  }
0x7a: {  	_ =	swait.ge [sflag:s3], $0x2000  }
0x7b: {  	[sflag:s3] =	ssyncset.done $0x0  }
.LBB2_2:
0x7c: {  	[sflag:s3] =	ssyncadd.s32 $0xFFFFE000  }
0x7d: {  	_ =	sfence.sel $0x180000  }
0x7e: {  	[bflag:$0x0] =	sbarrier.arrive $0xFFFF  }
0x7f: {  	p0 =	sne.s32 s0, $0x0;
	_ =	strace $0x9000004D  }
0x80: {  	s0 =	sadd.s32 @!p0 $0x100000, s1;
	[bflag:$0x2] =	sbarrier.arrive $0xFFFF  }
0x81: {  	[sflag:s0] =	ssyncadd.tile.s32 @!p0 $0x1;
	_ =	shalt  }
.Lfunc_end2:
_tile_overlayer_lowered:
.L_overlay_start_2:
0x82: {  	(tag) =	ssettag $0x2  }
0x83: {  	s0 =	rddreg [dreg:$0x0];
	s2 =	stileid.u32  }
0x84: {  	s1 =	rddreg [dreg:$0x1];
	p0 =	sne.s32 s2, $0x0  }
0x85: {  	s3 =	rddreg [dreg:$0x2];
	[bflag:$0x3] =	sbarrier.arrive $0xFFFF;
	s2 =	simm.s32 @!p0 $0x1C02  }
0x86: {  	[timem:s3], [sflag:s2] =	dma.local @!p0 [hbm:s0], s1  }
0x87: {  	s0 =	simm.s32 @!p0 $0x2  }
0x88: {  	_ =	swait.ge @!p0 [sflag:s0], s1  }
0x89: {  	s1 =	ssub.s32 @!p0 $0x0, s1;
	[sflag:s0] =	ssyncset.done @!p0 $0x0  }
0x8a: {  	[sflag:s0] =	ssyncadd.s32 @!p0 s1  }
0x8b: {  	[bflag:$0x3] =	sbarrier.arrive $0xFFFF  }
0x8c: {  	_ =	shalt  }

// kernel: kernel.17.cloned.1.call-start
scs
__scs_entry_jumppad:
0x0: {  	(pc) =	sbr.rel $0x88, $3  }
0x1: {  	(tag) =	ssettag $0x0;
	lr =	simm.s32 $0x1  }
0x2: {  	[smem:$0x3F86] =	sst lr;
	_ =	strace $0xD0000000  }
0x3: {  	_ = 	snop  }
0x4: {  	_ = 	snop  }
0x5: {  	_ = 	snop  }
0x6: {  	_ = 	snop  }
0x7: {  	_ = 	snop  }
__scs_overlays_trampoline_lowered:
0x8: {  	[smem:$0x3F95] =	sst s0  }
0x9: {  	[smem:$0x3F96] =	sst s1  }
0xa: {  	[smem:$0x3F97] =	sst s2  }
0xb: {  	[smem:$0x3F98] =	sst s3  }
0xc: {  	[smem:$0x3F99] =	sst s4  }
0xd: {  	[smem:$0x3F9A] =	sst s5  }
0xe: {  	[smem:$0x3F9B] =	sst s6  }
0xf: {  	[smem:$0x3F9C] =	sst s7  }
0x10: {  	[smem:$0x3F9D] =	sst s8  }
0x11: {  	[smem:$0x3F9E] =	sst s9;
	s0 =	simm.s32 @!p0 $0x0  }
0x12: {  	s1 =	sld [smem:$0x3F84];
	s0 =	simm.s32 @p0 $0x1  }
0x13: {  	[smem:$0x3F9F] =	sst s0;
	s0 =	simm.s32 @!p1 $0x0  }
0x14: {  	s2 =	sld [smem:$0x3F83];
	s0 =	simm.s32 @p1 $0x1  }
0x15: {  	[smem:$0x3FA0] =	sst s0;
	s0 =	simm.s32 @!p2 $0x0  }
0x16: {  	s3 =	sld [smem:$0x3FDB];
	s0 =	simm.s32 @p2 $0x1  }
0x17: {  	s4 =	simm.s32 $0x1BF5;
	[smem:$0x3FA2] =	sst s0  }
0x18: {  	s0 =	sld [smem:$0x3F85];
	_ =	swait.ge [sflag:s4], $0x0  }
0x19: {  	s7 =	sld [smem:$0x3F86]  }
0x1a: {  	s8 =	sadd.s32 $0xFFFFE003, lr  }
0x1b: {  	s9 =	sadd.s32 $0xFFFFFEF7, lr;
	s5 =	simm.s32 $0xFFFFFFFF;
	p2 =	slt.u32 s8, $0xFFFFF086  }
0x1c: {  	p1 =	slt.u32 s9, $0xF7A;
	s5 =	simm.s32 @!p2 $0x0  }
0x1d: {  	s5 =	simm.s32 @p1 $0x1;
	p0 =	seq.s32 s7, s2  }
0x1e: {  	s7 =	smul.u32 @!p0 $0xF7A, s2;
	p2 =	seq.s32 @!p0 s5, $0x0  }
0x1f: {  	s9 =	smul.u32 $0xF7A, s1;
	s8 =	simm.s32 @!p0 $0x1BF5;
	p2 =	por !p2, p0  }
0x20: {  	[sflag:s8] =	ssyncset.s32 @!p0 $0xFFFFF086;
	s6 =	sadd.s32 @!p0 s3, s7;
	s7 =	simm.s32 @!p0 $0x108  }
0x21: {  	s3 =	sadd.s32 s3, s9;
	s6 =	sadd.s32 @!p0 $0x88, s6;
	s7 =	simm.s32 @p2 $0x1082  }
0x22: {  	[simem:s7], [sflag:s8] =	dma.local @!p0 [hbm:s6], $0xF7A  }
0x23: {  	s9 =	sor.u32 $0xD0000000, s2;
	s6 =	simm.s32 $0x108;
	_ =	swait.ge @!p0 [sflag:s8], $0x0  }
0x24: {  	s3 =	sadd.s32 $0x88, s3;
	s6 =	simm.s32 @!p1 $0x1082;
	[sflag:s4] =	ssyncset.s32 $0xFFFFF086  }
0x25: {  	[simem:s6], [sflag:s4] =	dma.local [hbm:s3], $0xF7A  }
0x26: {  	[smem:$0x3F86] =	sst s1;
	(tag) =	ssettag s2;
	_ =	strace s9  }
0x27: {  	s1 =	sld [smem:$0x3F96]  }
0x28: {  	s2 =	sld [smem:$0x3F97]  }
0x29: {  	s4 =	sld [smem:$0x3F99]  }
0x2a: {  	p0 =	seq.s32 s5, $0x0;
	s5 =	sld [smem:$0x3F9A]  }
0x2b: {  	s6 =	sld [smem:$0x3F9B]  }
0x2c: {  	s7 =	sld [smem:$0x3F9C]  }
0x2d: {  	s3 =	simm.s32 $0x108;
	s8 =	sld [smem:$0x3F9D]  }
0x2e: {  	s3 =	simm.s32 @!p0 $0x1082;
	s9 =	sld [smem:$0x3F9E]  }
0x2f: {  	lr =	sadd.s32 s0, s3;
	s0 =	sld [smem:$0x3F95]  }
0x30: {  	s3 =	sld [smem:$0x3F98]  }
0x31: {  	[smem:$0x3FA1] =	sst s10  }
0x32: {  	s10 =	sld [smem:$0x3F9F];
	_ =	sdelay $0x3  }
0x33: {  	p0 =	seq.s32 s10, $0x1;
	s10 =	sld [smem:$0x3FA1];
	_ =	sdelay $0x3  }
0x34: {  	[smem:$0x3FA1] =	sst s10  }
0x35: {  	s10 =	sld [smem:$0x3FA0];
	_ =	sdelay $0x3  }
0x36: {  	p1 =	seq.s32 s10, $0x1;
	s10 =	sld [smem:$0x3FA1];
	_ =	sdelay $0x3  }
0x37: {  	[smem:$0x3FA1] =	sst s10  }
0x38: {  	s10 =	sld [smem:$0x3FA2]  }
0x39: {  	_ = 	snop;
	(pc) =	sbr.ind lr, $3  }
0x3a: {  	_ = 	snop  }
0x3b: {  	_ = 	snop  }
0x3c: {  	p2 =	seq.s32 s10, $0x1;
	s10 =	sld [smem:$0x3FA1]  }
0x3d: {  	_ =	shalt  }
0x3e: {  	_ =	shalt  }
0x3f: {  	_ =	shalt  }
0x40: {  	_ =	shalt  }
0x41: {  	_ =	shalt  }
0x42: {  	_ =	shalt  }
0x43: {  	_ =	shalt  }
0x44: {  	_ =	shalt  }
0x45: {  	_ =	shalt  }
0x46: {  	_ =	shalt  }
0x47: {  	_ =	shalt  }
0x48: {  	_ =	shalt  }
0x49: {  	_ =	shalt  }
0x4a: {  	_ =	shalt  }
0x4b: {  	_ =	shalt  }
0x4c: {  	_ =	shalt  }
0x4d: {  	_ =	shalt  }
0x4e: {  	_ =	shalt  }
0x4f: {  	_ =	shalt  }
0x50: {  	_ =	shalt  }
0x51: {  	_ =	shalt  }
0x52: {  	_ =	shalt  }
0x53: {  	_ =	shalt  }
0x54: {  	_ =	shalt  }
0x55: {  	_ =	shalt  }
0x56: {  	_ =	shalt  }
0x57: {  	_ =	shalt  }
0x58: {  	_ =	shalt  }
0x59: {  	_ =	shalt  }
0x5a: {  	_ =	shalt  }
0x5b: {  	_ =	shalt  }
0x5c: {  	_ =	shalt  }
0x5d: {  	_ =	shalt  }
0x5e: {  	_ =	shalt  }
0x5f: {  	_ =	shalt  }
0x60: {  	_ =	shalt  }
0x61: {  	_ =	shalt  }
0x62: {  	_ =	shalt  }
0x63: {  	_ =	shalt  }
0x64: {  	_ =	shalt  }
0x65: {  	_ =	shalt  }
0x66: {  	_ =	shalt  }
0x67: {  	_ =	shalt  }
0x68: {  	_ =	shalt  }
0x69: {  	_ =	shalt  }
0x6a: {  	_ =	shalt  }
0x6b: {  	_ =	shalt  }
0x6c: {  	_ =	shalt  }
0x6d: {  	_ =	shalt  }
0x6e: {  	_ =	shalt  }
0x6f: {  	_ =	shalt  }
0x70: {  	_ =	shalt  }
0x71: {  	_ =	shalt  }
0x72: {  	_ =	shalt  }
0x73: {  	_ =	shalt  }
0x74: {  	_ =	shalt  }
0x75: {  	_ =	shalt  }
0x76: {  	_ =	shalt  }
0x77: {  	_ =	shalt  }
0x78: {  	_ =	shalt  }
0x79: {  	_ =	shalt  }
0x7a: {  	_ =	shalt  }
0x7b: {  	_ =	shalt  }
0x7c: {  	_ =	shalt  }
0x7d: {  	_ =	shalt  }
0x7e: {  	_ =	shalt  }
0x7f: {  	_ =	shalt  }
0x80: {  	_ =	shalt  }
0x81: {  	_ =	shalt  }
0x82: {  	_ =	shalt  }
0x83: {  	_ =	shalt  }
0x84: {  	_ =	shalt  }
0x85: {  	_ =	shalt  }
0x86: {  	_ =	shalt  }
0x87: {  	_ =	shalt  }
.Lfunc_end0:
.L_simem_size_0:
called_computation.3_lowered:
.L_overlay_start_0:
0x88: {  	s2 =	sld [smem:$0x3FD9]  }
0x89: {  	s3 =	sld [smem:$0x3FFE];
	_ =	sdelay $0x1  }
0x8a: {  	s1 =	srdreg.scid  }
0x8b: {  	s0 =	sand.u32 $0x1, s1  }
0x8c: {  	s17 =	sshll.u32 s0, $0xA;
	s2 =	sadd.s32 s3, s2  }
0x8d: {  	s2 =	sadd.s32 s2, s17  }
0x8e: {  	[smem:$0x3FAD] =	sst s2  }
0x8f: {  	_ = 	snop  }
0x90: {  	(tm) =	ssettm $0x1  }
0x91: {  	s18 =	sld [smem:$0x3FFB];
	_ =	sdelay $0x3  }
0x92: {  	_ =	strace s18  }
0x93: {  	s2 =	sld [smem:$0x3FFC];
	_ =	sdelay $0x3  }
0x94: {  	_ =	strace s2  }
0x95: {  	s2 =	sld [smem:$0x3FFD];
	_ =	sdelay $0x3  }
0x96: {  	_ =	strace s2  }
0x97: {  	_ =	strace $0x8FFFFFFF  }
0x98: {  	s19 =	sld [smem:$0x3FDB];
	_ =	sdelay $0x1  }
0x99: {  	s20 =	simm.s32 $_scs_section_size  }
0x9a: {  	s4 =	simm.s32 $_size__tile_overlayer_lowered;
	s5 =	simm.s32 $_tile_overlayer_lowered  }
0x9b: {  	s6 =	simm.s32 $0x1BFF;
	s21 =	sshll.u32 s5, $0x1;
	s3 =	sadd.s32 s20, s19  }
0x9c: {  	s22 =	simm.s32 $0x0;
	s4 =	sshll.u32 s4, $0x1;
	s5 =	sadd.s32 s21, s3  }
0x9d: {  	[timem:s22], [sflag:s6] =	dma.local [hbm:s5], s4  }
0x9e: {  	_ =	swait.ge [sflag:s6], s4  }
0x9f: {  	s4 =	ssub.s32 $0x0, s4;
	[sflag:s6] =	ssyncset.done $0x0  }
0xa0: {  	[sflag:s6] =	ssyncadd.s32 s4;
	_ =	sdelay $0x1  }
0xa1: {  	s23 =	simm.s32 $0x1B8B  }
0xa2: {  	_ =	swait.ge [sflag:s23], $0x1  }
0xa3: {  	[sflag:s23] =	ssyncset.done $0x0  }
0xa4: {  	[sflag:s23] =	ssyncadd.s32 $0xFFFFFFFF  }
0xa5: {  	s4 =	sld [smem:$0x0]  }
0xa6: {  	s5 =	sand.u32 $0xFFFFFFFE, s1  }
0xa7: {  	p0 =	sne.s32 s1, s5  }
0xa8: {  	s5 =	sshll.u32 @p0 s5, $0xE  }
0xa9: {  	s5 =	sadd.s32 @p0 $0x11B8D, s5;
	s6 =	sshll.u32 @p0 s4, $0x11  }
0xaa: {  	s5 =	sor.u32 @p0 s6, s5  }
0xab: {  	[sflag:s5] =	ssyncadd.remote.s32 @p0 $0x1;
	_ =	sdelay $0x1  }
0xac: {  	s5 =	simm.s32 @p0 $0x1B8D  }
0xad: {  	_ =	swait.eq @p0 [sflag:s5], $0x1  }
0xae: {  	[sflag:s5] =	ssyncadd.s32 @p0 $0xFFFFFFFF  }
0xaf: {  	s6 =	sshll.u32 @!p0 s1, $0xE  }
0xb0: {  	s6 =	sor.u32 @!p0 $0x4000, s6;
	s5 =	simm.s32 @!p0 $0x1B8D  }
0xb1: {  	s4 =	sshll.u32 @!p0 s4, $0x11;
	s6 =	sadd.s32 @!p0 $0x11B8D, s6;
	_ =	swait.eq @!p0 [sflag:s5], $0x1  }
0xb2: {  	s4 =	sor.u32 @!p0 s4, s6;
	[sflag:s5] =	ssyncadd.s32 @!p0 $0xFFFFFFFF  }
0xb3: {  	s25 =	simm.s32 $0x1B8E;
	s24 =	sld [smem:$0x3FFE];
	[sflag:s4] =	ssyncadd.remote.s32 @!p0 $0x1  }
0xb4: {  	s26 =	simm.s32 $execute0_lowered;
	[smem:$0x3FD2] =	sst s25  }
0xb5: {  	s5 =	sshll.u32 s26, $0x1;
	_ =	strace $0x8000004F;
	[dreg:$0x1] =	wrdreg $0xFFFFFFFF  }
0xb6: {  	s28 =	simm.s32 $_size_execute0_lowered;
	s3 =	sadd.s32 s3, s5;
	[dreg:$0x0] =	wrdreg $0x0  }
0xb7: {  	s5 =	sshll.u32 s28, $0x1;
	[dreg:$0x2] =	wrdreg s3  }
0xb8: {  	[dreg:$0x3] =	wrdreg s5  }
0xb9: {  	[dreg:$0x4] =	wrdreg $0xC0  }
0xba: {  	_ =	task [dreg:s22], $0x5FFFF  }
0xbb: {  	[dreg:$0x1] =	wrdreg $0xFFFFFFFF  }
0xbc: {  	[dreg:$0x0] =	wrdreg $0x60  }
0xbd: {  	[dreg:$0x2] =	wrdreg s24  }
0xbe: {  	[dreg:$0x3] =	wrdreg $0xC  }
0xbf: {  	_ =	task.clear_ibuf [dreg:s22], $0x4FFFF;
	_ =	strace $0x9000004F  }
0xc0: {  	s29 =	simm.s32 $0xC;
	_ =	strace $0x80000051  }
0xc1: {  	_ =	swait.ge [sflag:s29], $0x1  }
0xc2: {  	[sflag:s29] =	ssyncadd.s32 $0xFFFFFFFF  }
0xc3: {  	_ =	strace $0x90000051  }
0xc4: {  	_ =	sfence  }
0xc5: {  	s30 =	sld [smem:$0x0];
	_ =	sdelay $0x2  }
0xc6: {  	s31 =	sshll.u32 s1, $0xD;
	s1 =	sshrl.u32 s1, $0x2  }
0xc7: {  	s4 =	sand.u32 $0x4000, s31;
	s1 =	sadd.s32 s1, s30  }
0xc8: {  	s0 =	sor.u32 s4, s0;
	s1 =	sshll.u32 s1, $0x11  }
0xc9: {  	s0 =	sor.u32 s1, s0  }
0xca: {  	s0 =	sadd.s32 $0x8F2B, s0  }
0xcb: {  	[sflag:s0] =	ssyncadd.remote.s32 $0x1  }
0xcc: {  	_ =	sfence.sel $0xFFFF  }
0xcd: {  	[dreg:$0x0] =	wrdreg $0xFFFFFFFF;
	(pc) =	sbr.abs _section_cstart, $3  }
0xce: {  	[dreg:$0x1] =	wrdreg $0xFFFFFFFF  }
0xcf: {  	_ =	task.clear_ibuf [dreg:s22], $0x2FFFF;
	_ =	strace $0x9FFFFFFF  }
0xd0: {  	(tm) =	ssettm $0x7FFFFFFF  }
0xd1: {  	_ =	shalt  }
tec
execute0_lowered:
.L_overlay_start_1:
0x0: {  	(tag) =	ssettag $0x1  }
0x1: {  	s1 =	srdreg.scid;
	s0 =	stileid.u32  }
0x2: {  	s19 =	sand.u32 $0x1, s1;
	s31 =	sshll.u32 s0, $0x1  }
0x3: {  	s18 =	sor.u32 s19, s31  }
0x4: {  	s20 =	rddreg [dreg:$0x0];
	s3 =	smul.u32 $0x60, s18  }
0x5: {  	s2 =	simm.s32 $0x0;
	s1 =	rddreg [dreg:$0x1]  }
0x6: {  	[smem:$0x7FF] =	sst s2;
	s3 =	sadd.s32 s3, s20  }
0x7: {  	_ =	strace $0x80000050;
	s4 =	sadd.s32 $0x7AA00, s3;
	s3 =	simm.s32 $0x2  }
0x8: {  	[tilespmem:s2], [sflag:$0x2] =	stream.linear.gather [hbm4b:s4+s2], $0x300, $0x38;
	[tilespmem:$0x6300] =	vst v63  }
0x9: {  	_ =	swait.ge [sflag:s3], $0x300  }
0xa: {  	s6 =	simm.s32 $0x80;
	[sflag:s3] =	ssyncset.done $0x0  }
0xb: {  	s7 =	simm.s32 $0x300;
	s5 =	sadd.s32 $0x37000, s20;
	[sflag:s3] =	ssyncadd.s32 $0xFFFFFD00  }
0xc: {  	[tilespmem:s7], [sflag:$0x1] =	stream.indirect.gather [hbm4b:s5+s6], $0x20, s2, s6, $0xb8;
	[tilespmem:$0x6300] =	vst v63  }
0xd: {  	s8 =	simm.s32 $0x1300  }
0xe: {  	[tilespmem:s8], [sflag:$0x1] =	stream.indirect.gather [hbm4b:s5+s6], $0x20, s6, s6, $0xb8;
	[tilespmem:$0x6300] =	vst v63  }
0xf: {  	s9 =	simm.s32 $0x100;
	s10 =	simm.s32 $0x2300  }
0x10: {  	[tilespmem:s10], [sflag:$0x1] =	stream.indirect.gather [hbm4b:s5+s6], $0x20, s9, s6, $0xb8;
	[tilespmem:$0x6300] =	vst v63  }
0x11: {  	s11 =	simm.s32 $0x180;
	s12 =	simm.s32 $0x3300  }
0x12: {  	[tilespmem:s12], [sflag:$0x1] =	stream.indirect.gather [hbm4b:s5+s6], $0x20, s11, s6, $0xb8;
	[tilespmem:$0x6300] =	vst v63  }
0x13: {  	s13 =	simm.s32 $0x200;
	s14 =	simm.s32 $0x4300  }
0x14: {  	[tilespmem:s14], [sflag:$0x1] =	stream.indirect.gather [hbm4b:s5+s6], $0x20, s13, s6, $0xb8;
	[tilespmem:$0x6300] =	vst v63  }
0x15: {  	s15 =	simm.s32 $0x280;
	s16 =	simm.s32 $0x5300;
	s17 =	simm.s32 $0x1  }
0x16: {  	[tilespmem:s16], [sflag:$0x1] =	stream.indirect.gather [hbm4b:s5+s6], $0x20, s15, s6, $0xb8;
	[tilespmem:$0x6300] =	vst v63  }
0x17: {  	_ =	swait.ge [sflag:s17], $0x1000  }
0x18: {  	[sflag:s17] =	ssyncset.done $0x0  }
0x19: {  	[sflag:s17] =	ssyncadd.s32 $0xFFFFF000  }
0x1a: {  	_ =	swait.ge [sflag:s17], $0x1000  }
0x1b: {  	[sflag:s17] =	ssyncset.done $0x0  }
0x1c: {  	[sflag:s17] =	ssyncadd.s32 $0xFFFFF000  }
0x1d: {  	_ =	swait.ge [sflag:s17], $0x1000  }
0x1e: {  	[sflag:s17] =	ssyncset.done $0x0  }
0x1f: {  	[sflag:s17] =	ssyncadd.s32 $0xFFFFF000  }
0x20: {  	_ =	swait.ge [sflag:s17], $0x1000  }
0x21: {  	[sflag:s17] =	ssyncset.done $0x0  }
0x22: {  	[sflag:s17] =	ssyncadd.s32 $0xFFFFF000  }
0x23: {  	_ =	swait.ge [sflag:s17], $0x1000  }
0x24: {  	[sflag:s17] =	ssyncset.done $0x0  }
0x25: {  	[sflag:s17] =	ssyncadd.s32 $0xFFFFF000  }
0x26: {  	s18 =	sshll.u32 s18, $0xA;
	_ =	swait.ge [sflag:s17], $0x1000  }
0x27: {  	s20 =	sadd.s32 s18, s20;
	[sflag:s17] =	ssyncset.done $0x0  }
0x28: {  	s21 =	ssub.s32 $0x2, s19;
	s18 =	sadd.s32 $0x7B600, s20;
	[sflag:s17] =	ssyncadd.s32 $0xFFFFF000  }
0x29: {  	[hbm4b:s18+s2] =	stream.linear.scatter [tilespmem:s7], [sflag:$0x2], $0x2000, $0x38;
	[tilespmem:$0x6300] =	vst v63  }
0x2a: {  	s22 =	sshrl.u32 s21, $0x1;
	_ =	swait.ge [sflag:s3], $0x2000  }
0x2b: {  	s21 =	ssub.s32 s21, s22;
	[sflag:s3] =	ssyncset.done $0x0  }
0x2c: {  	s21 =	smax.u32 s21, $0x1;
	s19 =	sadd.s32 $0x83600, s20;
	[sflag:s3] =	ssyncadd.s32 $0xFFFFE000  }
0x2d: {  	[hbm4b:s19+s2] =	stream.linear.scatter [tilespmem:s10], [sflag:$0x2], $0x2000, $0x38;
	[tilespmem:$0x6300] =	vst v63  }
0x2e: {  	p0 =	sne.s32 s21, $0x1;
	_ =	swait.ge [sflag:s3], $0x2000  }
.Ltmp0:
0x2f: {  	[sflag:s3] =	ssyncset.done $0x0;
	(pc) =	sbr.rel @!p0 .LBB2_2-.Ltmp0, $4  }
0x30: {  	s20 =	sadd.s32 $0x8B600, s20;
	[sflag:s3] =	ssyncadd.s32 $0xFFFFE000  }
0x31: {  	[hbm4b:s20+s2] =	stream.linear.scatter [tilespmem:s14], [sflag:$0x2], $0x2000, $0x38;
	[tilespmem:$0x6300] =	vst v63  }
0x32: {  	_ =	swait.ge [sflag:s3], $0x2000  }
0x33: {  	s21 =	sadd.s32 $0xFFFFFFFF, s21;
	[sflag:s3] =	ssyncset.done $0x0  }
.LBB2_1:
0x34: {  	p0 =	sne.s32 s21, $0x1;
	s21 =	sadd.s32 $0xFFFFFFFF, s21;
	[sflag:s3] =	ssyncadd.s32 $0xFFFFE000  }
0x35: {  	[tilespmem:s2], [sflag:$0x2] =	stream.linear.gather [hbm4b:s4+s2], $0x300, $0x38;
	[tilespmem:$0x6300] =	vst v63  }
0x36: {  	_ =	swait.ge [sflag:s3], $0x300  }
0x37: {  	[sflag:s3] =	ssyncset.done $0x0  }
0x38: {  	[sflag:s3] =	ssyncadd.s32 $0xFFFFFD00  }
0x39: {  	[tilespmem:s7], [sflag:$0x1] =	stream.indirect.gather [hbm4b:s5+s6], $0x20, s2, s6, $0xb8;
	[tilespmem:$0x6300] =	vst v63  }
0x3a: {  	_ = 	snop  }
0x3b: {  	[tilespmem:s8], [sflag:$0x1] =	stream.indirect.gather [hbm4b:s5+s6], $0x20, s6, s6, $0xb8;
	[tilespmem:$0x6300] =	vst v63  }
0x3c: {  	_ = 	snop  }
0x3d: {  	[tilespmem:s10], [sflag:$0x1] =	stream.indirect.gather [hbm4b:s5+s6], $0x20, s9, s6, $0xb8;
	[tilespmem:$0x6300] =	vst v63  }
0x3e: {  	_ = 	snop  }
0x3f: {  	[tilespmem:s12], [sflag:$0x1] =	stream.indirect.gather [hbm4b:s5+s6], $0x20, s11, s6, $0xb8;
	[tilespmem:$0x6300] =	vst v63  }
0x40: {  	_ = 	snop  }
0x41: {  	[tilespmem:s14], [sflag:$0x1] =	stream.indirect.gather [hbm4b:s5+s6], $0x20, s13, s6, $0xb8;
	[tilespmem:$0x6300] =	vst v63  }
0x42: {  	_ = 	snop  }
0x43: {  	[tilespmem:s16], [sflag:$0x1] =	stream.indirect.gather [hbm4b:s5+s6], $0x20, s15, s6, $0xb8;
	[tilespmem:$0x6300] =	vst v63  }
0x44: {  	_ =	swait.ge [sflag:s17], $0x1000  }
0x45: {  	[sflag:s17] =	ssyncset.done $0x0  }
0x46: {  	[sflag:s17] =	ssyncadd.s32 $0xFFFFF000  }
0x47: {  	_ =	swait.ge [sflag:s17], $0x1000  }
0x48: {  	[sflag:s17] =	ssyncset.done $0x0  }
0x49: {  	[sflag:s17] =	ssyncadd.s32 $0xFFFFF000  }
0x4a: {  	_ =	swait.ge [sflag:s17], $0x1000  }
0x4b: {  	[sflag:s17] =	ssyncset.done $0x0  }
0x4c: {  	[sflag:s17] =	ssyncadd.s32 $0xFFFFF000  }
0x4d: {  	_ =	swait.ge [sflag:s17], $0x1000  }
0x4e: {  	[sflag:s17] =	ssyncset.done $0x0  }
0x4f: {  	[sflag:s17] =	ssyncadd.s32 $0xFFFFF000  }
0x50: {  	_ =	swait.ge [sflag:s17], $0x1000  }
0x51: {  	[sflag:s17] =	ssyncset.done $0x0  }
0x52: {  	[sflag:s17] =	ssyncadd.s32 $0xFFFFF000  }
0x53: {  	_ =	swait.ge [sflag:s17], $0x1000  }
0x54: {  	[sflag:s17] =	ssyncset.done $0x0  }
0x55: {  	[sflag:s17] =	ssyncadd.s32 $0xFFFFF000  }
0x56: {  	[hbm4b:s18+s2] =	stream.linear.scatter [tilespmem:s7], [sflag:$0x2], $0x2000, $0x38;
	[tilespmem:$0x6300] =	vst v63  }
0x57: {  	_ =	swait.ge [sflag:s3], $0x2000  }
0x58: {  	[sflag:s3] =	ssyncset.done $0x0  }
0x59: {  	[sflag:s3] =	ssyncadd.s32 $0xFFFFE000  }
0x5a: {  	[hbm4b:s19+s2] =	stream.linear.scatter [tilespmem:s10], [sflag:$0x2], $0x2000, $0x38;
	[tilespmem:$0x6300] =	vst v63  }
0x5b: {  	_ =	swait.ge [sflag:s3], $0x2000  }
.Ltmp1:
0x5c: {  	[sflag:s3] =	ssyncset.done $0x0;
	(pc) =	sbr.rel @p0 .LBB2_1-.Ltmp1, $4  }
0x5d: {  	[sflag:s3] =	ssyncadd.s32 $0xFFFFE000  }
0x5e: {  	[hbm4b:s20+s2] =	stream.linear.scatter [tilespmem:s14], [sflag:$0x2], $0x2000, $0x38;
	[tilespmem:$0x6300] =	vst v63  }
0x5f: {  	_ =	swait.ge [sflag:s3], $0x2000  }
0x60: {  	[sflag:s3] =	ssyncset.done $0x0  }
.LBB2_2:
0x61: {  	[sflag:s3] =	ssyncadd.s32 $0xFFFFE000  }
0x62: {  	_ =	sfence.sel $0x180000  }
0x63: {  	[bflag:$0x0] =	sbarrier.arrive $0xFFFF  }
0x64: {  	p0 =	sne.s32 s0, $0x0;
	_ =	strace $0x90000050  }
0x65: {  	s0 =	sadd.s32 @!p0 $0x100000, s1;
	[bflag:$0x2] =	sbarrier.arrive $0xFFFF  }
0x66: {  	[sflag:s0] =	ssyncadd.tile.s32 @!p0 $0x1;
	_ =	shalt  }
.Lfunc_end2:
_tile_overlayer_lowered:
.L_overlay_start_2:
0x67: {  	(tag) =	ssettag $0x2  }
0x68: {  	s0 =	rddreg [dreg:$0x0];
	s2 =	stileid.u32  }
0x69: {  	s1 =	rddreg [dreg:$0x1];
	p0 =	sne.s32 s2, $0x0  }
0x6a: {  	s3 =	rddreg [dreg:$0x2];
	[bflag:$0x3] =	sbarrier.arrive $0xFFFF;
	s2 =	simm.s32 @!p0 $0x1C02  }
0x6b: {  	[timem:s3], [sflag:s2] =	dma.local @!p0 [hbm:s0], s1  }
0x6c: {  	s0 =	simm.s32 @!p0 $0x2  }
0x6d: {  	_ =	swait.ge @!p0 [sflag:s0], s1  }
0x6e: {  	s1 =	ssub.s32 @!p0 $0x0, s1;
	[sflag:s0] =	ssyncset.done @!p0 $0x0  }
0x6f: {  	[sflag:s0] =	ssyncadd.s32 @!p0 s1  }
0x70: {  	[bflag:$0x3] =	sbarrier.arrive $0xFFFF  }
0x71: {  	_ =	shalt  }

// kernel: kernel.8.cloned.1.call-start
scs
__scs_entry_jumppad:
0x0: {  	(pc) =	sbr.rel $0x88, $3  }
0x1: {  	(tag) =	ssettag $0x0;
	lr =	simm.s32 $0x1  }
0x2: {  	[smem:$0x3F86] =	sst lr;
	_ =	strace $0xD0000000  }
0x3: {  	_ = 	snop  }
0x4: {  	_ = 	snop  }
0x5: {  	_ = 	snop  }
0x6: {  	_ = 	snop  }
0x7: {  	_ = 	snop  }
__scs_overlays_trampoline_lowered:
0x8: {  	[smem:$0x3F95] =	sst s0  }
0x9: {  	[smem:$0x3F96] =	sst s1  }
0xa: {  	[smem:$0x3F97] =	sst s2  }
0xb: {  	[smem:$0x3F98] =	sst s3  }
0xc: {  	[smem:$0x3F99] =	sst s4  }
0xd: {  	[smem:$0x3F9A] =	sst s5  }
0xe: {  	[smem:$0x3F9B] =	sst s6  }
0xf: {  	[smem:$0x3F9C] =	sst s7  }
0x10: {  	[smem:$0x3F9D] =	sst s8  }
0x11: {  	[smem:$0x3F9E] =	sst s9;
	s0 =	simm.s32 @!p0 $0x0  }
0x12: {  	s1 =	sld [smem:$0x3F84];
	s0 =	simm.s32 @p0 $0x1  }
0x13: {  	[smem:$0x3F9F] =	sst s0;
	s0 =	simm.s32 @!p1 $0x0  }
0x14: {  	s2 =	sld [smem:$0x3F83];
	s0 =	simm.s32 @p1 $0x1  }
0x15: {  	[smem:$0x3FA0] =	sst s0;
	s0 =	simm.s32 @!p2 $0x0  }
0x16: {  	s3 =	sld [smem:$0x3FDB];
	s0 =	simm.s32 @p2 $0x1  }
0x17: {  	s4 =	simm.s32 $0x1BF5;
	[smem:$0x3FA2] =	sst s0  }
0x18: {  	s0 =	sld [smem:$0x3F85];
	_ =	swait.ge [sflag:s4], $0x0  }
0x19: {  	s7 =	sld [smem:$0x3F86]  }
0x1a: {  	s8 =	sadd.s32 $0xFFFFE003, lr  }
0x1b: {  	s9 =	sadd.s32 $0xFFFFFEF7, lr;
	s5 =	simm.s32 $0xFFFFFFFF;
	p2 =	slt.u32 s8, $0xFFFFF086  }
0x1c: {  	p1 =	slt.u32 s9, $0xF7A;
	s5 =	simm.s32 @!p2 $0x0  }
0x1d: {  	s5 =	simm.s32 @p1 $0x1;
	p0 =	seq.s32 s7, s2  }
0x1e: {  	s7 =	smul.u32 @!p0 $0xF7A, s2;
	p2 =	seq.s32 @!p0 s5, $0x0  }
0x1f: {  	s9 =	smul.u32 $0xF7A, s1;
	s8 =	simm.s32 @!p0 $0x1BF5;
	p2 =	por !p2, p0  }
0x20: {  	[sflag:s8] =	ssyncset.s32 @!p0 $0xFFFFF086;
	s6 =	sadd.s32 @!p0 s3, s7;
	s7 =	simm.s32 @!p0 $0x108  }
0x21: {  	s3 =	sadd.s32 s3, s9;
	s6 =	sadd.s32 @!p0 $0x88, s6;
	s7 =	simm.s32 @p2 $0x1082  }
0x22: {  	[simem:s7], [sflag:s8] =	dma.local @!p0 [hbm:s6], $0xF7A  }
0x23: {  	s9 =	sor.u32 $0xD0000000, s2;
	s6 =	simm.s32 $0x108;
	_ =	swait.ge @!p0 [sflag:s8], $0x0  }
0x24: {  	s3 =	sadd.s32 $0x88, s3;
	s6 =	simm.s32 @!p1 $0x1082;
	[sflag:s4] =	ssyncset.s32 $0xFFFFF086  }
0x25: {  	[simem:s6], [sflag:s4] =	dma.local [hbm:s3], $0xF7A  }
0x26: {  	[smem:$0x3F86] =	sst s1;
	(tag) =	ssettag s2;
	_ =	strace s9  }
0x27: {  	s1 =	sld [smem:$0x3F96]  }
0x28: {  	s2 =	sld [smem:$0x3F97]  }
0x29: {  	s4 =	sld [smem:$0x3F99]  }
0x2a: {  	p0 =	seq.s32 s5, $0x0;
	s5 =	sld [smem:$0x3F9A]  }
0x2b: {  	s6 =	sld [smem:$0x3F9B]  }
0x2c: {  	s7 =	sld [smem:$0x3F9C]  }
0x2d: {  	s3 =	simm.s32 $0x108;
	s8 =	sld [smem:$0x3F9D]  }
0x2e: {  	s3 =	simm.s32 @!p0 $0x1082;
	s9 =	sld [smem:$0x3F9E]  }
0x2f: {  	lr =	sadd.s32 s0, s3;
	s0 =	sld [smem:$0x3F95]  }
0x30: {  	s3 =	sld [smem:$0x3F98]  }
0x31: {  	[smem:$0x3FA1] =	sst s10  }
0x32: {  	s10 =	sld [smem:$0x3F9F];
	_ =	sdelay $0x3  }
0x33: {  	p0 =	seq.s32 s10, $0x1;
	s10 =	sld [smem:$0x3FA1];
	_ =	sdelay $0x3  }
0x34: {  	[smem:$0x3FA1] =	sst s10  }
0x35: {  	s10 =	sld [smem:$0x3FA0];
	_ =	sdelay $0x3  }
0x36: {  	p1 =	seq.s32 s10, $0x1;
	s10 =	sld [smem:$0x3FA1];
	_ =	sdelay $0x3  }
0x37: {  	[smem:$0x3FA1] =	sst s10  }
0x38: {  	s10 =	sld [smem:$0x3FA2]  }
0x39: {  	_ = 	snop;
	(pc) =	sbr.ind lr, $3  }
0x3a: {  	_ = 	snop  }
0x3b: {  	_ = 	snop  }
0x3c: {  	p2 =	seq.s32 s10, $0x1;
	s10 =	sld [smem:$0x3FA1]  }
0x3d: {  	_ =	shalt  }
0x3e: {  	_ =	shalt  }
0x3f: {  	_ =	shalt  }
0x40: {  	_ =	shalt  }
0x41: {  	_ =	shalt  }
0x42: {  	_ =	shalt  }
0x43: {  	_ =	shalt  }
0x44: {  	_ =	shalt  }
0x45: {  	_ =	shalt  }
0x46: {  	_ =	shalt  }
0x47: {  	_ =	shalt  }
0x48: {  	_ =	shalt  }
0x49: {  	_ =	shalt  }
0x4a: {  	_ =	shalt  }
0x4b: {  	_ =	shalt  }
0x4c: {  	_ =	shalt  }
0x4d: {  	_ =	shalt  }
0x4e: {  	_ =	shalt  }
0x4f: {  	_ =	shalt  }
0x50: {  	_ =	shalt  }
0x51: {  	_ =	shalt  }
0x52: {  	_ =	shalt  }
0x53: {  	_ =	shalt  }
0x54: {  	_ =	shalt  }
0x55: {  	_ =	shalt  }
0x56: {  	_ =	shalt  }
0x57: {  	_ =	shalt  }
0x58: {  	_ =	shalt  }
0x59: {  	_ =	shalt  }
0x5a: {  	_ =	shalt  }
0x5b: {  	_ =	shalt  }
0x5c: {  	_ =	shalt  }
0x5d: {  	_ =	shalt  }
0x5e: {  	_ =	shalt  }
0x5f: {  	_ =	shalt  }
0x60: {  	_ =	shalt  }
0x61: {  	_ =	shalt  }
0x62: {  	_ =	shalt  }
0x63: {  	_ =	shalt  }
0x64: {  	_ =	shalt  }
0x65: {  	_ =	shalt  }
0x66: {  	_ =	shalt  }
0x67: {  	_ =	shalt  }
0x68: {  	_ =	shalt  }
0x69: {  	_ =	shalt  }
0x6a: {  	_ =	shalt  }
0x6b: {  	_ =	shalt  }
0x6c: {  	_ =	shalt  }
0x6d: {  	_ =	shalt  }
0x6e: {  	_ =	shalt  }
0x6f: {  	_ =	shalt  }
0x70: {  	_ =	shalt  }
0x71: {  	_ =	shalt  }
0x72: {  	_ =	shalt  }
0x73: {  	_ =	shalt  }
0x74: {  	_ =	shalt  }
0x75: {  	_ =	shalt  }
0x76: {  	_ =	shalt  }
0x77: {  	_ =	shalt  }
0x78: {  	_ =	shalt  }
0x79: {  	_ =	shalt  }
0x7a: {  	_ =	shalt  }
0x7b: {  	_ =	shalt  }
0x7c: {  	_ =	shalt  }
0x7d: {  	_ =	shalt  }
0x7e: {  	_ =	shalt  }
0x7f: {  	_ =	shalt  }
0x80: {  	_ =	shalt  }
0x81: {  	_ =	shalt  }
0x82: {  	_ =	shalt  }
0x83: {  	_ =	shalt  }
0x84: {  	_ =	shalt  }
0x85: {  	_ =	shalt  }
0x86: {  	_ =	shalt  }
0x87: {  	_ =	shalt  }
.Lfunc_end0:
.L_simem_size_0:
called_computation_lowered:
.L_overlay_start_0:
0x88: {  	s2 =	sld [smem:$0x3FD9]  }
0x89: {  	s3 =	sld [smem:$0x3FFE];
	_ =	sdelay $0x1  }
0x8a: {  	s1 =	srdreg.scid  }
0x8b: {  	s0 =	sand.u32 $0x1, s1  }
0x8c: {  	s16 =	sshll.u32 s0, $0xA;
	s2 =	sadd.s32 s3, s2  }
0x8d: {  	s2 =	sadd.s32 s2, s16  }
0x8e: {  	[smem:$0x3FAD] =	sst s2  }
0x8f: {  	_ = 	snop  }
0x90: {  	(tm) =	ssettm $0x1  }
0x91: {  	s17 =	sld [smem:$0x3FFB];
	_ =	sdelay $0x3  }
0x92: {  	_ =	strace s17  }
0x93: {  	s2 =	sld [smem:$0x3FFC];
	_ =	sdelay $0x3  }
0x94: {  	_ =	strace s2  }
0x95: {  	s2 =	sld [smem:$0x3FFD];
	_ =	sdelay $0x3  }
0x96: {  	_ =	strace s2  }
0x97: {  	_ =	strace $0x8FFFFFFF  }
0x98: {  	s18 =	sld [smem:$0x3FDB];
	_ =	sdelay $0x1  }
0x99: {  	s19 =	simm.s32 $_scs_section_size  }
0x9a: {  	s4 =	simm.s32 $_size__tile_overlayer_lowered;
	s5 =	simm.s32 $_tile_overlayer_lowered  }
0x9b: {  	s22 =	simm.s32 $0x1BFF;
	s21 =	sshll.u32 s5, $0x1;
	s2 =	sadd.s32 s19, s18  }
0x9c: {  	s6 =	simm.s32 $0x0;
	s20 =	sshll.u32 s4, $0x1;
	s4 =	sadd.s32 s21, s2  }
0x9d: {  	[timem:s6], [sflag:s22] =	dma.local [hbm:s4], s20  }
0x9e: {  	_ =	swait.ge [sflag:s22], s20  }
0x9f: {  	s3 =	ssub.s32 $0x0, s20;
	[sflag:s22] =	ssyncset.done $0x0  }
0xa0: {  	[sflag:s22] =	ssyncadd.s32 s3;
	_ =	sdelay $0x1  }
0xa1: {  	s23 =	simm.s32 $0x1B8B  }
0xa2: {  	_ =	swait.ge [sflag:s23], $0x1  }
0xa3: {  	[sflag:s23] =	ssyncset.done $0x0  }
0xa4: {  	s25 =	simm.s32 $0x1B8E;
	s24 =	sld [smem:$0x3FFE];
	[sflag:s23] =	ssyncadd.s32 $0xFFFFFFFF  }
0xa5: {  	s26 =	simm.s32 $execute0_lowered;
	[smem:$0x3FD2] =	sst s25  }
0xa6: {  	s4 =	sshll.u32 s26, $0x1;
	_ =	strace $0x80000046;
	[dreg:$0x1] =	wrdreg $0xFFFFFFFF  }
0xa7: {  	s28 =	simm.s32 $_size_execute0_lowered;
	s2 =	sadd.s32 s2, s4;
	[dreg:$0x0] =	wrdreg $0x0  }
0xa8: {  	s4 =	sshll.u32 s28, $0x1;
	[dreg:$0x2] =	wrdreg s2  }
0xa9: {  	[dreg:$0x3] =	wrdreg s4  }
0xaa: {  	[dreg:$0x4] =	wrdreg $0xC0  }
0xab: {  	_ =	task [dreg:s6], $0x5FFFF  }
0xac: {  	[dreg:$0x1] =	wrdreg $0xFFFFFFFF  }
0xad: {  	[dreg:$0x0] =	wrdreg $0x60  }
0xae: {  	[dreg:$0x2] =	wrdreg s24  }
0xaf: {  	[dreg:$0x3] =	wrdreg $0x9  }
0xb0: {  	_ =	task.clear_ibuf [dreg:s6], $0x4FFFF;
	_ =	strace $0x90000046  }
0xb1: {  	s29 =	simm.s32 $0x9;
	_ =	strace $0x80000048  }
0xb2: {  	_ =	swait.ge [sflag:s29], $0x1  }
0xb3: {  	[sflag:s29] =	ssyncadd.s32 $0xFFFFFFFF  }
0xb4: {  	_ =	strace $0x90000048  }
0xb5: {  	_ =	sfence  }
0xb6: {  	s30 =	sld [smem:$0x0];
	_ =	sdelay $0x2  }
0xb7: {  	s31 =	sshll.u32 s1, $0xD;
	s1 =	sshrl.u32 s1, $0x2  }
0xb8: {  	s3 =	sand.u32 $0x4000, s31;
	s1 =	sadd.s32 s1, s30  }
0xb9: {  	s0 =	sor.u32 s3, s0;
	s1 =	sshll.u32 s1, $0x11  }
0xba: {  	s0 =	sor.u32 s1, s0  }
0xbb: {  	s0 =	sadd.s32 $0x8F2B, s0  }
0xbc: {  	[sflag:s0] =	ssyncadd.remote.s32 $0x1  }
0xbd: {  	_ =	sfence.sel $0xFFFF  }
0xbe: {  	[dreg:$0x0] =	wrdreg $0xFFFFFFFF;
	(pc) =	sbr.abs _section_cstart, $3  }
0xbf: {  	[dreg:$0x1] =	wrdreg $0xFFFFFFFF  }
0xc0: {  	_ =	task.clear_ibuf [dreg:s6], $0x2FFFF;
	_ =	strace $0x9FFFFFFF  }
0xc1: {  	(tm) =	ssettm $0x7FFFFFFF  }
tec
execute0_lowered:
.L_overlay_start_1:
0x0: {  	(tag) =	ssettag $0x1  }
0x1: {  	s1 =	srdreg.scid;
	s0 =	stileid.u32  }
0x2: {  	s24 =	sand.u32 $0x1, s1;
	s31 =	sshll.u32 s0, $0x1  }
0x3: {  	s22 =	rddreg [dreg:$0x0];
	s23 =	sor.u32 s24, s31  }
0x4: {  	s2 =	simm.s32 $0x0;
	s1 =	rddreg [dreg:$0x1];
	s3 =	sshll.u32 s23, $0x7  }
0x5: {  	[smem:$0x7FF] =	sst s2;
	s3 =	sadd.s32 s3, s22  }
0x6: {  	_ =	strace $0x80000047;
	s4 =	sadd.s32 $0x16000, s3;
	s3 =	simm.s32 $0x2  }
0x7: {  	[tilespmem:s2], [sflag:$0x2] =	stream.linear.gather [hbm4b:s4+s2], $0x400, $0x38;
	[tilespmem:$0x8400] =	vst v63  }
0x8: {  	_ =	swait.ge [sflag:s3], $0x400  }
0x9: {  	s6 =	simm.s32 $0x80;
	[sflag:s3] =	ssyncset.done $0x0  }
0xa: {  	s7 =	simm.s32 $0x400;
	s5 =	sadd.s32 $0x6600, s22;
	[sflag:s3] =	ssyncadd.s32 $0xFFFFFC00  }
0xb: {  	[tilespmem:s7], [sflag:$0x1] =	stream.indirect.gather [hbm4b:s5+s6], $0x20, s2, s6, $0xb8;
	[tilespmem:$0x8400] =	vst v63  }
0xc: {  	s8 =	simm.s32 $0x1400  }
0xd: {  	[tilespmem:s8], [sflag:$0x1] =	stream.indirect.gather [hbm4b:s5+s6], $0x20, s6, s6, $0xb8;
	[tilespmem:$0x8400] =	vst v63  }
0xe: {  	s9 =	simm.s32 $0x100;
	s10 =	simm.s32 $0x2400  }
0xf: {  	[tilespmem:s10], [sflag:$0x1] =	stream.indirect.gather [hbm4b:s5+s6], $0x20, s9, s6, $0xb8;
	[tilespmem:$0x8400] =	vst v63  }
0x10: {  	s11 =	simm.s32 $0x180;
	s12 =	simm.s32 $0x3400  }
0x11: {  	[tilespmem:s12], [sflag:$0x1] =	stream.indirect.gather [hbm4b:s5+s6], $0x20, s11, s6, $0xb8;
	[tilespmem:$0x8400] =	vst v63  }
0x12: {  	s13 =	simm.s32 $0x200;
	s14 =	simm.s32 $0x4400  }
0x13: {  	[tilespmem:s14], [sflag:$0x1] =	stream.indirect.gather [hbm4b:s5+s6], $0x20, s13, s6, $0xb8;
	[tilespmem:$0x8400] =	vst v63  }
0x14: {  	s15 =	simm.s32 $0x280;
	s16 =	simm.s32 $0x5400  }
0x15: {  	[tilespmem:s16], [sflag:$0x1] =	stream.indirect.gather [hbm4b:s5+s6], $0x20, s15, s6, $0xb8;
	[tilespmem:$0x8400] =	vst v63  }
0x16: {  	s17 =	simm.s32 $0x300;
	s18 =	simm.s32 $0x6400  }
0x17: {  	[tilespmem:s18], [sflag:$0x1] =	stream.indirect.gather [hbm4b:s5+s6], $0x20, s17, s6, $0xb8;
	[tilespmem:$0x8400] =	vst v63  }
0x18: {  	s19 =	simm.s32 $0x380;
	s20 =	simm.s32 $0x7400;
	s21 =	simm.s32 $0x1  }
0x19: {  	[tilespmem:s20], [sflag:$0x1] =	stream.indirect.gather [hbm4b:s5+s6], $0x20, s19, s6, $0xb8;
	[tilespmem:$0x8400] =	vst v63  }
0x1a: {  	_ =	swait.ge [sflag:s21], $0x1000  }
0x1b: {  	[sflag:s21] =	ssyncset.done $0x0  }
0x1c: {  	[sflag:s21] =	ssyncadd.s32 $0xFFFFF000  }
0x1d: {  	_ =	swait.ge [sflag:s21], $0x1000  }
0x1e: {  	[sflag:s21] =	ssyncset.done $0x0  }
0x1f: {  	[sflag:s21] =	ssyncadd.s32 $0xFFFFF000  }
0x20: {  	_ =	swait.ge [sflag:s21], $0x1000  }
0x21: {  	[sflag:s21] =	ssyncset.done $0x0  }
0x22: {  	[sflag:s21] =	ssyncadd.s32 $0xFFFFF000  }
0x23: {  	_ =	swait.ge [sflag:s21], $0x1000  }
0x24: {  	[sflag:s21] =	ssyncset.done $0x0  }
0x25: {  	[sflag:s21] =	ssyncadd.s32 $0xFFFFF000  }
0x26: {  	_ =	swait.ge [sflag:s21], $0x1000  }
0x27: {  	[sflag:s21] =	ssyncset.done $0x0  }
0x28: {  	[sflag:s21] =	ssyncadd.s32 $0xFFFFF000  }
0x29: {  	_ =	swait.ge [sflag:s21], $0x1000  }
0x2a: {  	[sflag:s21] =	ssyncset.done $0x0  }
0x2b: {  	[sflag:s21] =	ssyncadd.s32 $0xFFFFF000  }
0x2c: {  	_ =	swait.ge [sflag:s21], $0x1000  }
0x2d: {  	[sflag:s21] =	ssyncset.done $0x0  }
0x2e: {  	[sflag:s21] =	ssyncadd.s32 $0xFFFFF000  }
0x2f: {  	s23 =	sshll.u32 s23, $0xA;
	_ =	swait.ge [sflag:s21], $0x1000  }
0x30: {  	s25 =	sadd.s32 s23, s22;
	[sflag:s21] =	ssyncset.done $0x0  }
0x31: {  	s22 =	sadd.s32 $0x17000, s25;
	[sflag:s21] =	ssyncadd.s32 $0xFFFFF000  }
0x32: {  	[hbm4b:s22+s2] =	stream.linear.scatter [tilespmem:s7], [sflag:$0x2], $0x2000, $0x38;
	[tilespmem:$0x8400] =	vst v63  }
0x33: {  	_ =	swait.ge [sflag:s3], $0x2000  }
0x34: {  	[sflag:s3] =	ssyncset.done $0x0  }
0x35: {  	s26 =	ssub.s32 $0x2, s24;
	s23 =	sadd.s32 $0x1F000, s25;
	[sflag:s3] =	ssyncadd.s32 $0xFFFFE000  }
0x36: {  	[hbm4b:s23+s2] =	stream.linear.scatter [tilespmem:s10], [sflag:$0x2], $0x2000, $0x38;
	[tilespmem:$0x8400] =	vst v63  }
0x37: {  	s28 =	sshrl.u32 s26, $0x1;
	_ =	swait.ge [sflag:s3], $0x2000  }
0x38: {  	s26 =	ssub.s32 s26, s28;
	[sflag:s3] =	ssyncset.done $0x0  }
0x39: {  	s24 =	sadd.s32 $0x27000, s25;
	s26 =	smax.u32 s26, $0x1;
	[sflag:s3] =	ssyncadd.s32 $0xFFFFE000  }
0x3a: {  	[hbm4b:s24+s2] =	stream.linear.scatter [tilespmem:s14], [sflag:$0x2], $0x2000, $0x38;
	[tilespmem:$0x8400] =	vst v63  }
0x3b: {  	p0 =	sne.s32 s26, $0x1;
	_ =	swait.ge [sflag:s3], $0x2000  }
.Ltmp0:
0x3c: {  	[sflag:s3] =	ssyncset.done $0x0;
	(pc) =	sbr.rel @!p0 .LBB2_2-.Ltmp0, $4  }
0x3d: {  	s25 =	sadd.s32 $0x2F000, s25;
	[sflag:s3] =	ssyncadd.s32 $0xFFFFE000  }
0x3e: {  	[hbm4b:s25+s2] =	stream.linear.scatter [tilespmem:s18], [sflag:$0x2], $0x2000, $0x38;
	[tilespmem:$0x8400] =	vst v63  }
0x3f: {  	_ =	swait.ge [sflag:s3], $0x2000  }
0x40: {  	s26 =	sadd.s32 $0xFFFFFFFF, s26;
	[sflag:s3] =	ssyncset.done $0x0  }
.LBB2_1:
0x41: {  	p0 =	sne.s32 s26, $0x1;
	s26 =	sadd.s32 $0xFFFFFFFF, s26;
	[sflag:s3] =	ssyncadd.s32 $0xFFFFE000  }
0x42: {  	[tilespmem:s2], [sflag:$0x2] =	stream.linear.gather [hbm4b:s4+s2], $0x400, $0x38;
	[tilespmem:$0x8400] =	vst v63  }
0x43: {  	_ =	swait.ge [sflag:s3], $0x400  }
0x44: {  	[sflag:s3] =	ssyncset.done $0x0  }
0x45: {  	[sflag:s3] =	ssyncadd.s32 $0xFFFFFC00  }
0x46: {  	[tilespmem:s7], [sflag:$0x1] =	stream.indirect.gather [hbm4b:s5+s6], $0x20, s2, s6, $0xb8;
	[tilespmem:$0x8400] =	vst v63  }
0x47: {  	_ = 	snop  }
0x48: {  	[tilespmem:s8], [sflag:$0x1] =	stream.indirect.gather [hbm4b:s5+s6], $0x20, s6, s6, $0xb8;
	[tilespmem:$0x8400] =	vst v63  }
0x49: {  	_ = 	snop  }
0x4a: {  	[tilespmem:s10], [sflag:$0x1] =	stream.indirect.gather [hbm4b:s5+s6], $0x20, s9, s6, $0xb8;
	[tilespmem:$0x8400] =	vst v63  }
0x4b: {  	_ = 	snop  }
0x4c: {  	[tilespmem:s12], [sflag:$0x1] =	stream.indirect.gather [hbm4b:s5+s6], $0x20, s11, s6, $0xb8;
	[tilespmem:$0x8400] =	vst v63  }
0x4d: {  	_ = 	snop  }
0x4e: {  	[tilespmem:s14], [sflag:$0x1] =	stream.indirect.gather [hbm4b:s5+s6], $0x20, s13, s6, $0xb8;
	[tilespmem:$0x8400] =	vst v63  }
0x4f: {  	_ = 	snop  }
0x50: {  	[tilespmem:s16], [sflag:$0x1] =	stream.indirect.gather [hbm4b:s5+s6], $0x20, s15, s6, $0xb8;
	[tilespmem:$0x8400] =	vst v63  }
0x51: {  	_ = 	snop  }
0x52: {  	[tilespmem:s18], [sflag:$0x1] =	stream.indirect.gather [hbm4b:s5+s6], $0x20, s17, s6, $0xb8;
	[tilespmem:$0x8400] =	vst v63  }
0x53: {  	_ = 	snop  }
0x54: {  	[tilespmem:s20], [sflag:$0x1] =	stream.indirect.gather [hbm4b:s5+s6], $0x20, s19, s6, $0xb8;
	[tilespmem:$0x8400] =	vst v63  }
0x55: {  	_ =	swait.ge [sflag:s21], $0x1000  }
0x56: {  	[sflag:s21] =	ssyncset.done $0x0  }
0x57: {  	[sflag:s21] =	ssyncadd.s32 $0xFFFFF000  }
0x58: {  	_ =	swait.ge [sflag:s21], $0x1000  }
0x59: {  	[sflag:s21] =	ssyncset.done $0x0  }
0x5a: {  	[sflag:s21] =	ssyncadd.s32 $0xFFFFF000  }
0x5b: {  	_ =	swait.ge [sflag:s21], $0x1000  }
0x5c: {  	[sflag:s21] =	ssyncset.done $0x0  }
0x5d: {  	[sflag:s21] =	ssyncadd.s32 $0xFFFFF000  }
0x5e: {  	_ =	swait.ge [sflag:s21], $0x1000  }
0x5f: {  	[sflag:s21] =	ssyncset.done $0x0  }
0x60: {  	[sflag:s21] =	ssyncadd.s32 $0xFFFFF000  }
0x61: {  	_ =	swait.ge [sflag:s21], $0x1000  }
0x62: {  	[sflag:s21] =	ssyncset.done $0x0  }
0x63: {  	[sflag:s21] =	ssyncadd.s32 $0xFFFFF000  }
0x64: {  	_ =	swait.ge [sflag:s21], $0x1000  }
0x65: {  	[sflag:s21] =	ssyncset.done $0x0  }
0x66: {  	[sflag:s21] =	ssyncadd.s32 $0xFFFFF000  }
0x67: {  	_ =	swait.ge [sflag:s21], $0x1000  }
0x68: {  	[sflag:s21] =	ssyncset.done $0x0  }
0x69: {  	[sflag:s21] =	ssyncadd.s32 $0xFFFFF000  }
0x6a: {  	_ =	swait.ge [sflag:s21], $0x1000  }
0x6b: {  	[sflag:s21] =	ssyncset.done $0x0  }
0x6c: {  	[sflag:s21] =	ssyncadd.s32 $0xFFFFF000  }
0x6d: {  	[hbm4b:s22+s2] =	stream.linear.scatter [tilespmem:s7], [sflag:$0x2], $0x2000, $0x38;
	[tilespmem:$0x8400] =	vst v63  }
0x6e: {  	_ =	swait.ge [sflag:s3], $0x2000  }
0x6f: {  	[sflag:s3] =	ssyncset.done $0x0  }
0x70: {  	[sflag:s3] =	ssyncadd.s32 $0xFFFFE000  }
0x71: {  	[hbm4b:s23+s2] =	stream.linear.scatter [tilespmem:s10], [sflag:$0x2], $0x2000, $0x38;
	[tilespmem:$0x8400] =	vst v63  }
0x72: {  	_ =	swait.ge [sflag:s3], $0x2000  }
0x73: {  	[sflag:s3] =	ssyncset.done $0x0  }
0x74: {  	[sflag:s3] =	ssyncadd.s32 $0xFFFFE000  }
0x75: {  	[hbm4b:s24+s2] =	stream.linear.scatter [tilespmem:s14], [sflag:$0x2], $0x2000, $0x38;
	[tilespmem:$0x8400] =	vst v63  }
0x76: {  	_ =	swait.ge [sflag:s3], $0x2000  }
.Ltmp1:
0x77: {  	[sflag:s3] =	ssyncset.done $0x0;
	(pc) =	sbr.rel @p0 .LBB2_1-.Ltmp1, $4  }
0x78: {  	[sflag:s3] =	ssyncadd.s32 $0xFFFFE000  }
0x79: {  	[hbm4b:s25+s2] =	stream.linear.scatter [tilespmem:s18], [sflag:$0x2], $0x2000, $0x38;
	[tilespmem:$0x8400] =	vst v63  }
0x7a: {  	_ =	swait.ge [sflag:s3], $0x2000  }
0x7b: {  	[sflag:s3] =	ssyncset.done $0x0  }
.LBB2_2:
0x7c: {  	[sflag:s3] =	ssyncadd.s32 $0xFFFFE000  }
0x7d: {  	_ =	sfence.sel $0x180000  }
0x7e: {  	[bflag:$0x0] =	sbarrier.arrive $0xFFFF  }
0x7f: {  	p0 =	sne.s32 s0, $0x0;
	_ =	strace $0x90000047  }
0x80: {  	s0 =	sadd.s32 @!p0 $0x100000, s1;
	[bflag:$0x2] =	sbarrier.arrive $0xFFFF  }
0x81: {  	[sflag:s0] =	ssyncadd.tile.s32 @!p0 $0x1;
	_ =	shalt  }
.Lfunc_end2:
_tile_overlayer_lowered:
.L_overlay_start_2:
0x82: {  	(tag) =	ssettag $0x2  }
0x83: {  	s0 =	rddreg [dreg:$0x0];
	s2 =	stileid.u32  }
0x84: {  	s1 =	rddreg [dreg:$0x1];
	p0 =	sne.s32 s2, $0x0  }
0x85: {  	s3 =	rddreg [dreg:$0x2];
	[bflag:$0x3] =	sbarrier.arrive $0xFFFF;
	s2 =	simm.s32 @!p0 $0x1C02  }
0x86: {  	[timem:s3], [sflag:s2] =	dma.local @!p0 [hbm:s0], s1  }
0x87: {  	s0 =	simm.s32 @!p0 $0x2  }
0x88: {  	_ =	swait.ge @!p0 [sflag:s0], s1  }
0x89: {  	s1 =	ssub.s32 @!p0 $0x0, s1;
	[sflag:s0] =	ssyncset.done @!p0 $0x0  }
0x8a: {  	[sflag:s0] =	ssyncadd.s32 @!p0 s1  }
0x8b: {  	[bflag:$0x3] =	sbarrier.arrive $0xFFFF  }
0x8c: {  	_ =	shalt  }

</sc_bundles>
